<compile_context>
chip_gen: v7x
topology: tpu7x:2x2x1
jax: 0.10.2.dev20260603
libtpu: 0.0.44.dev20260713+nightly
codegen_flags: <defaults>
</compile_context>

<pallas_src>
import functools

import jax
import jax.numpy as jnp
from jax import lax
from jax.experimental import pallas as pl
from jax.experimental.pallas import tpu as pltpu
from jax.experimental.pallas import tpu_sc as plsc

_NC = 2
_NS = 16


def _sc_gather(word_table, token_indices):
    V, D = word_table.shape
    (B,) = token_indices.shape
    NW = _NC * _NS
    b_per_w = B // NW
    C = 32
    n_chunks = b_per_w // C

    mesh = plsc.VectorSubcoreMesh(core_axis_name="c", subcore_axis_name="s")

    @functools.partial(
        pl.kernel,
        mesh=mesh,
        out_type=jax.ShapeDtypeStruct((B, D), jnp.float32),
        scratch_types=[
            pltpu.VMEM((b_per_w,), jnp.int32),
            pltpu.VMEM((C, D), jnp.float32),
            pltpu.VMEM((C, D), jnp.float32),
            pltpu.SemaphoreType.DMA,
            pltpu.SemaphoreType.DMA,
            pltpu.SemaphoreType.DMA,
            pltpu.SemaphoreType.DMA,
        ],
    )
    def gather_kernel(table_hbm, idx_hbm, out_hbm, idx_v, f0, f1,
                      g0, g1, s0, s1):
        wid = lax.axis_index("s") * _NC + lax.axis_index("c")
        base = wid * b_per_w
        pltpu.sync_copy(idx_hbm.at[pl.ds(base, b_per_w)], idx_v)

        fbufs = (f0, f1)
        gsems = (g0, g1)
        ssems = (s0, s1)

        def start_gather(i):
            pltpu.make_async_copy(
                table_hbm.at[idx_v.at[pl.ds(i * C, C)]], fbufs[i % 2],
                gsems[i % 2]).start()

        def wait_gather(i):
            pltpu.make_async_copy(
                table_hbm.at[idx_v.at[pl.ds(i * C, C)]], fbufs[i % 2],
                gsems[i % 2]).wait()

        def start_out(i):
            pltpu.make_async_copy(
                fbufs[i % 2], out_hbm.at[pl.ds(base + i * C, C)],
                ssems[i % 2]).start()

        def wait_out(i):
            pltpu.make_async_copy(
                fbufs[i % 2], out_hbm.at[pl.ds(base + i * C, C)],
                ssems[i % 2]).wait()

        start_gather(0)
        for i in range(n_chunks):
            if i + 1 < n_chunks:
                if i >= 1:
                    wait_out(i - 1)
                start_gather(i + 1)
            wait_gather(i)
            start_out(i)
        wait_out(n_chunks - 2)
        wait_out(n_chunks - 1)

    return gather_kernel(word_table, token_indices)


def _tc_matmul_chunk(prev, packed_k, tag3_k, w1wp, w1t, ttbf, b2, tile_off,
                     N, TILE):
    chunk, _ = packed_k.shape
    CD, D = w1wp.shape
    TAGS, TD = ttbf.shape
    tiles = chunk // TILE

    def body(*refs):
        if prev is None:
            tok_ref, tag_ref, w1_ref, w1t_ref, tt_ref, b_ref, out_ref = refs
        else:
            _, tok_ref, tag_ref, w1_ref, w1t_ref, tt_ref, b_ref, out_ref = refs
        tok = tok_ref[...].astype(jnp.bfloat16)
        t = lax.dot_general(tt_ref[...], w1t_ref[...], (((1,), (1,)), ((), ())),
                            preferred_element_type=jnp.float32)
        tags = tag_ref[0, 0, :]
        oh = (tags[:, None]
              == lax.broadcasted_iota(jnp.int32, (TILE, TAGS), 1)
              ).astype(jnp.bfloat16)
        acc = lax.dot_general(tok, w1_ref[...], (((1,), (1,)), ((), ())),
                              preferred_element_type=jnp.float32)
        acc = acc + lax.dot_general(oh, t.astype(jnp.bfloat16),
                                    (((1,), (0,)), ((), ())),
                                    preferred_element_type=jnp.float32)
        out_ref[...] = acc + b_ref[...]

    in_specs = [
        pl.BlockSpec((TILE, D), lambda i: (i, 0)),
        pl.BlockSpec((1, 1, TILE), lambda i: (i, 0, 0)),
        pl.BlockSpec((CD, D), lambda i: (0, 0)),
        pl.BlockSpec((CD, TD), lambda i: (0, 0)),
        pl.BlockSpec((TAGS, TD), lambda i: (0, 0)),
        pl.BlockSpec((1, CD), lambda i: (0, 0)),
    ]
    args = [packed_k, tag3_k, w1wp, w1t, ttbf, b2]
    aliases = {}
    if prev is not None:
        in_specs = [pl.BlockSpec(memory_space=pl.ANY)] + in_specs
        args = [prev] + args
        aliases = {0: 0}

    return pl.pallas_call(
        body,
        grid=(tiles,),
        in_specs=in_specs,
        out_specs=pl.BlockSpec((TILE, CD), lambda i: (tile_off + i, 0)),
        out_shape=jax.ShapeDtypeStruct((N, CD), jnp.float32),
        input_output_aliases=aliases,
    )(*args)


def kernel(token_indices, tag_indices, word_table, tag_table, W1, b1):
    tok = token_indices.astype(jnp.int32)
    tags = tag_indices.astype(jnp.int32)
    (N,) = tok.shape
    V, D = word_table.shape
    CD = W1.shape[0]
    TILE = 2048
    chunks = (4096,) * 4

    w1wp = W1[:, :D].astype(jnp.bfloat16)
    w1t = W1[:, D:].astype(jnp.bfloat16)
    ttbf = tag_table.astype(jnp.bfloat16)
    b2 = b1.reshape(1, CD)

    offs = [0]
    for c in chunks:
        offs.append(offs[-1] + c)

    packed = [
        _sc_gather(word_table,
                   lax.slice(tok, (offs[k],), (offs[k + 1],)))
        for k in range(len(chunks))
    ]
    out = None
    for k, c in enumerate(chunks):
        tag3_k = lax.slice(tags, (offs[k],), (offs[k + 1],)).reshape(
            c // TILE, 1, TILE)
        out = _tc_matmul_chunk(out, packed[k], tag3_k, w1wp, w1t, ttbf, b2,
                               offs[k] // TILE, N, TILE)
    return out

# --- scband reference (transcript-rebuilt; emitter-appended) ---
"""Pipeline reference for scband-compositional-network-33852932227715 (READ-ONLY COPY).

The authoritative reference and input builder live on the scoring server;
editing this copy changes nothing except your own understanding.
"""

import jax, jax.numpy as jnp
import numpy as np

VOCAB = 100000
TAGS = 20
WDIM = 1024
TDIM = 64
CDIM = 1024
N = 16384

def setup_inputs(seed: int = 0) -> dict:
    key = jax.random.key(seed)
    k1, k2, k3, k4, k5 = jax.random.split(key, 5)
    token_indices = jax.random.randint(k1, (N,), 0, VOCAB)
    tag_indices = jax.random.randint(k2, (N,), 0, TAGS)
    word_table = jax.random.normal(k3, (VOCAB, WDIM), dtype=jnp.float32) * 0.02
    tag_table = jax.random.normal(k4, (TAGS, TDIM), dtype=jnp.float32) * 0.02
    W1 = jax.random.normal(k5, (CDIM, WDIM + TDIM), dtype=jnp.float32) * (1.0 / np.sqrt(WDIM + TDIM))
    b1 = jnp.zeros((CDIM,), dtype=jnp.float32)
    return {"token_indices": token_indices, "tag_indices": tag_indices,
            "word_table": word_table, "tag_table": tag_table, "W1": W1, "b1": b1}

def reference(token_indices, tag_indices, word_table, tag_table, W1, b1):
    # level == 1 path: identify_chunks returns [(i, 1) for i in range(N)],
    # i.e. every token is its own chunk and compositional_layers[1] is applied
    # to every token. use_embedding == True -> word embedding lookup.
    # torch loop per chunk: hstack([tok_emb[i:i+1].squeeze(1), tag_emb[i:i+1]]) @ W1.T + b1
    # (.squeeze(dim=1) is a no-op since word_emb_dim != 1), then cat along dim 0.
    # Vectorized: gather -> concat -> dense.
    tok_emb = jnp.take(word_table, token_indices, axis=0)   # [N, WDIM]
    tag_emb = jnp.take(tag_table, tag_indices, axis=0)      # [N, TDIM]
    stacked = jnp.concatenate([tok_emb, tag_emb], axis=-1)  # [N, WDIM+TDIM]
    out = stacked @ W1.T + b1                                # [N, CDIM]
    return out

if __name__ == "__main__":
    import jax
    _d = setup_inputs()
    print(jax.jit(kernel)(*tuple(_d.values())))

</pallas_src>

<mosaic_0001>
#map = affine_map<(d0, d1) -> (0, 0)>
#map1 = affine_map<(d0, d1) -> (0)>
module attributes {stable_mosaic.version = 14 : i64} {
  func.func @gather_kernel(%arg0: i32, %arg1: i32, %arg2: memref<100000x1024xf32, #tpu.memory_space<hbm>>, %arg3: memref<4096xi32, #tpu.memory_space<hbm>>, %arg4: memref<4096x1024xf32, #tpu.memory_space<hbm>>, %arg5: memref<128xi32, #tpu.memory_space<vmem>>, %arg6: memref<32x1024xf32, #tpu.memory_space<vmem>>, %arg7: memref<32x1024xf32, #tpu.memory_space<vmem>>, %arg8: memref<!tpu.dma_semaphore, #tpu.memory_space<semaphore_mem>>, %arg9: memref<!tpu.dma_semaphore, #tpu.memory_space<semaphore_mem>>, %arg10: memref<!tpu.dma_semaphore, #tpu.memory_space<semaphore_mem>>, %arg11: memref<!tpu.dma_semaphore, #tpu.memory_space<semaphore_mem>>) attributes {dimension_semantics = [#tpu.dimension_semantics<core_parallel>, #tpu.dimension_semantics<subcore_parallel>], iteration_bounds = array<i64: 2, 16>, scalar_prefetch = 0 : i64, scratch_operands = 7 : i64, tpu.core_type = #tpu.core_type<sc_vector_subcore>, window_params = [{transform_indices = #map}, {transform_indices = #map1}, {transform_indices = #map}]} {
    %mul3A = arith.constant 2 : i32
    %mul3A_0 = arith.muli %arg1, %mul3A : i32
    %add3A = arith.addi %mul3A_0, %arg0 : i32
    %mul3A_1 = arith.constant 128 : i32
    %mul3A_2 = arith.muli %add3A, %mul3A_1 : i32
    "tpu.region"() ({
      %run_scoped3A = tpu.sem_alloc : memref<!tpu.dma_semaphore, #tpu.memory_space<semaphore_mem>>
      %dma_start3A_89 = tpu.memref_slice %arg3[%mul3A_2] : memref<4096xi32, #tpu.memory_space<hbm>> -> memref<128xi32, #tpu.memory_space<hbm>>
      %dma_start3A_90 = tpu.memref_slice %arg3[%mul3A_2] : memref<4096xi32, #tpu.memory_space<hbm>> -> memref<128xi32, #tpu.memory_space<hbm>>
      tpu.enqueue_dma source(%dma_start3A_90 : memref<128xi32, #tpu.memory_space<hbm>>) target(%arg5 : memref<128xi32, #tpu.memory_space<vmem>>) target_semaphore(%run_scoped3A : memref<!tpu.dma_semaphore, #tpu.memory_space<semaphore_mem>>)
      %dma_wait3A_91 = tpu.memref_slice %arg3[%mul3A_2] : memref<4096xi32, #tpu.memory_space<hbm>> -> memref<128xi32, #tpu.memory_space<hbm>>
      %dma_wait3A_92 = tpu.memref_slice %arg3[%mul3A_2] : memref<4096xi32, #tpu.memory_space<hbm>> -> memref<128xi32, #tpu.memory_space<hbm>>
      tpu.wait_dma2 semaphore(%run_scoped3A : memref<!tpu.dma_semaphore, #tpu.memory_space<semaphore_mem>>) src(%dma_wait3A_92 : memref<128xi32, #tpu.memory_space<hbm>>) dst(%arg5 : memref<128xi32, #tpu.memory_space<vmem>>)
      tpu.yield
    }) : () -> ()
    %dma_start3A = arith.constant 0 : i32
    %dma_start3A_3 = tpu.memref_slice %arg5[%dma_start3A] : memref<128xi32, #tpu.memory_space<vmem>> -> memref<32xi32, #tpu.memory_space<vmem>>
    %dma_start3A_4 = arith.constant 0 : i32
    %dma_start3A_5 = arith.constant 0 : i32
    %dma_start3A_6 = tpu.memref_slice %arg2[%dma_start3A_4, %dma_start3A_5] : memref<100000x1024xf32, #tpu.memory_space<hbm>> -> memref<100000x1024xf32, #tpu.memory_space<hbm>>
    tpu.enqueue_indirect_dma source(%dma_start3A_6 : memref<100000x1024xf32, #tpu.memory_space<hbm>>) target(%arg6 : memref<32x1024xf32, #tpu.memory_space<vmem>>) offsets(%dma_start3A_3 : memref<32xi32, #tpu.memory_space<vmem>>) semaphore(%arg8 : memref<!tpu.dma_semaphore, #tpu.memory_space<semaphore_mem>>)
    %dma_start3A_7 = arith.constant 32 : i32
    %dma_start3A_8 = tpu.memref_slice %arg5[%dma_start3A_7] : memref<128xi32, #tpu.memory_space<vmem>> -> memref<32xi32, #tpu.memory_space<vmem>>
    %dma_start3A_9 = arith.constant 0 : i32
    %dma_start3A_10 = arith.constant 0 : i32
    %dma_start3A_11 = tpu.memref_slice %arg2[%dma_start3A_9, %dma_start3A_10] : memref<100000x1024xf32, #tpu.memory_space<hbm>> -> memref<100000x1024xf32, #tpu.memory_space<hbm>>
    tpu.enqueue_indirect_dma source(%dma_start3A_11 : memref<100000x1024xf32, #tpu.memory_space<hbm>>) target(%arg7 : memref<32x1024xf32, #tpu.memory_space<vmem>>) offsets(%dma_start3A_8 : memref<32xi32, #tpu.memory_space<vmem>>) semaphore(%arg9 : memref<!tpu.dma_semaphore, #tpu.memory_space<semaphore_mem>>)
    %dma_wait3A = arith.constant 0 : i32
    %dma_wait3A_12 = tpu.memref_slice %arg5[%dma_wait3A] : memref<128xi32, #tpu.memory_space<vmem>> -> memref<32xi32, #tpu.memory_space<vmem>>
    %dma_wait3A_13 = arith.constant 0 : i32
    %dma_wait3A_14 = arith.constant 0 : i32
    %dma_wait3A_15 = tpu.memref_slice %arg2[%dma_wait3A_13, %dma_wait3A_14] : memref<100000x1024xf32, #tpu.memory_space<hbm>> -> memref<100000x1024xf32, #tpu.memory_space<hbm>>
    tpu.wait_indirect_dma semaphore(%arg8 : memref<!tpu.dma_semaphore, #tpu.memory_space<semaphore_mem>>) src(%dma_wait3A_15 : memref<100000x1024xf32, #tpu.memory_space<hbm>>) dst(%arg6 : memref<32x1024xf32, #tpu.memory_space<vmem>>)
    %add3A_16 = arith.constant 0 : i32
    %add3A_17 = arith.addi %mul3A_2, %add3A_16 : i32
    %dma_start3A_18 = arith.constant 0 : i32
    %dma_start3A_19 = tpu.memref_slice %arg4[%add3A_17, %dma_start3A_18] : memref<4096x1024xf32, #tpu.memory_space<hbm>> -> memref<32x1024xf32, #tpu.memory_space<hbm>>
    %dma_start3A_20 = arith.constant 0 : i32
    %dma_start3A_21 = tpu.memref_slice %arg4[%add3A_17, %dma_start3A_20] : memref<4096x1024xf32, #tpu.memory_space<hbm>> -> memref<32x1024xf32, #tpu.memory_space<hbm>>
    tpu.enqueue_dma source(%arg6 : memref<32x1024xf32, #tpu.memory_space<vmem>>) target(%dma_start3A_21 : memref<32x1024xf32, #tpu.memory_space<hbm>>) target_semaphore(%arg10 : memref<!tpu.dma_semaphore, #tpu.memory_space<semaphore_mem>>)
    %add3A_22 = arith.constant 0 : i32
    %add3A_23 = arith.addi %mul3A_2, %add3A_22 : i32
    %dma_wait3A_24 = arith.constant 0 : i32
    %dma_wait3A_25 = tpu.memref_slice %arg4[%add3A_23, %dma_wait3A_24] : memref<4096x1024xf32, #tpu.memory_space<hbm>> -> memref<32x1024xf32, #tpu.memory_space<hbm>>
    %dma_wait3A_26 = arith.constant 0 : i32
    %dma_wait3A_27 = tpu.memref_slice %arg4[%add3A_23, %dma_wait3A_26] : memref<4096x1024xf32, #tpu.memory_space<hbm>> -> memref<32x1024xf32, #tpu.memory_space<hbm>>
    tpu.wait_dma2 semaphore(%arg10 : memref<!tpu.dma_semaphore, #tpu.memory_space<semaphore_mem>>) src(%arg6 : memref<32x1024xf32, #tpu.memory_space<vmem>>) dst(%dma_wait3A_27 : memref<32x1024xf32, #tpu.memory_space<hbm>>)
    %dma_start3A_28 = arith.constant 64 : i32
    %dma_start3A_29 = tpu.memref_slice %arg5[%dma_start3A_28] : memref<128xi32, #tpu.memory_space<vmem>> -> memref<32xi32, #tpu.memory_space<vmem>>
    %dma_start3A_30 = arith.constant 0 : i32
    %dma_start3A_31 = arith.constant 0 : i32
    %dma_start3A_32 = tpu.memref_slice %arg2[%dma_start3A_30, %dma_start3A_31] : memref<100000x1024xf32, #tpu.memory_space<hbm>> -> memref<100000x1024xf32, #tpu.memory_space<hbm>>
    tpu.enqueue_indirect_dma source(%dma_start3A_32 : memref<100000x1024xf32, #tpu.memory_space<hbm>>) target(%arg6 : memref<32x1024xf32, #tpu.memory_space<vmem>>) offsets(%dma_start3A_29 : memref<32xi32, #tpu.memory_space<vmem>>) semaphore(%arg8 : memref<!tpu.dma_semaphore, #tpu.memory_space<semaphore_mem>>)
    %dma_wait3A_33 = arith.constant 32 : i32
    %dma_wait3A_34 = tpu.memref_slice %arg5[%dma_wait3A_33] : memref<128xi32, #tpu.memory_space<vmem>> -> memref<32xi32, #tpu.memory_space<vmem>>
    %dma_wait3A_35 = arith.constant 0 : i32
    %dma_wait3A_36 = arith.constant 0 : i32
    %dma_wait3A_37 = tpu.memref_slice %arg2[%dma_wait3A_35, %dma_wait3A_36] : memref<100000x1024xf32, #tpu.memory_space<hbm>> -> memref<100000x1024xf32, #tpu.memory_space<hbm>>
    tpu.wait_indirect_dma semaphore(%arg9 : memref<!tpu.dma_semaphore, #tpu.memory_space<semaphore_mem>>) src(%dma_wait3A_37 : memref<100000x1024xf32, #tpu.memory_space<hbm>>) dst(%arg7 : memref<32x1024xf32, #tpu.memory_space<vmem>>)
    %add3A_38 = arith.constant 32 : i32
    %add3A_39 = arith.addi %mul3A_2, %add3A_38 : i32
    %dma_start3A_40 = arith.constant 0 : i32
    %dma_start3A_41 = tpu.memref_slice %arg4[%add3A_39, %dma_start3A_40] : memref<4096x1024xf32, #tpu.memory_space<hbm>> -> memref<32x1024xf32, #tpu.memory_space<hbm>>
    %dma_start3A_42 = arith.constant 0 : i32
    %dma_start3A_43 = tpu.memref_slice %arg4[%add3A_39, %dma_start3A_42] : memref<4096x1024xf32, #tpu.memory_space<hbm>> -> memref<32x1024xf32, #tpu.memory_space<hbm>>
    tpu.enqueue_dma source(%arg7 : memref<32x1024xf32, #tpu.memory_space<vmem>>) target(%dma_start3A_43 : memref<32x1024xf32, #tpu.memory_space<hbm>>) target_semaphore(%arg11 : memref<!tpu.dma_semaphore, #tpu.memory_space<semaphore_mem>>)
    %add3A_44 = arith.constant 32 : i32
    %add3A_45 = arith.addi %mul3A_2, %add3A_44 : i32
    %dma_wait3A_46 = arith.constant 0 : i32
    %dma_wait3A_47 = tpu.memref_slice %arg4[%add3A_45, %dma_wait3A_46] : memref<4096x1024xf32, #tpu.memory_space<hbm>> -> memref<32x1024xf32, #tpu.memory_space<hbm>>
    %dma_wait3A_48 = arith.constant 0 : i32
    %dma_wait3A_49 = tpu.memref_slice %arg4[%add3A_45, %dma_wait3A_48] : memref<4096x1024xf32, #tpu.memory_space<hbm>> -> memref<32x1024xf32, #tpu.memory_space<hbm>>
    tpu.wait_dma2 semaphore(%arg11 : memref<!tpu.dma_semaphore, #tpu.memory_space<semaphore_mem>>) src(%arg7 : memref<32x1024xf32, #tpu.memory_space<vmem>>) dst(%dma_wait3A_49 : memref<32x1024xf32, #tpu.memory_space<hbm>>)
    %dma_start3A_50 = arith.constant 96 : i32
    %dma_start3A_51 = tpu.memref_slice %arg5[%dma_start3A_50] : memref<128xi32, #tpu.memory_space<vmem>> -> memref<32xi32, #tpu.memory_space<vmem>>
    %dma_start3A_52 = arith.constant 0 : i32
    %dma_start3A_53 = arith.constant 0 : i32
    %dma_start3A_54 = tpu.memref_slice %arg2[%dma_start3A_52, %dma_start3A_53] : memref<100000x1024xf32, #tpu.memory_space<hbm>> -> memref<100000x1024xf32, #tpu.memory_space<hbm>>
    tpu.enqueue_indirect_dma source(%dma_start3A_54 : memref<100000x1024xf32, #tpu.memory_space<hbm>>) target(%arg7 : memref<32x1024xf32, #tpu.memory_space<vmem>>) offsets(%dma_start3A_51 : memref<32xi32, #tpu.memory_space<vmem>>) semaphore(%arg9 : memref<!tpu.dma_semaphore, #tpu.memory_space<semaphore_mem>>)
    %dma_wait3A_55 = arith.constant 64 : i32
    %dma_wait3A_56 = tpu.memref_slice %arg5[%dma_wait3A_55] : memref<128xi32, #tpu.memory_space<vmem>> -> memref<32xi32, #tpu.memory_space<vmem>>
    %dma_wait3A_57 = arith.constant 0 : i32
    %dma_wait3A_58 = arith.constant 0 : i32
    %dma_wait3A_59 = tpu.memref_slice %arg2[%dma_wait3A_57, %dma_wait3A_58] : memref<100000x1024xf32, #tpu.memory_space<hbm>> -> memref<100000x1024xf32, #tpu.memory_space<hbm>>
    tpu.wait_indirect_dma semaphore(%arg8 : memref<!tpu.dma_semaphore, #tpu.memory_space<semaphore_mem>>) src(%dma_wait3A_59 : memref<100000x1024xf32, #tpu.memory_space<hbm>>) dst(%arg6 : memref<32x1024xf32, #tpu.memory_space<vmem>>)
    %add3A_60 = arith.constant 64 : i32
    %add3A_61 = arith.addi %mul3A_2, %add3A_60 : i32
    %dma_start3A_62 = arith.constant 0 : i32
    %dma_start3A_63 = tpu.memref_slice %arg4[%add3A_61, %dma_start3A_62] : memref<4096x1024xf32, #tpu.memory_space<hbm>> -> memref<32x1024xf32, #tpu.memory_space<hbm>>
    %dma_start3A_64 = arith.constant 0 : i32
    %dma_start3A_65 = tpu.memref_slice %arg4[%add3A_61, %dma_start3A_64] : memref<4096x1024xf32, #tpu.memory_space<hbm>> -> memref<32x1024xf32, #tpu.memory_space<hbm>>
    tpu.enqueue_dma source(%arg6 : memref<32x1024xf32, #tpu.memory_space<vmem>>) target(%dma_start3A_65 : memref<32x1024xf32, #tpu.memory_space<hbm>>) target_semaphore(%arg10 : memref<!tpu.dma_semaphore, #tpu.memory_space<semaphore_mem>>)
    %dma_wait3A_66 = arith.constant 96 : i32
    %dma_wait3A_67 = tpu.memref_slice %arg5[%dma_wait3A_66] : memref<128xi32, #tpu.memory_space<vmem>> -> memref<32xi32, #tpu.memory_space<vmem>>
    %dma_wait3A_68 = arith.constant 0 : i32
    %dma_wait3A_69 = arith.constant 0 : i32
    %dma_wait3A_70 = tpu.memref_slice %arg2[%dma_wait3A_68, %dma_wait3A_69] : memref<100000x1024xf32, #tpu.memory_space<hbm>> -> memref<100000x1024xf32, #tpu.memory_space<hbm>>
    tpu.wait_indirect_dma semaphore(%arg9 : memref<!tpu.dma_semaphore, #tpu.memory_space<semaphore_mem>>) src(%dma_wait3A_70 : memref<100000x1024xf32, #tpu.memory_space<hbm>>) dst(%arg7 : memref<32x1024xf32, #tpu.memory_space<vmem>>)
    %add3A_71 = arith.constant 96 : i32
    %add3A_72 = arith.addi %mul3A_2, %add3A_71 : i32
    %dma_start3A_73 = arith.constant 0 : i32
    %dma_start3A_74 = tpu.memref_slice %arg4[%add3A_72, %dma_start3A_73] : memref<4096x1024xf32, #tpu.memory_space<hbm>> -> memref<32x1024xf32, #tpu.memory_space<hbm>>
    %dma_start3A_75 = arith.constant 0 : i32
    %dma_start3A_76 = tpu.memref_slice %arg4[%add3A_72, %dma_start3A_75] : memref<4096x1024xf32, #tpu.memory_space<hbm>> -> memref<32x1024xf32, #tpu.memory_space<hbm>>
    tpu.enqueue_dma source(%arg7 : memref<32x1024xf32, #tpu.memory_space<vmem>>) target(%dma_start3A_76 : memref<32x1024xf32, #tpu.memory_space<hbm>>) target_semaphore(%arg11 : memref<!tpu.dma_semaphore, #tpu.memory_space<semaphore_mem>>)
    %add3A_77 = arith.constant 64 : i32
    %add3A_78 = arith.addi %mul3A_2, %add3A_77 : i32
    %dma_wait3A_79 = arith.constant 0 : i32
    %dma_wait3A_80 = tpu.memref_slice %arg4[%add3A_78, %dma_wait3A_79] : memref<4096x1024xf32, #tpu.memory_space<hbm>> -> memref<32x1024xf32, #tpu.memory_space<hbm>>
    %dma_wait3A_81 = arith.constant 0 : i32
    %dma_wait3A_82 = tpu.memref_slice %arg4[%add3A_78, %dma_wait3A_81] : memref<4096x1024xf32, #tpu.memory_space<hbm>> -> memref<32x1024xf32, #tpu.memory_space<hbm>>
    tpu.wait_dma2 semaphore(%arg10 : memref<!tpu.dma_semaphore, #tpu.memory_space<semaphore_mem>>) src(%arg6 : memref<32x1024xf32, #tpu.memory_space<vmem>>) dst(%dma_wait3A_82 : memref<32x1024xf32, #tpu.memory_space<hbm>>)
    %add3A_83 = arith.constant 96 : i32
    %add3A_84 = arith.addi %mul3A_2, %add3A_83 : i32
    %dma_wait3A_85 = arith.constant 0 : i32
    %dma_wait3A_86 = tpu.memref_slice %arg4[%add3A_84, %dma_wait3A_85] : memref<4096x1024xf32, #tpu.memory_space<hbm>> -> memref<32x1024xf32, #tpu.memory_space<hbm>>
    %dma_wait3A_87 = arith.constant 0 : i32
    %dma_wait3A_88 = tpu.memref_slice %arg4[%add3A_84, %dma_wait3A_87] : memref<4096x1024xf32, #tpu.memory_space<hbm>> -> memref<32x1024xf32, #tpu.memory_space<hbm>>
    tpu.wait_dma2 semaphore(%arg11 : memref<!tpu.dma_semaphore, #tpu.memory_space<semaphore_mem>>) src(%arg7 : memref<32x1024xf32, #tpu.memory_space<vmem>>) dst(%dma_wait3A_88 : memref<32x1024xf32, #tpu.memory_space<hbm>>)
    return
  }
}

#map = affine_map<(d0, d1) -> (0, 0)>
#map1 = affine_map<(d0, d1) -> (0)>
module attributes {stable_mosaic.version = 14 : i64} {
  func.func @gather_kernel(%arg0: i32, %arg1: i32, %arg2: memref<100000x1024xf32, #tpu.memory_space<hbm>>, %arg3: memref<4096xi32, #tpu.memory_space<hbm>>, %arg4: memref<4096x1024xf32, #tpu.memory_space<hbm>>, %arg5: memref<128xi32, #tpu.memory_space<vmem>>, %arg6: memref<32x1024xf32, #tpu.memory_space<vmem>>, %arg7: memref<32x1024xf32, #tpu.memory_space<vmem>>, %arg8: memref<!tpu.dma_semaphore, #tpu.memory_space<semaphore_mem>>, %arg9: memref<!tpu.dma_semaphore, #tpu.memory_space<semaphore_mem>>, %arg10: memref<!tpu.dma_semaphore, #tpu.memory_space<semaphore_mem>>, %arg11: memref<!tpu.dma_semaphore, #tpu.memory_space<semaphore_mem>>) attributes {dimension_semantics = [#tpu.dimension_semantics<core_parallel>, #tpu.dimension_semantics<subcore_parallel>], iteration_bounds = array<i64: 2, 16>, scalar_prefetch = 0 : i64, scratch_operands = 7 : i64, tpu.core_type = #tpu.core_type<sc_vector_subcore>, window_params = [{transform_indices = #map}, {transform_indices = #map1}, {transform_indices = #map}]} {
    %mul3A = arith.constant 2 : i32
    %mul3A_0 = arith.muli %arg1, %mul3A : i32
    %add3A = arith.addi %mul3A_0, %arg0 : i32
    %mul3A_1 = arith.constant 128 : i32
    %mul3A_2 = arith.muli %add3A, %mul3A_1 : i32
    "tpu.region"() ({
      %run_scoped3A = tpu.sem_alloc : memref<!tpu.dma_semaphore, #tpu.memory_space<semaphore_mem>>
      %dma_start3A_89 = tpu.memref_slice %arg3[%mul3A_2] : memref<4096xi32, #tpu.memory_space<hbm>> -> memref<128xi32, #tpu.memory_space<hbm>>
      %dma_start3A_90 = tpu.memref_slice %arg3[%mul3A_2] : memref<4096xi32, #tpu.memory_space<hbm>> -> memref<128xi32, #tpu.memory_space<hbm>>
      tpu.enqueue_dma source(%dma_start3A_90 : memref<128xi32, #tpu.memory_space<hbm>>) target(%arg5 : memref<128xi32, #tpu.memory_space<vmem>>) target_semaphore(%run_scoped3A : memref<!tpu.dma_semaphore, #tpu.memory_space<semaphore_mem>>)
      %dma_wait3A_91 = tpu.memref_slice %arg3[%mul3A_2] : memref<4096xi32, #tpu.memory_space<hbm>> -> memref<128xi32, #tpu.memory_space<hbm>>
      %dma_wait3A_92 = tpu.memref_slice %arg3[%mul3A_2] : memref<4096xi32, #tpu.memory_space<hbm>> -> memref<128xi32, #tpu.memory_space<hbm>>
      tpu.wait_dma2 semaphore(%run_scoped3A : memref<!tpu.dma_semaphore, #tpu.memory_space<semaphore_mem>>) src(%dma_wait3A_92 : memref<128xi32, #tpu.memory_space<hbm>>) dst(%arg5 : memref<128xi32, #tpu.memory_space<vmem>>)
      tpu.yield
    }) : () -> ()
    %dma_start3A = arith.constant 0 : i32
    %dma_start3A_3 = tpu.memref_slice %arg5[%dma_start3A] : memref<128xi32, #tpu.memory_space<vmem>> -> memref<32xi32, #tpu.memory_space<vmem>>
    %dma_start3A_4 = arith.constant 0 : i32
    %dma_start3A_5 = arith.constant 0 : i32
    %dma_start3A_6 = tpu.memref_slice %arg2[%dma_start3A_4, %dma_start3A_5] : memref<100000x1024xf32, #tpu.memory_space<hbm>> -> memref<100000x1024xf32, #tpu.memory_space<hbm>>
    tpu.enqueue_indirect_dma source(%dma_start3A_6 : memref<100000x1024xf32, #tpu.memory_space<hbm>>) target(%arg6 : memref<32x1024xf32, #tpu.memory_space<vmem>>) offsets(%dma_start3A_3 : memref<32xi32, #tpu.memory_space<vmem>>) semaphore(%arg8 : memref<!tpu.dma_semaphore, #tpu.memory_space<semaphore_mem>>)
    %dma_start3A_7 = arith.constant 32 : i32
    %dma_start3A_8 = tpu.memref_slice %arg5[%dma_start3A_7] : memref<128xi32, #tpu.memory_space<vmem>> -> memref<32xi32, #tpu.memory_space<vmem>>
    %dma_start3A_9 = arith.constant 0 : i32
    %dma_start3A_10 = arith.constant 0 : i32
    %dma_start3A_11 = tpu.memref_slice %arg2[%dma_start3A_9, %dma_start3A_10] : memref<100000x1024xf32, #tpu.memory_space<hbm>> -> memref<100000x1024xf32, #tpu.memory_space<hbm>>
    tpu.enqueue_indirect_dma source(%dma_start3A_11 : memref<100000x1024xf32, #tpu.memory_space<hbm>>) target(%arg7 : memref<32x1024xf32, #tpu.memory_space<vmem>>) offsets(%dma_start3A_8 : memref<32xi32, #tpu.memory_space<vmem>>) semaphore(%arg9 : memref<!tpu.dma_semaphore, #tpu.memory_space<semaphore_mem>>)
    %dma_wait3A = arith.constant 0 : i32
    %dma_wait3A_12 = tpu.memref_slice %arg5[%dma_wait3A] : memref<128xi32, #tpu.memory_space<vmem>> -> memref<32xi32, #tpu.memory_space<vmem>>
    %dma_wait3A_13 = arith.constant 0 : i32
    %dma_wait3A_14 = arith.constant 0 : i32
    %dma_wait3A_15 = tpu.memref_slice %arg2[%dma_wait3A_13, %dma_wait3A_14] : memref<100000x1024xf32, #tpu.memory_space<hbm>> -> memref<100000x1024xf32, #tpu.memory_space<hbm>>
    tpu.wait_indirect_dma semaphore(%arg8 : memref<!tpu.dma_semaphore, #tpu.memory_space<semaphore_mem>>) src(%dma_wait3A_15 : memref<100000x1024xf32, #tpu.memory_space<hbm>>) dst(%arg6 : memref<32x1024xf32, #tpu.memory_space<vmem>>)
    %add3A_16 = arith.constant 0 : i32
    %add3A_17 = arith.addi %mul3A_2, %add3A_16 : i32
    %dma_start3A_18 = arith.constant 0 : i32
    %dma_start3A_19 = tpu.memref_slice %arg4[%add3A_17, %dma_start3A_18] : memref<4096x1024xf32, #tpu.memory_space<hbm>> -> memref<32x1024xf32, #tpu.memory_space<hbm>>
    %dma_start3A_20 = arith.constant 0 : i32
    %dma_start3A_21 = tpu.memref_slice %arg4[%add3A_17, %dma_start3A_20] : memref<4096x1024xf32, #tpu.memory_space<hbm>> -> memref<32x1024xf32, #tpu.memory_space<hbm>>
    tpu.enqueue_dma source(%arg6 : memref<32x1024xf32, #tpu.memory_space<vmem>>) target(%dma_start3A_21 : memref<32x1024xf32, #tpu.memory_space<hbm>>) target_semaphore(%arg10 : memref<!tpu.dma_semaphore, #tpu.memory_space<semaphore_mem>>)
    %add3A_22 = arith.constant 0 : i32
    %add3A_23 = arith.addi %mul3A_2, %add3A_22 : i32
    %dma_wait3A_24 = arith.constant 0 : i32
    %dma_wait3A_25 = tpu.memref_slice %arg4[%add3A_23, %dma_wait3A_24] : memref<4096x1024xf32, #tpu.memory_space<hbm>> -> memref<32x1024xf32, #tpu.memory_space<hbm>>
    %dma_wait3A_26 = arith.constant 0 : i32
    %dma_wait3A_27 = tpu.memref_slice %arg4[%add3A_23, %dma_wait3A_26] : memref<4096x1024xf32, #tpu.memory_space<hbm>> -> memref<32x1024xf32, #tpu.memory_space<hbm>>
    tpu.wait_dma2 semaphore(%arg10 : memref<!tpu.dma_semaphore, #tpu.memory_space<semaphore_mem>>) src(%arg6 : memref<32x1024xf32, #tpu.memory_space<vmem>>) dst(%dma_wait3A_27 : memref<32x1024xf32, #tpu.memory_space<hbm>>)
    %dma_start3A_28 = arith.constant 64 : i32
    %dma_start3A_29 = tpu.memref_slice %arg5[%dma_start3A_28] : memref<128xi32, #tpu.memory_space<vmem>> -> memref<32xi32, #tpu.memory_space<vmem>>
    %dma_start3A_30 = arith.constant 0 : i32
    %dma_start3A_31 = arith.constant 0 : i32
    %dma_start3A_32 = tpu.memref_slice %arg2[%dma_start3A_30, %dma_start3A_31] : memref<100000x1024xf32, #tpu.memory_space<hbm>> -> memref<100000x1024xf32, #tpu.memory_space<hbm>>
    tpu.enqueue_indirect_dma source(%dma_start3A_32 : memref<100000x1024xf32, #tpu.memory_space<hbm>>) target(%arg6 : memref<32x1024xf32, #tpu.memory_space<vmem>>) offsets(%dma_start3A_29 : memref<32xi32, #tpu.memory_space<vmem>>) semaphore(%arg8 : memref<!tpu.dma_semaphore, #tpu.memory_space<semaphore_mem>>)
    %dma_wait3A_33 = arith.constant 32 : i32
    %dma_wait3A_34 = tpu.memref_slice %arg5[%dma_wait3A_33] : memref<128xi32, #tpu.memory_space<vmem>> -> memref<32xi32, #tpu.memory_space<vmem>>
    %dma_wait3A_35 = arith.constant 0 : i32
    %dma_wait3A_36 = arith.constant 0 : i32
    %dma_wait3A_37 = tpu.memref_slice %arg2[%dma_wait3A_35, %dma_wait3A_36] : memref<100000x1024xf32, #tpu.memory_space<hbm>> -> memref<100000x1024xf32, #tpu.memory_space<hbm>>
    tpu.wait_indirect_dma semaphore(%arg9 : memref<!tpu.dma_semaphore, #tpu.memory_space<semaphore_mem>>) src(%dma_wait3A_37 : memref<100000x1024xf32, #tpu.memory_space<hbm>>) dst(%arg7 : memref<32x1024xf32, #tpu.memory_space<vmem>>)
    %add3A_38 = arith.constant 32 : i32
    %add3A_39 = arith.addi %mul3A_2, %add3A_38 : i32
    %dma_start3A_40 = arith.constant 0 : i32
    %dma_start3A_41 = tpu.memref_slice %arg4[%add3A_39, %dma_start3A_40] : memref<4096x1024xf32, #tpu.memory_space<hbm>> -> memref<32x1024xf32, #tpu.memory_space<hbm>>
    %dma_start3A_42 = arith.constant 0 : i32
    %dma_start3A_43 = tpu.memref_slice %arg4[%add3A_39, %dma_start3A_42] : memref<4096x1024xf32, #tpu.memory_space<hbm>> -> memref<32x1024xf32, #tpu.memory_space<hbm>>
    tpu.enqueue_dma source(%arg7 : memref<32x1024xf32, #tpu.memory_space<vmem>>) target(%dma_start3A_43 : memref<32x1024xf32, #tpu.memory_space<hbm>>) target_semaphore(%arg11 : memref<!tpu.dma_semaphore, #tpu.memory_space<semaphore_mem>>)
    %add3A_44 = arith.constant 32 : i32
    %add3A_45 = arith.addi %mul3A_2, %add3A_44 : i32
    %dma_wait3A_46 = arith.constant 0 : i32
    %dma_wait3A_47 = tpu.memref_slice %arg4[%add3A_45, %dma_wait3A_46] : memref<4096x1024xf32, #tpu.memory_space<hbm>> -> memref<32x1024xf32, #tpu.memory_space<hbm>>
    %dma_wait3A_48 = arith.constant 0 : i32
    %dma_wait3A_49 = tpu.memref_slice %arg4[%add3A_45, %dma_wait3A_48] : memref<4096x1024xf32, #tpu.memory_space<hbm>> -> memref<32x1024xf32, #tpu.memory_space<hbm>>
    tpu.wait_dma2 semaphore(%arg11 : memref<!tpu.dma_semaphore, #tpu.memory_space<semaphore_mem>>) src(%arg7 : memref<32x1024xf32, #tpu.memory_space<vmem>>) dst(%dma_wait3A_49 : memref<32x1024xf32, #tpu.memory_space<hbm>>)
    %dma_start3A_50 = arith.constant 96 : i32
    %dma_start3A_51 = tpu.memref_slice %arg5[%dma_start3A_50] : memref<128xi32, #tpu.memory_space<vmem>> -> memref<32xi32, #tpu.memory_space<vmem>>
    %dma_start3A_52 = arith.constant 0 : i32
    %dma_start3A_53 = arith.constant 0 : i32
    %dma_start3A_54 = tpu.memref_slice %arg2[%dma_start3A_52, %dma_start3A_53] : memref<100000x1024xf32, #tpu.memory_space<hbm>> -> memref<100000x1024xf32, #tpu.memory_space<hbm>>
    tpu.enqueue_indirect_dma source(%dma_start3A_54 : memref<100000x1024xf32, #tpu.memory_space<hbm>>) target(%arg7 : memref<32x1024xf32, #tpu.memory_space<vmem>>) offsets(%dma_start3A_51 : memref<32xi32, #tpu.memory_space<vmem>>) semaphore(%arg9 : memref<!tpu.dma_semaphore, #tpu.memory_space<semaphore_mem>>)
    %dma_wait3A_55 = arith.constant 64 : i32
    %dma_wait3A_56 = tpu.memref_slice %arg5[%dma_wait3A_55] : memref<128xi32, #tpu.memory_space<vmem>> -> memref<32xi32, #tpu.memory_space<vmem>>
    %dma_wait3A_57 = arith.constant 0 : i32
    %dma_wait3A_58 = arith.constant 0 : i32
    %dma_wait3A_59 = tpu.memref_slice %arg2[%dma_wait3A_57, %dma_wait3A_58] : memref<100000x1024xf32, #tpu.memory_space<hbm>> -> memref<100000x1024xf32, #tpu.memory_space<hbm>>
    tpu.wait_indirect_dma semaphore(%arg8 : memref<!tpu.dma_semaphore, #tpu.memory_space<semaphore_mem>>) src(%dma_wait3A_59 : memref<100000x1024xf32, #tpu.memory_space<hbm>>) dst(%arg6 : memref<32x1024xf32, #tpu.memory_space<vmem>>)
    %add3A_60 = arith.constant 64 : i32
    %add3A_61 = arith.addi %mul3A_2, %add3A_60 : i32
    %dma_start3A_62 = arith.constant 0 : i32
    %dma_start3A_63 = tpu.memref_slice %arg4[%add3A_61, %dma_start3A_62] : memref<4096x1024xf32, #tpu.memory_space<hbm>> -> memref<32x1024xf32, #tpu.memory_space<hbm>>
    %dma_start3A_64 = arith.constant 0 : i32
    %dma_start3A_65 = tpu.memref_slice %arg4[%add3A_61, %dma_start3A_64] : memref<4096x1024xf32, #tpu.memory_space<hbm>> -> memref<32x1024xf32, #tpu.memory_space<hbm>>
    tpu.enqueue_dma source(%arg6 : memref<32x1024xf32, #tpu.memory_space<vmem>>) target(%dma_start3A_65 : memref<32x1024xf32, #tpu.memory_space<hbm>>) target_semaphore(%arg10 : memref<!tpu.dma_semaphore, #tpu.memory_space<semaphore_mem>>)
    %dma_wait3A_66 = arith.constant 96 : i32
    %dma_wait3A_67 = tpu.memref_slice %arg5[%dma_wait3A_66] : memref<128xi32, #tpu.memory_space<vmem>> -> memref<32xi32, #tpu.memory_space<vmem>>
    %dma_wait3A_68 = arith.constant 0 : i32
    %dma_wait3A_69 = arith.constant 0 : i32
    %dma_wait3A_70 = tpu.memref_slice %arg2[%dma_wait3A_68, %dma_wait3A_69] : memref<100000x1024xf32, #tpu.memory_space<hbm>> -> memref<100000x1024xf32, #tpu.memory_space<hbm>>
    tpu.wait_indirect_dma semaphore(%arg9 : memref<!tpu.dma_semaphore, #tpu.memory_space<semaphore_mem>>) src(%dma_wait3A_70 : memref<100000x1024xf32, #tpu.memory_space<hbm>>) dst(%arg7 : memref<32x1024xf32, #tpu.memory_space<vmem>>)
    %add3A_71 = arith.constant 96 : i32
    %add3A_72 = arith.addi %mul3A_2, %add3A_71 : i32
    %dma_start3A_73 = arith.constant 0 : i32
    %dma_start3A_74 = tpu.memref_slice %arg4[%add3A_72, %dma_start3A_73] : memref<4096x1024xf32, #tpu.memory_space<hbm>> -> memref<32x1024xf32, #tpu.memory_space<hbm>>
    %dma_start3A_75 = arith.constant 0 : i32
    %dma_start3A_76 = tpu.memref_slice %arg4[%add3A_72, %dma_start3A_75] : memref<4096x1024xf32, #tpu.memory_space<hbm>> -> memref<32x1024xf32, #tpu.memory_space<hbm>>
    tpu.enqueue_dma source(%arg7 : memref<32x1024xf32, #tpu.memory_space<vmem>>) target(%dma_start3A_76 : memref<32x1024xf32, #tpu.memory_space<hbm>>) target_semaphore(%arg11 : memref<!tpu.dma_semaphore, #tpu.memory_space<semaphore_mem>>)
    %add3A_77 = arith.constant 64 : i32
    %add3A_78 = arith.addi %mul3A_2, %add3A_77 : i32
    %dma_wait3A_79 = arith.constant 0 : i32
    %dma_wait3A_80 = tpu.memref_slice %arg4[%add3A_78, %dma_wait3A_79] : memref<4096x1024xf32, #tpu.memory_space<hbm>> -> memref<32x1024xf32, #tpu.memory_space<hbm>>
    %dma_wait3A_81 = arith.constant 0 : i32
    %dma_wait3A_82 = tpu.memref_slice %arg4[%add3A_78, %dma_wait3A_81] : memref<4096x1024xf32, #tpu.memory_space<hbm>> -> memref<32x1024xf32, #tpu.memory_space<hbm>>
    tpu.wait_dma2 semaphore(%arg10 : memref<!tpu.dma_semaphore, #tpu.memory_space<semaphore_mem>>) src(%arg6 : memref<32x1024xf32, #tpu.memory_space<vmem>>) dst(%dma_wait3A_82 : memref<32x1024xf32, #tpu.memory_space<hbm>>)
    %add3A_83 = arith.constant 96 : i32
    %add3A_84 = arith.addi %mul3A_2, %add3A_83 : i32
    %dma_wait3A_85 = arith.constant 0 : i32
    %dma_wait3A_86 = tpu.memref_slice %arg4[%add3A_84, %dma_wait3A_85] : memref<4096x1024xf32, #tpu.memory_space<hbm>> -> memref<32x1024xf32, #tpu.memory_space<hbm>>
    %dma_wait3A_87 = arith.constant 0 : i32
    %dma_wait3A_88 = tpu.memref_slice %arg4[%add3A_84, %dma_wait3A_87] : memref<4096x1024xf32, #tpu.memory_space<hbm>> -> memref<32x1024xf32, #tpu.memory_space<hbm>>
    tpu.wait_dma2 semaphore(%arg11 : memref<!tpu.dma_semaphore, #tpu.memory_space<semaphore_mem>>) src(%arg7 : memref<32x1024xf32, #tpu.memory_space<vmem>>) dst(%dma_wait3A_88 : memref<32x1024xf32, #tpu.memory_space<hbm>>)
    return
  }
}

#map = affine_map<(d0, d1) -> (0, 0)>
#map1 = affine_map<(d0, d1) -> (0)>
module attributes {stable_mosaic.version = 14 : i64} {
  func.func @gather_kernel(%arg0: i32, %arg1: i32, %arg2: memref<100000x1024xf32, #tpu.memory_space<hbm>>, %arg3: memref<4096xi32, #tpu.memory_space<hbm>>, %arg4: memref<4096x1024xf32, #tpu.memory_space<hbm>>, %arg5: memref<128xi32, #tpu.memory_space<vmem>>, %arg6: memref<32x1024xf32, #tpu.memory_space<vmem>>, %arg7: memref<32x1024xf32, #tpu.memory_space<vmem>>, %arg8: memref<!tpu.dma_semaphore, #tpu.memory_space<semaphore_mem>>, %arg9: memref<!tpu.dma_semaphore, #tpu.memory_space<semaphore_mem>>, %arg10: memref<!tpu.dma_semaphore, #tpu.memory_space<semaphore_mem>>, %arg11: memref<!tpu.dma_semaphore, #tpu.memory_space<semaphore_mem>>) attributes {dimension_semantics = [#tpu.dimension_semantics<core_parallel>, #tpu.dimension_semantics<subcore_parallel>], iteration_bounds = array<i64: 2, 16>, scalar_prefetch = 0 : i64, scratch_operands = 7 : i64, tpu.core_type = #tpu.core_type<sc_vector_subcore>, window_params = [{transform_indices = #map}, {transform_indices = #map1}, {transform_indices = #map}]} {
    %mul3A = arith.constant 2 : i32
    %mul3A_0 = arith.muli %arg1, %mul3A : i32
    %add3A = arith.addi %mul3A_0, %arg0 : i32
    %mul3A_1 = arith.constant 128 : i32
    %mul3A_2 = arith.muli %add3A, %mul3A_1 : i32
    "tpu.region"() ({
      %run_scoped3A = tpu.sem_alloc : memref<!tpu.dma_semaphore, #tpu.memory_space<semaphore_mem>>
      %dma_start3A_89 = tpu.memref_slice %arg3[%mul3A_2] : memref<4096xi32, #tpu.memory_space<hbm>> -> memref<128xi32, #tpu.memory_space<hbm>>
      %dma_start3A_90 = tpu.memref_slice %arg3[%mul3A_2] : memref<4096xi32, #tpu.memory_space<hbm>> -> memref<128xi32, #tpu.memory_space<hbm>>
      tpu.enqueue_dma source(%dma_start3A_90 : memref<128xi32, #tpu.memory_space<hbm>>) target(%arg5 : memref<128xi32, #tpu.memory_space<vmem>>) target_semaphore(%run_scoped3A : memref<!tpu.dma_semaphore, #tpu.memory_space<semaphore_mem>>)
      %dma_wait3A_91 = tpu.memref_slice %arg3[%mul3A_2] : memref<4096xi32, #tpu.memory_space<hbm>> -> memref<128xi32, #tpu.memory_space<hbm>>
      %dma_wait3A_92 = tpu.memref_slice %arg3[%mul3A_2] : memref<4096xi32, #tpu.memory_space<hbm>> -> memref<128xi32, #tpu.memory_space<hbm>>
      tpu.wait_dma2 semaphore(%run_scoped3A : memref<!tpu.dma_semaphore, #tpu.memory_space<semaphore_mem>>) src(%dma_wait3A_92 : memref<128xi32, #tpu.memory_space<hbm>>) dst(%arg5 : memref<128xi32, #tpu.memory_space<vmem>>)
      tpu.yield
    }) : () -> ()
    %dma_start3A = arith.constant 0 : i32
    %dma_start3A_3 = tpu.memref_slice %arg5[%dma_start3A] : memref<128xi32, #tpu.memory_space<vmem>> -> memref<32xi32, #tpu.memory_space<vmem>>
    %dma_start3A_4 = arith.constant 0 : i32
    %dma_start3A_5 = arith.constant 0 : i32
    %dma_start3A_6 = tpu.memref_slice %arg2[%dma_start3A_4, %dma_start3A_5] : memref<100000x1024xf32, #tpu.memory_space<hbm>> -> memref<100000x1024xf32, #tpu.memory_space<hbm>>
    tpu.enqueue_indirect_dma source(%dma_start3A_6 : memref<100000x1024xf32, #tpu.memory_space<hbm>>) target(%arg6 : memref<32x1024xf32, #tpu.memory_space<vmem>>) offsets(%dma_start3A_3 : memref<32xi32, #tpu.memory_space<vmem>>) semaphore(%arg8 : memref<!tpu.dma_semaphore, #tpu.memory_space<semaphore_mem>>)
    %dma_start3A_7 = arith.constant 32 : i32
    %dma_start3A_8 = tpu.memref_slice %arg5[%dma_start3A_7] : memref<128xi32, #tpu.memory_space<vmem>> -> memref<32xi32, #tpu.memory_space<vmem>>
    %dma_start3A_9 = arith.constant 0 : i32
    %dma_start3A_10 = arith.constant 0 : i32
    %dma_start3A_11 = tpu.memref_slice %arg2[%dma_start3A_9, %dma_start3A_10] : memref<100000x1024xf32, #tpu.memory_space<hbm>> -> memref<100000x1024xf32, #tpu.memory_space<hbm>>
    tpu.enqueue_indirect_dma source(%dma_start3A_11 : memref<100000x1024xf32, #tpu.memory_space<hbm>>) target(%arg7 : memref<32x1024xf32, #tpu.memory_space<vmem>>) offsets(%dma_start3A_8 : memref<32xi32, #tpu.memory_space<vmem>>) semaphore(%arg9 : memref<!tpu.dma_semaphore, #tpu.memory_space<semaphore_mem>>)
    %dma_wait3A = arith.constant 0 : i32
    %dma_wait3A_12 = tpu.memref_slice %arg5[%dma_wait3A] : memref<128xi32, #tpu.memory_space<vmem>> -> memref<32xi32, #tpu.memory_space<vmem>>
    %dma_wait3A_13 = arith.constant 0 : i32
    %dma_wait3A_14 = arith.constant 0 : i32
    %dma_wait3A_15 = tpu.memref_slice %arg2[%dma_wait3A_13, %dma_wait3A_14] : memref<100000x1024xf32, #tpu.memory_space<hbm>> -> memref<100000x1024xf32, #tpu.memory_space<hbm>>
    tpu.wait_indirect_dma semaphore(%arg8 : memref<!tpu.dma_semaphore, #tpu.memory_space<semaphore_mem>>) src(%dma_wait3A_15 : memref<100000x1024xf32, #tpu.memory_space<hbm>>) dst(%arg6 : memref<32x1024xf32, #tpu.memory_space<vmem>>)
    %add3A_16 = arith.constant 0 : i32
    %add3A_17 = arith.addi %mul3A_2, %add3A_16 : i32
    %dma_start3A_18 = arith.constant 0 : i32
    %dma_start3A_19 = tpu.memref_slice %arg4[%add3A_17, %dma_start3A_18] : memref<4096x1024xf32, #tpu.memory_space<hbm>> -> memref<32x1024xf32, #tpu.memory_space<hbm>>
    %dma_start3A_20 = arith.constant 0 : i32
    %dma_start3A_21 = tpu.memref_slice %arg4[%add3A_17, %dma_start3A_20] : memref<4096x1024xf32, #tpu.memory_space<hbm>> -> memref<32x1024xf32, #tpu.memory_space<hbm>>
    tpu.enqueue_dma source(%arg6 : memref<32x1024xf32, #tpu.memory_space<vmem>>) target(%dma_start3A_21 : memref<32x1024xf32, #tpu.memory_space<hbm>>) target_semaphore(%arg10 : memref<!tpu.dma_semaphore, #tpu.memory_space<semaphore_mem>>)
    %add3A_22 = arith.constant 0 : i32
    %add3A_23 = arith.addi %mul3A_2, %add3A_22 : i32
    %dma_wait3A_24 = arith.constant 0 : i32
    %dma_wait3A_25 = tpu.memref_slice %arg4[%add3A_23, %dma_wait3A_24] : memref<4096x1024xf32, #tpu.memory_space<hbm>> -> memref<32x1024xf32, #tpu.memory_space<hbm>>
    %dma_wait3A_26 = arith.constant 0 : i32
    %dma_wait3A_27 = tpu.memref_slice %arg4[%add3A_23, %dma_wait3A_26] : memref<4096x1024xf32, #tpu.memory_space<hbm>> -> memref<32x1024xf32, #tpu.memory_space<hbm>>
    tpu.wait_dma2 semaphore(%arg10 : memref<!tpu.dma_semaphore, #tpu.memory_space<semaphore_mem>>) src(%arg6 : memref<32x1024xf32, #tpu.memory_space<vmem>>) dst(%dma_wait3A_27 : memref<32x1024xf32, #tpu.memory_space<hbm>>)
    %dma_start3A_28 = arith.constant 64 : i32
    %dma_start3A_29 = tpu.memref_slice %arg5[%dma_start3A_28] : memref<128xi32, #tpu.memory_space<vmem>> -> memref<32xi32, #tpu.memory_space<vmem>>
    %dma_start3A_30 = arith.constant 0 : i32
    %dma_start3A_31 = arith.constant 0 : i32
    %dma_start3A_32 = tpu.memref_slice %arg2[%dma_start3A_30, %dma_start3A_31] : memref<100000x1024xf32, #tpu.memory_space<hbm>> -> memref<100000x1024xf32, #tpu.memory_space<hbm>>
    tpu.enqueue_indirect_dma source(%dma_start3A_32 : memref<100000x1024xf32, #tpu.memory_space<hbm>>) target(%arg6 : memref<32x1024xf32, #tpu.memory_space<vmem>>) offsets(%dma_start3A_29 : memref<32xi32, #tpu.memory_space<vmem>>) semaphore(%arg8 : memref<!tpu.dma_semaphore, #tpu.memory_space<semaphore_mem>>)
    %dma_wait3A_33 = arith.constant 32 : i32
    %dma_wait3A_34 = tpu.memref_slice %arg5[%dma_wait3A_33] : memref<128xi32, #tpu.memory_space<vmem>> -> memref<32xi32, #tpu.memory_space<vmem>>
    %dma_wait3A_35 = arith.constant 0 : i32
    %dma_wait3A_36 = arith.constant 0 : i32
    %dma_wait3A_37 = tpu.memref_slice %arg2[%dma_wait3A_35, %dma_wait3A_36] : memref<100000x1024xf32, #tpu.memory_space<hbm>> -> memref<100000x1024xf32, #tpu.memory_space<hbm>>
    tpu.wait_indirect_dma semaphore(%arg9 : memref<!tpu.dma_semaphore, #tpu.memory_space<semaphore_mem>>) src(%dma_wait3A_37 : memref<100000x1024xf32, #tpu.memory_space<hbm>>) dst(%arg7 : memref<32x1024xf32, #tpu.memory_space<vmem>>)
    %add3A_38 = arith.constant 32 : i32
    %add3A_39 = arith.addi %mul3A_2, %add3A_38 : i32
    %dma_start3A_40 = arith.constant 0 : i32
    %dma_start3A_41 = tpu.memref_slice %arg4[%add3A_39, %dma_start3A_40] : memref<4096x1024xf32, #tpu.memory_space<hbm>> -> memref<32x1024xf32, #tpu.memory_space<hbm>>
    %dma_start3A_42 = arith.constant 0 : i32
    %dma_start3A_43 = tpu.memref_slice %arg4[%add3A_39, %dma_start3A_42] : memref<4096x1024xf32, #tpu.memory_space<hbm>> -> memref<32x1024xf32, #tpu.memory_space<hbm>>
    tpu.enqueue_dma source(%arg7 : memref<32x1024xf32, #tpu.memory_space<vmem>>) target(%dma_start3A_43 : memref<32x1024xf32, #tpu.memory_space<hbm>>) target_semaphore(%arg11 : memref<!tpu.dma_semaphore, #tpu.memory_space<semaphore_mem>>)
    %add3A_44 = arith.constant 32 : i32
    %add3A_45 = arith.addi %mul3A_2, %add3A_44 : i32
    %dma_wait3A_46 = arith.constant 0 : i32
    %dma_wait3A_47 = tpu.memref_slice %arg4[%add3A_45, %dma_wait3A_46] : memref<4096x1024xf32, #tpu.memory_space<hbm>> -> memref<32x1024xf32, #tpu.memory_space<hbm>>
    %dma_wait3A_48 = arith.constant 0 : i32
    %dma_wait3A_49 = tpu.memref_slice %arg4[%add3A_45, %dma_wait3A_48] : memref<4096x1024xf32, #tpu.memory_space<hbm>> -> memref<32x1024xf32, #tpu.memory_space<hbm>>
    tpu.wait_dma2 semaphore(%arg11 : memref<!tpu.dma_semaphore, #tpu.memory_space<semaphore_mem>>) src(%arg7 : memref<32x1024xf32, #tpu.memory_space<vmem>>) dst(%dma_wait3A_49 : memref<32x1024xf32, #tpu.memory_space<hbm>>)
    %dma_start3A_50 = arith.constant 96 : i32
    %dma_start3A_51 = tpu.memref_slice %arg5[%dma_start3A_50] : memref<128xi32, #tpu.memory_space<vmem>> -> memref<32xi32, #tpu.memory_space<vmem>>
    %dma_start3A_52 = arith.constant 0 : i32
    %dma_start3A_53 = arith.constant 0 : i32
    %dma_start3A_54 = tpu.memref_slice %arg2[%dma_start3A_52, %dma_start3A_53] : memref<100000x1024xf32, #tpu.memory_space<hbm>> -> memref<100000x1024xf32, #tpu.memory_space<hbm>>
    tpu.enqueue_indirect_dma source(%dma_start3A_54 : memref<100000x1024xf32, #tpu.memory_space<hbm>>) target(%arg7 : memref<32x1024xf32, #tpu.memory_space<vmem>>) offsets(%dma_start3A_51 : memref<32xi32, #tpu.memory_space<vmem>>) semaphore(%arg9 : memref<!tpu.dma_semaphore, #tpu.memory_space<semaphore_mem>>)
    %dma_wait3A_55 = arith.constant 64 : i32
    %dma_wait3A_56 = tpu.memref_slice %arg5[%dma_wait3A_55] : memref<128xi32, #tpu.memory_space<vmem>> -> memref<32xi32, #tpu.memory_space<vmem>>
    %dma_wait3A_57 = arith.constant 0 : i32
    %dma_wait3A_58 = arith.constant 0 : i32
    %dma_wait3A_59 = tpu.memref_slice %arg2[%dma_wait3A_57, %dma_wait3A_58] : memref<100000x1024xf32, #tpu.memory_space<hbm>> -> memref<100000x1024xf32, #tpu.memory_space<hbm>>
    tpu.wait_indirect_dma semaphore(%arg8 : memref<!tpu.dma_semaphore, #tpu.memory_space<semaphore_mem>>) src(%dma_wait3A_59 : memref<100000x1024xf32, #tpu.memory_space<hbm>>) dst(%arg6 : memref<32x1024xf32, #tpu.memory_space<vmem>>)
    %add3A_60 = arith.constant 64 : i32
    %add3A_61 = arith.addi %mul3A_2, %add3A_60 : i32
    %dma_start3A_62 = arith.constant 0 : i32
    %dma_start3A_63 = tpu.memref_slice %arg4[%add3A_61, %dma_start3A_62] : memref<4096x1024xf32, #tpu.memory_space<hbm>> -> memref<32x1024xf32, #tpu.memory_space<hbm>>
    %dma_start3A_64 = arith.constant 0 : i32
    %dma_start3A_65 = tpu.memref_slice %arg4[%add3A_61, %dma_start3A_64] : memref<4096x1024xf32, #tpu.memory_space<hbm>> -> memref<32x1024xf32, #tpu.memory_space<hbm>>
    tpu.enqueue_dma source(%arg6 : memref<32x1024xf32, #tpu.memory_space<vmem>>) target(%dma_start3A_65 : memref<32x1024xf32, #tpu.memory_space<hbm>>) target_semaphore(%arg10 : memref<!tpu.dma_semaphore, #tpu.memory_space<semaphore_mem>>)
    %dma_wait3A_66 = arith.constant 96 : i32
    %dma_wait3A_67 = tpu.memref_slice %arg5[%dma_wait3A_66] : memref<128xi32, #tpu.memory_space<vmem>> -> memref<32xi32, #tpu.memory_space<vmem>>
    %dma_wait3A_68 = arith.constant 0 : i32
    %dma_wait3A_69 = arith.constant 0 : i32
    %dma_wait3A_70 = tpu.memref_slice %arg2[%dma_wait3A_68, %dma_wait3A_69] : memref<100000x1024xf32, #tpu.memory_space<hbm>> -> memref<100000x1024xf32, #tpu.memory_space<hbm>>
    tpu.wait_indirect_dma semaphore(%arg9 : memref<!tpu.dma_semaphore, #tpu.memory_space<semaphore_mem>>) src(%dma_wait3A_70 : memref<100000x1024xf32, #tpu.memory_space<hbm>>) dst(%arg7 : memref<32x1024xf32, #tpu.memory_space<vmem>>)
    %add3A_71 = arith.constant 96 : i32
    %add3A_72 = arith.addi %mul3A_2, %add3A_71 : i32
    %dma_start3A_73 = arith.constant 0 : i32
    %dma_start3A_74 = tpu.memref_slice %arg4[%add3A_72, %dma_start3A_73] : memref<4096x1024xf32, #tpu.memory_space<hbm>> -> memref<32x1024xf32, #tpu.memory_space<hbm>>
    %dma_start3A_75 = arith.constant 0 : i32
    %dma_start3A_76 = tpu.memref_slice %arg4[%add3A_72, %dma_start3A_75] : memref<4096x1024xf32, #tpu.memory_space<hbm>> -> memref<32x1024xf32, #tpu.memory_space<hbm>>
    tpu.enqueue_dma source(%arg7 : memref<32x1024xf32, #tpu.memory_space<vmem>>) target(%dma_start3A_76 : memref<32x1024xf32, #tpu.memory_space<hbm>>) target_semaphore(%arg11 : memref<!tpu.dma_semaphore, #tpu.memory_space<semaphore_mem>>)
    %add3A_77 = arith.constant 64 : i32
    %add3A_78 = arith.addi %mul3A_2, %add3A_77 : i32
    %dma_wait3A_79 = arith.constant 0 : i32
    %dma_wait3A_80 = tpu.memref_slice %arg4[%add3A_78, %dma_wait3A_79] : memref<4096x1024xf32, #tpu.memory_space<hbm>> -> memref<32x1024xf32, #tpu.memory_space<hbm>>
    %dma_wait3A_81 = arith.constant 0 : i32
    %dma_wait3A_82 = tpu.memref_slice %arg4[%add3A_78, %dma_wait3A_81] : memref<4096x1024xf32, #tpu.memory_space<hbm>> -> memref<32x1024xf32, #tpu.memory_space<hbm>>
    tpu.wait_dma2 semaphore(%arg10 : memref<!tpu.dma_semaphore, #tpu.memory_space<semaphore_mem>>) src(%arg6 : memref<32x1024xf32, #tpu.memory_space<vmem>>) dst(%dma_wait3A_82 : memref<32x1024xf32, #tpu.memory_space<hbm>>)
    %add3A_83 = arith.constant 96 : i32
    %add3A_84 = arith.addi %mul3A_2, %add3A_83 : i32
    %dma_wait3A_85 = arith.constant 0 : i32
    %dma_wait3A_86 = tpu.memref_slice %arg4[%add3A_84, %dma_wait3A_85] : memref<4096x1024xf32, #tpu.memory_space<hbm>> -> memref<32x1024xf32, #tpu.memory_space<hbm>>
    %dma_wait3A_87 = arith.constant 0 : i32
    %dma_wait3A_88 = tpu.memref_slice %arg4[%add3A_84, %dma_wait3A_87] : memref<4096x1024xf32, #tpu.memory_space<hbm>> -> memref<32x1024xf32, #tpu.memory_space<hbm>>
    tpu.wait_dma2 semaphore(%arg11 : memref<!tpu.dma_semaphore, #tpu.memory_space<semaphore_mem>>) src(%arg7 : memref<32x1024xf32, #tpu.memory_space<vmem>>) dst(%dma_wait3A_88 : memref<32x1024xf32, #tpu.memory_space<hbm>>)
    return
  }
}

#map = affine_map<(d0, d1) -> (0, 0)>
#map1 = affine_map<(d0, d1) -> (0)>
module attributes {stable_mosaic.version = 14 : i64} {
  func.func @gather_kernel(%arg0: i32, %arg1: i32, %arg2: memref<100000x1024xf32, #tpu.memory_space<hbm>>, %arg3: memref<4096xi32, #tpu.memory_space<hbm>>, %arg4: memref<4096x1024xf32, #tpu.memory_space<hbm>>, %arg5: memref<128xi32, #tpu.memory_space<vmem>>, %arg6: memref<32x1024xf32, #tpu.memory_space<vmem>>, %arg7: memref<32x1024xf32, #tpu.memory_space<vmem>>, %arg8: memref<!tpu.dma_semaphore, #tpu.memory_space<semaphore_mem>>, %arg9: memref<!tpu.dma_semaphore, #tpu.memory_space<semaphore_mem>>, %arg10: memref<!tpu.dma_semaphore, #tpu.memory_space<semaphore_mem>>, %arg11: memref<!tpu.dma_semaphore, #tpu.memory_space<semaphore_mem>>) attributes {dimension_semantics = [#tpu.dimension_semantics<core_parallel>, #tpu.dimension_semantics<subcore_parallel>], iteration_bounds = array<i64: 2, 16>, scalar_prefetch = 0 : i64, scratch_operands = 7 : i64, tpu.core_type = #tpu.core_type<sc_vector_subcore>, window_params = [{transform_indices = #map}, {transform_indices = #map1}, {transform_indices = #map}]} {
    %mul3A = arith.constant 2 : i32
    %mul3A_0 = arith.muli %arg1, %mul3A : i32
    %add3A = arith.addi %mul3A_0, %arg0 : i32
    %mul3A_1 = arith.constant 128 : i32
    %mul3A_2 = arith.muli %add3A, %mul3A_1 : i32
    "tpu.region"() ({
      %run_scoped3A = tpu.sem_alloc : memref<!tpu.dma_semaphore, #tpu.memory_space<semaphore_mem>>
      %dma_start3A_89 = tpu.memref_slice %arg3[%mul3A_2] : memref<4096xi32, #tpu.memory_space<hbm>> -> memref<128xi32, #tpu.memory_space<hbm>>
      %dma_start3A_90 = tpu.memref_slice %arg3[%mul3A_2] : memref<4096xi32, #tpu.memory_space<hbm>> -> memref<128xi32, #tpu.memory_space<hbm>>
      tpu.enqueue_dma source(%dma_start3A_90 : memref<128xi32, #tpu.memory_space<hbm>>) target(%arg5 : memref<128xi32, #tpu.memory_space<vmem>>) target_semaphore(%run_scoped3A : memref<!tpu.dma_semaphore, #tpu.memory_space<semaphore_mem>>)
      %dma_wait3A_91 = tpu.memref_slice %arg3[%mul3A_2] : memref<4096xi32, #tpu.memory_space<hbm>> -> memref<128xi32, #tpu.memory_space<hbm>>
      %dma_wait3A_92 = tpu.memref_slice %arg3[%mul3A_2] : memref<4096xi32, #tpu.memory_space<hbm>> -> memref<128xi32, #tpu.memory_space<hbm>>
      tpu.wait_dma2 semaphore(%run_scoped3A : memref<!tpu.dma_semaphore, #tpu.memory_space<semaphore_mem>>) src(%dma_wait3A_92 : memref<128xi32, #tpu.memory_space<hbm>>) dst(%arg5 : memref<128xi32, #tpu.memory_space<vmem>>)
      tpu.yield
    }) : () -> ()
    %dma_start3A = arith.constant 0 : i32
    %dma_start3A_3 = tpu.memref_slice %arg5[%dma_start3A] : memref<128xi32, #tpu.memory_space<vmem>> -> memref<32xi32, #tpu.memory_space<vmem>>
    %dma_start3A_4 = arith.constant 0 : i32
    %dma_start3A_5 = arith.constant 0 : i32
    %dma_start3A_6 = tpu.memref_slice %arg2[%dma_start3A_4, %dma_start3A_5] : memref<100000x1024xf32, #tpu.memory_space<hbm>> -> memref<100000x1024xf32, #tpu.memory_space<hbm>>
    tpu.enqueue_indirect_dma source(%dma_start3A_6 : memref<100000x1024xf32, #tpu.memory_space<hbm>>) target(%arg6 : memref<32x1024xf32, #tpu.memory_space<vmem>>) offsets(%dma_start3A_3 : memref<32xi32, #tpu.memory_space<vmem>>) semaphore(%arg8 : memref<!tpu.dma_semaphore, #tpu.memory_space<semaphore_mem>>)
    %dma_start3A_7 = arith.constant 32 : i32
    %dma_start3A_8 = tpu.memref_slice %arg5[%dma_start3A_7] : memref<128xi32, #tpu.memory_space<vmem>> -> memref<32xi32, #tpu.memory_space<vmem>>
    %dma_start3A_9 = arith.constant 0 : i32
    %dma_start3A_10 = arith.constant 0 : i32
    %dma_start3A_11 = tpu.memref_slice %arg2[%dma_start3A_9, %dma_start3A_10] : memref<100000x1024xf32, #tpu.memory_space<hbm>> -> memref<100000x1024xf32, #tpu.memory_space<hbm>>
    tpu.enqueue_indirect_dma source(%dma_start3A_11 : memref<100000x1024xf32, #tpu.memory_space<hbm>>) target(%arg7 : memref<32x1024xf32, #tpu.memory_space<vmem>>) offsets(%dma_start3A_8 : memref<32xi32, #tpu.memory_space<vmem>>) semaphore(%arg9 : memref<!tpu.dma_semaphore, #tpu.memory_space<semaphore_mem>>)
    %dma_wait3A = arith.constant 0 : i32
    %dma_wait3A_12 = tpu.memref_slice %arg5[%dma_wait3A] : memref<128xi32, #tpu.memory_space<vmem>> -> memref<32xi32, #tpu.memory_space<vmem>>
    %dma_wait3A_13 = arith.constant 0 : i32
    %dma_wait3A_14 = arith.constant 0 : i32
    %dma_wait3A_15 = tpu.memref_slice %arg2[%dma_wait3A_13, %dma_wait3A_14] : memref<100000x1024xf32, #tpu.memory_space<hbm>> -> memref<100000x1024xf32, #tpu.memory_space<hbm>>
    tpu.wait_indirect_dma semaphore(%arg8 : memref<!tpu.dma_semaphore, #tpu.memory_space<semaphore_mem>>) src(%dma_wait3A_15 : memref<100000x1024xf32, #tpu.memory_space<hbm>>) dst(%arg6 : memref<32x1024xf32, #tpu.memory_space<vmem>>)
    %add3A_16 = arith.constant 0 : i32
    %add3A_17 = arith.addi %mul3A_2, %add3A_16 : i32
    %dma_start3A_18 = arith.constant 0 : i32
    %dma_start3A_19 = tpu.memref_slice %arg4[%add3A_17, %dma_start3A_18] : memref<4096x1024xf32, #tpu.memory_space<hbm>> -> memref<32x1024xf32, #tpu.memory_space<hbm>>
    %dma_start3A_20 = arith.constant 0 : i32
    %dma_start3A_21 = tpu.memref_slice %arg4[%add3A_17, %dma_start3A_20] : memref<4096x1024xf32, #tpu.memory_space<hbm>> -> memref<32x1024xf32, #tpu.memory_space<hbm>>
    tpu.enqueue_dma source(%arg6 : memref<32x1024xf32, #tpu.memory_space<vmem>>) target(%dma_start3A_21 : memref<32x1024xf32, #tpu.memory_space<hbm>>) target_semaphore(%arg10 : memref<!tpu.dma_semaphore, #tpu.memory_space<semaphore_mem>>)
    %add3A_22 = arith.constant 0 : i32
    %add3A_23 = arith.addi %mul3A_2, %add3A_22 : i32
    %dma_wait3A_24 = arith.constant 0 : i32
    %dma_wait3A_25 = tpu.memref_slice %arg4[%add3A_23, %dma_wait3A_24] : memref<4096x1024xf32, #tpu.memory_space<hbm>> -> memref<32x1024xf32, #tpu.memory_space<hbm>>
    %dma_wait3A_26 = arith.constant 0 : i32
    %dma_wait3A_27 = tpu.memref_slice %arg4[%add3A_23, %dma_wait3A_26] : memref<4096x1024xf32, #tpu.memory_space<hbm>> -> memref<32x1024xf32, #tpu.memory_space<hbm>>
    tpu.wait_dma2 semaphore(%arg10 : memref<!tpu.dma_semaphore, #tpu.memory_space<semaphore_mem>>) src(%arg6 : memref<32x1024xf32, #tpu.memory_space<vmem>>) dst(%dma_wait3A_27 : memref<32x1024xf32, #tpu.memory_space<hbm>>)
    %dma_start3A_28 = arith.constant 64 : i32
    %dma_start3A_29 = tpu.memref_slice %arg5[%dma_start3A_28] : memref<128xi32, #tpu.memory_space<vmem>> -> memref<32xi32, #tpu.memory_space<vmem>>
    %dma_start3A_30 = arith.constant 0 : i32
    %dma_start3A_31 = arith.constant 0 : i32
    %dma_start3A_32 = tpu.memref_slice %arg2[%dma_start3A_30, %dma_start3A_31] : memref<100000x1024xf32, #tpu.memory_space<hbm>> -> memref<100000x1024xf32, #tpu.memory_space<hbm>>
    tpu.enqueue_indirect_dma source(%dma_start3A_32 : memref<100000x1024xf32, #tpu.memory_space<hbm>>) target(%arg6 : memref<32x1024xf32, #tpu.memory_space<vmem>>) offsets(%dma_start3A_29 : memref<32xi32, #tpu.memory_space<vmem>>) semaphore(%arg8 : memref<!tpu.dma_semaphore, #tpu.memory_space<semaphore_mem>>)
    %dma_wait3A_33 = arith.constant 32 : i32
    %dma_wait3A_34 = tpu.memref_slice %arg5[%dma_wait3A_33] : memref<128xi32, #tpu.memory_space<vmem>> -> memref<32xi32, #tpu.memory_space<vmem>>
    %dma_wait3A_35 = arith.constant 0 : i32
    %dma_wait3A_36 = arith.constant 0 : i32
    %dma_wait3A_37 = tpu.memref_slice %arg2[%dma_wait3A_35, %dma_wait3A_36] : memref<100000x1024xf32, #tpu.memory_space<hbm>> -> memref<100000x1024xf32, #tpu.memory_space<hbm>>
    tpu.wait_indirect_dma semaphore(%arg9 : memref<!tpu.dma_semaphore, #tpu.memory_space<semaphore_mem>>) src(%dma_wait3A_37 : memref<100000x1024xf32, #tpu.memory_space<hbm>>) dst(%arg7 : memref<32x1024xf32, #tpu.memory_space<vmem>>)
    %add3A_38 = arith.constant 32 : i32
    %add3A_39 = arith.addi %mul3A_2, %add3A_38 : i32
    %dma_start3A_40 = arith.constant 0 : i32
    %dma_start3A_41 = tpu.memref_slice %arg4[%add3A_39, %dma_start3A_40] : memref<4096x1024xf32, #tpu.memory_space<hbm>> -> memref<32x1024xf32, #tpu.memory_space<hbm>>
    %dma_start3A_42 = arith.constant 0 : i32
    %dma_start3A_43 = tpu.memref_slice %arg4[%add3A_39, %dma_start3A_42] : memref<4096x1024xf32, #tpu.memory_space<hbm>> -> memref<32x1024xf32, #tpu.memory_space<hbm>>
    tpu.enqueue_dma source(%arg7 : memref<32x1024xf32, #tpu.memory_space<vmem>>) target(%dma_start3A_43 : memref<32x1024xf32, #tpu.memory_space<hbm>>) target_semaphore(%arg11 : memref<!tpu.dma_semaphore, #tpu.memory_space<semaphore_mem>>)
    %add3A_44 = arith.constant 32 : i32
    %add3A_45 = arith.addi %mul3A_2, %add3A_44 : i32
    %dma_wait3A_46 = arith.constant 0 : i32
    %dma_wait3A_47 = tpu.memref_slice %arg4[%add3A_45, %dma_wait3A_46] : memref<4096x1024xf32, #tpu.memory_space<hbm>> -> memref<32x1024xf32, #tpu.memory_space<hbm>>
    %dma_wait3A_48 = arith.constant 0 : i32
    %dma_wait3A_49 = tpu.memref_slice %arg4[%add3A_45, %dma_wait3A_48] : memref<4096x1024xf32, #tpu.memory_space<hbm>> -> memref<32x1024xf32, #tpu.memory_space<hbm>>
    tpu.wait_dma2 semaphore(%arg11 : memref<!tpu.dma_semaphore, #tpu.memory_space<semaphore_mem>>) src(%arg7 : memref<32x1024xf32, #tpu.memory_space<vmem>>) dst(%dma_wait3A_49 : memref<32x1024xf32, #tpu.memory_space<hbm>>)
    %dma_start3A_50 = arith.constant 96 : i32
    %dma_start3A_51 = tpu.memref_slice %arg5[%dma_start3A_50] : memref<128xi32, #tpu.memory_space<vmem>> -> memref<32xi32, #tpu.memory_space<vmem>>
    %dma_start3A_52 = arith.constant 0 : i32
    %dma_start3A_53 = arith.constant 0 : i32
    %dma_start3A_54 = tpu.memref_slice %arg2[%dma_start3A_52, %dma_start3A_53] : memref<100000x1024xf32, #tpu.memory_space<hbm>> -> memref<100000x1024xf32, #tpu.memory_space<hbm>>
    tpu.enqueue_indirect_dma source(%dma_start3A_54 : memref<100000x1024xf32, #tpu.memory_space<hbm>>) target(%arg7 : memref<32x1024xf32, #tpu.memory_space<vmem>>) offsets(%dma_start3A_51 : memref<32xi32, #tpu.memory_space<vmem>>) semaphore(%arg9 : memref<!tpu.dma_semaphore, #tpu.memory_space<semaphore_mem>>)
    %dma_wait3A_55 = arith.constant 64 : i32
    %dma_wait3A_56 = tpu.memref_slice %arg5[%dma_wait3A_55] : memref<128xi32, #tpu.memory_space<vmem>> -> memref<32xi32, #tpu.memory_space<vmem>>
    %dma_wait3A_57 = arith.constant 0 : i32
    %dma_wait3A_58 = arith.constant 0 : i32
    %dma_wait3A_59 = tpu.memref_slice %arg2[%dma_wait3A_57, %dma_wait3A_58] : memref<100000x1024xf32, #tpu.memory_space<hbm>> -> memref<100000x1024xf32, #tpu.memory_space<hbm>>
    tpu.wait_indirect_dma semaphore(%arg8 : memref<!tpu.dma_semaphore, #tpu.memory_space<semaphore_mem>>) src(%dma_wait3A_59 : memref<100000x1024xf32, #tpu.memory_space<hbm>>) dst(%arg6 : memref<32x1024xf32, #tpu.memory_space<vmem>>)
    %add3A_60 = arith.constant 64 : i32
    %add3A_61 = arith.addi %mul3A_2, %add3A_60 : i32
    %dma_start3A_62 = arith.constant 0 : i32
    %dma_start3A_63 = tpu.memref_slice %arg4[%add3A_61, %dma_start3A_62] : memref<4096x1024xf32, #tpu.memory_space<hbm>> -> memref<32x1024xf32, #tpu.memory_space<hbm>>
    %dma_start3A_64 = arith.constant 0 : i32
    %dma_start3A_65 = tpu.memref_slice %arg4[%add3A_61, %dma_start3A_64] : memref<4096x1024xf32, #tpu.memory_space<hbm>> -> memref<32x1024xf32, #tpu.memory_space<hbm>>
    tpu.enqueue_dma source(%arg6 : memref<32x1024xf32, #tpu.memory_space<vmem>>) target(%dma_start3A_65 : memref<32x1024xf32, #tpu.memory_space<hbm>>) target_semaphore(%arg10 : memref<!tpu.dma_semaphore, #tpu.memory_space<semaphore_mem>>)
    %dma_wait3A_66 = arith.constant 96 : i32
    %dma_wait3A_67 = tpu.memref_slice %arg5[%dma_wait3A_66] : memref<128xi32, #tpu.memory_space<vmem>> -> memref<32xi32, #tpu.memory_space<vmem>>
    %dma_wait3A_68 = arith.constant 0 : i32
    %dma_wait3A_69 = arith.constant 0 : i32
    %dma_wait3A_70 = tpu.memref_slice %arg2[%dma_wait3A_68, %dma_wait3A_69] : memref<100000x1024xf32, #tpu.memory_space<hbm>> -> memref<100000x1024xf32, #tpu.memory_space<hbm>>
    tpu.wait_indirect_dma semaphore(%arg9 : memref<!tpu.dma_semaphore, #tpu.memory_space<semaphore_mem>>) src(%dma_wait3A_70 : memref<100000x1024xf32, #tpu.memory_space<hbm>>) dst(%arg7 : memref<32x1024xf32, #tpu.memory_space<vmem>>)
    %add3A_71 = arith.constant 96 : i32
    %add3A_72 = arith.addi %mul3A_2, %add3A_71 : i32
    %dma_start3A_73 = arith.constant 0 : i32
    %dma_start3A_74 = tpu.memref_slice %arg4[%add3A_72, %dma_start3A_73] : memref<4096x1024xf32, #tpu.memory_space<hbm>> -> memref<32x1024xf32, #tpu.memory_space<hbm>>
    %dma_start3A_75 = arith.constant 0 : i32
    %dma_start3A_76 = tpu.memref_slice %arg4[%add3A_72, %dma_start3A_75] : memref<4096x1024xf32, #tpu.memory_space<hbm>> -> memref<32x1024xf32, #tpu.memory_space<hbm>>
    tpu.enqueue_dma source(%arg7 : memref<32x1024xf32, #tpu.memory_space<vmem>>) target(%dma_start3A_76 : memref<32x1024xf32, #tpu.memory_space<hbm>>) target_semaphore(%arg11 : memref<!tpu.dma_semaphore, #tpu.memory_space<semaphore_mem>>)
    %add3A_77 = arith.constant 64 : i32
    %add3A_78 = arith.addi %mul3A_2, %add3A_77 : i32
    %dma_wait3A_79 = arith.constant 0 : i32
    %dma_wait3A_80 = tpu.memref_slice %arg4[%add3A_78, %dma_wait3A_79] : memref<4096x1024xf32, #tpu.memory_space<hbm>> -> memref<32x1024xf32, #tpu.memory_space<hbm>>
    %dma_wait3A_81 = arith.constant 0 : i32
    %dma_wait3A_82 = tpu.memref_slice %arg4[%add3A_78, %dma_wait3A_81] : memref<4096x1024xf32, #tpu.memory_space<hbm>> -> memref<32x1024xf32, #tpu.memory_space<hbm>>
    tpu.wait_dma2 semaphore(%arg10 : memref<!tpu.dma_semaphore, #tpu.memory_space<semaphore_mem>>) src(%arg6 : memref<32x1024xf32, #tpu.memory_space<vmem>>) dst(%dma_wait3A_82 : memref<32x1024xf32, #tpu.memory_space<hbm>>)
    %add3A_83 = arith.constant 96 : i32
    %add3A_84 = arith.addi %mul3A_2, %add3A_83 : i32
    %dma_wait3A_85 = arith.constant 0 : i32
    %dma_wait3A_86 = tpu.memref_slice %arg4[%add3A_84, %dma_wait3A_85] : memref<4096x1024xf32, #tpu.memory_space<hbm>> -> memref<32x1024xf32, #tpu.memory_space<hbm>>
    %dma_wait3A_87 = arith.constant 0 : i32
    %dma_wait3A_88 = tpu.memref_slice %arg4[%add3A_84, %dma_wait3A_87] : memref<4096x1024xf32, #tpu.memory_space<hbm>> -> memref<32x1024xf32, #tpu.memory_space<hbm>>
    tpu.wait_dma2 semaphore(%arg11 : memref<!tpu.dma_semaphore, #tpu.memory_space<semaphore_mem>>) src(%arg7 : memref<32x1024xf32, #tpu.memory_space<vmem>>) dst(%dma_wait3A_88 : memref<32x1024xf32, #tpu.memory_space<hbm>>)
    return
  }
}

module attributes {stable_mosaic.version = 14 : i64} {
  func.func @body(%arg0: i32, %arg1: memref<16384x1024xf32, #tpu.memory_space<any>>, %arg2: memref<2048x1024xf32, #tpu.memory_space<vmem>>, %arg3: memref<1x1x2048xi32, #tpu.memory_space<vmem>>, %arg4: memref<1024x1024xbf16, #tpu.memory_space<vmem>>, %arg5: memref<1024x64xbf16, #tpu.memory_space<vmem>>, %arg6: memref<20x64xbf16, #tpu.memory_space<vmem>>, %arg7: memref<1x1024xf32, #tpu.memory_space<vmem>>, %arg8: memref<2048x1024xf32, #tpu.memory_space<vmem>>) attributes {dimension_semantics = [#tpu.dimension_semantics<arbitrary>], iteration_bounds = array<i64: 2>, scalar_prefetch = 0 : i64, scratch_operands = 0 : i64, tpu.core_type = #tpu.core_type<tc>, window_params = [{}, {transform_indices = @transform_1, window_bounds = array<i64: 2048, 1024>}, {transform_indices = @transform_2, window_bounds = array<i64: 1, 1, 2048>}, {pipeline_mode = #tpu.pipeline_mode<synchronous>, transform_indices = @transform_3, window_bounds = array<i64: 1024, 1024>}, {pipeline_mode = #tpu.pipeline_mode<synchronous>, transform_indices = @transform_4, window_bounds = array<i64: 1024, 64>}, {pipeline_mode = #tpu.pipeline_mode<synchronous>, transform_indices = @transform_5, window_bounds = array<i64: 20, 64>}, {pipeline_mode = #tpu.pipeline_mode<synchronous>, transform_indices = @transform_6, window_bounds = array<i64: 1, 1024>}, {transform_indices = @transform_7, window_bounds = array<i64: 2048, 1024>}]} {
    %get3A = arith.constant 0 : index
    %get3A_0 = arith.constant 0 : index
    %get3A_1 = vector.load %arg2[%get3A, %get3A_0] : memref<2048x1024xf32, #tpu.memory_space<vmem>>, vector<2048x1024xf32>
    %convert_element_type3A = arith.truncf %get3A_1 : vector<2048x1024xf32> to vector<2048x1024xbf16>
    %get3A_2 = arith.constant 0 : index
    %get3A_3 = arith.constant 0 : index
    %get3A_4 = vector.load %arg6[%get3A_2, %get3A_3] : memref<20x64xbf16, #tpu.memory_space<vmem>>, vector<20x64xbf16>
    %get3A_5 = arith.constant 0 : index
    %get3A_6 = arith.constant 0 : index
    %get3A_7 = vector.load %arg5[%get3A_5, %get3A_6] : memref<1024x64xbf16, #tpu.memory_space<vmem>>, vector<1024x64xbf16>
    %dot_general3A = arith.constant dense<0.000000e+00> : vector<20x1024xf32>
    %dot_general3A_8 = tpu.matmul %get3A_4, %get3A_7, %dot_general3A {dimension_numbers = #tpu.dot_dimension_numbers<[1], [1], [0], [0], [0, 0, 1, 0], [], []>, transpose_lhs_hint = false} : vector<20x64xbf16>, vector<1024x64xbf16>, vector<20x1024xf32> -> vector<20x1024xf32>
    %get3A_9 = arith.constant 0 : index
    %get3A_10 = arith.constant 0 : index
    %get3A_11 = arith.constant 0 : index
    %get3A_12 = vector.load %arg3[%get3A_9, %get3A_10, %get3A_11] : memref<1x1x2048xi32, #tpu.memory_space<vmem>>, vector<1x1x2048xi32>
    %get3A_13 = vector.shape_cast %get3A_12 : vector<1x1x2048xi32> to vector<2048xi32>
    %broadcast_in_dim3A = vector.shape_cast %get3A_13 : vector<2048xi32> to vector<2048x1xi32>
    %iota3A = tpu.iota {dimensions = array<i32: 1>} : vector<2048x20xi32>
    %eq3A = vector.broadcast %broadcast_in_dim3A : vector<2048x1xi32> to vector<2048x20xi32>
    %eq3A_14 = arith.cmpi eq, %eq3A, %iota3A : vector<2048x20xi32>
    %convert_element_type3A_15 = arith.extui %eq3A_14 : vector<2048x20xi1> to vector<2048x20xi32>
    %convert_element_type3A_16 = arith.sitofp %convert_element_type3A_15 : vector<2048x20xi32> to vector<2048x20xf32>
    %convert_element_type3A_17 = arith.truncf %convert_element_type3A_16 : vector<2048x20xf32> to vector<2048x20xbf16>
    %get3A_18 = arith.constant 0 : index
    %get3A_19 = arith.constant 0 : index
    %get3A_20 = vector.load %arg4[%get3A_18, %get3A_19] : memref<1024x1024xbf16, #tpu.memory_space<vmem>>, vector<1024x1024xbf16>
    %dot_general3A_21 = arith.constant dense<0.000000e+00> : vector<2048x1024xf32>
    %dot_general3A_22 = tpu.matmul %convert_element_type3A, %get3A_20, %dot_general3A_21 {dimension_numbers = #tpu.dot_dimension_numbers<[1], [1], [0], [0], [0, 0, 1, 0], [], []>, transpose_lhs_hint = false} : vector<2048x1024xbf16>, vector<1024x1024xbf16>, vector<2048x1024xf32> -> vector<2048x1024xf32>
    %convert_element_type3A_23 = arith.truncf %dot_general3A_8 : vector<20x1024xf32> to vector<20x1024xbf16>
    %dot_general3A_24 = arith.constant dense<0.000000e+00> : vector<2048x1024xf32>
    %dot_general3A_25 = tpu.matmul %convert_element_type3A_17, %convert_element_type3A_23, %dot_general3A_24 {dimension_numbers = #tpu.dot_dimension_numbers<[1], [0], [0], [1], [0, 0, 1, 1], [], []>, transpose_lhs_hint = false} : vector<2048x20xbf16>, vector<20x1024xbf16>, vector<2048x1024xf32> -> vector<2048x1024xf32>
    %add3A = arith.addf %dot_general3A_22, %dot_general3A_25 : vector<2048x1024xf32>
    %get3A_26 = arith.constant 0 : index
    %get3A_27 = arith.constant 0 : index
    %get3A_28 = vector.load %arg7[%get3A_26, %get3A_27] : memref<1x1024xf32, #tpu.memory_space<vmem>>, vector<1x1024xf32>
    %add3A_29 = vector.broadcast %get3A_28 : vector<1x1024xf32> to vector<2048x1024xf32>
    %add3A_30 = arith.addf %add3A, %add3A_29 : vector<2048x1024xf32>
    %swap3A = arith.constant 0 : index
    %swap3A_31 = arith.constant 0 : index
    %swap3A_32 = vector.load %arg8[%swap3A, %swap3A_31] : memref<2048x1024xf32, #tpu.memory_space<vmem>>, vector<2048x1024xf32>
    tpu.vector_store %arg8[%swap3A, %swap3A_31], %add3A_30 {strides = array<i32>} : memref<2048x1024xf32, #tpu.memory_space<vmem>>, vector<2048x1024xf32>,
    return
  }
  func.func @transform_1(%arg0: i32) -> (i32, i32) {
    %c0_i32 = arith.constant 0 : i32
    %c0_i32_0 = arith.constant 0 : i32
    return %arg0, %c0_i32 : i32, i32
  }
  func.func @transform_2(%arg0: i32) -> (i32, i32, i32) {
    %c0_i32 = arith.constant 0 : i32
    %c0_i32_0 = arith.constant 0 : i32
    %c0_i32_1 = arith.constant 0 : i32
    return %arg0, %c0_i32, %c0_i32_0 : i32, i32, i32
  }
  func.func @transform_3(%arg0: i32) -> (i32, i32) {
    %c0_i32 = arith.constant 0 : i32
    %c0_i32_0 = arith.constant 0 : i32
    %c0_i32_1 = arith.constant 0 : i32
    return %c0_i32, %c0_i32_0 : i32, i32
  }
  func.func @transform_4(%arg0: i32) -> (i32, i32) {
    %c0_i32 = arith.constant 0 : i32
    %c0_i32_0 = arith.constant 0 : i32
    %c0_i32_1 = arith.constant 0 : i32
    return %c0_i32, %c0_i32_0 : i32, i32
  }
  func.func @transform_5(%arg0: i32) -> (i32, i32) {
    %c0_i32 = arith.constant 0 : i32
    %c0_i32_0 = arith.constant 0 : i32
    %c0_i32_1 = arith.constant 0 : i32
    return %c0_i32, %c0_i32_0 : i32, i32
  }
  func.func @transform_6(%arg0: i32) -> (i32, i32) {
    %c0_i32 = arith.constant 0 : i32
    %c0_i32_0 = arith.constant 0 : i32
    %c0_i32_1 = arith.constant 0 : i32
    return %c0_i32, %c0_i32_0 : i32, i32
  }
  func.func @transform_7(%arg0: i32) -> (i32, i32) {
    %add3A = arith.constant 2 : i32
    %add3A_0 = arith.addi %add3A, %arg0 : i32
    %c0_i32 = arith.constant 0 : i32
    %c0_i32_1 = arith.constant 0 : i32
    return %add3A_0, %c0_i32 : i32, i32
  }
}

module attributes {stable_mosaic.version = 14 : i64} {
  func.func @body(%arg0: i32, %arg1: memref<2048x1024xf32, #tpu.memory_space<vmem>>, %arg2: memref<1x1x2048xi32, #tpu.memory_space<vmem>>, %arg3: memref<1024x1024xbf16, #tpu.memory_space<vmem>>, %arg4: memref<1024x64xbf16, #tpu.memory_space<vmem>>, %arg5: memref<20x64xbf16, #tpu.memory_space<vmem>>, %arg6: memref<1x1024xf32, #tpu.memory_space<vmem>>, %arg7: memref<2048x1024xf32, #tpu.memory_space<vmem>>) attributes {dimension_semantics = [#tpu.dimension_semantics<arbitrary>], iteration_bounds = array<i64: 2>, scalar_prefetch = 0 : i64, scratch_operands = 0 : i64, tpu.core_type = #tpu.core_type<tc>, window_params = [{transform_indices = @transform_0, window_bounds = array<i64: 2048, 1024>}, {transform_indices = @transform_1, window_bounds = array<i64: 1, 1, 2048>}, {pipeline_mode = #tpu.pipeline_mode<synchronous>, transform_indices = @transform_2, window_bounds = array<i64: 1024, 1024>}, {pipeline_mode = #tpu.pipeline_mode<synchronous>, transform_indices = @transform_3, window_bounds = array<i64: 1024, 64>}, {pipeline_mode = #tpu.pipeline_mode<synchronous>, transform_indices = @transform_4, window_bounds = array<i64: 20, 64>}, {pipeline_mode = #tpu.pipeline_mode<synchronous>, transform_indices = @transform_5, window_bounds = array<i64: 1, 1024>}, {transform_indices = @transform_6, window_bounds = array<i64: 2048, 1024>}]} {
    %get3A = arith.constant 0 : index
    %get3A_0 = arith.constant 0 : index
    %get3A_1 = vector.load %arg1[%get3A, %get3A_0] : memref<2048x1024xf32, #tpu.memory_space<vmem>>, vector<2048x1024xf32>
    %convert_element_type3A = arith.truncf %get3A_1 : vector<2048x1024xf32> to vector<2048x1024xbf16>
    %get3A_2 = arith.constant 0 : index
    %get3A_3 = arith.constant 0 : index
    %get3A_4 = vector.load %arg5[%get3A_2, %get3A_3] : memref<20x64xbf16, #tpu.memory_space<vmem>>, vector<20x64xbf16>
    %get3A_5 = arith.constant 0 : index
    %get3A_6 = arith.constant 0 : index
    %get3A_7 = vector.load %arg4[%get3A_5, %get3A_6] : memref<1024x64xbf16, #tpu.memory_space<vmem>>, vector<1024x64xbf16>
    %dot_general3A = arith.constant dense<0.000000e+00> : vector<20x1024xf32>
    %dot_general3A_8 = tpu.matmul %get3A_4, %get3A_7, %dot_general3A {dimension_numbers = #tpu.dot_dimension_numbers<[1], [1], [0], [0], [0, 0, 1, 0], [], []>, transpose_lhs_hint = false} : vector<20x64xbf16>, vector<1024x64xbf16>, vector<20x1024xf32> -> vector<20x1024xf32>
    %get3A_9 = arith.constant 0 : index
    %get3A_10 = arith.constant 0 : index
    %get3A_11 = arith.constant 0 : index
    %get3A_12 = vector.load %arg2[%get3A_9, %get3A_10, %get3A_11] : memref<1x1x2048xi32, #tpu.memory_space<vmem>>, vector<1x1x2048xi32>
    %get3A_13 = vector.shape_cast %get3A_12 : vector<1x1x2048xi32> to vector<2048xi32>
    %broadcast_in_dim3A = vector.shape_cast %get3A_13 : vector<2048xi32> to vector<2048x1xi32>
    %iota3A = tpu.iota {dimensions = array<i32: 1>} : vector<2048x20xi32>
    %eq3A = vector.broadcast %broadcast_in_dim3A : vector<2048x1xi32> to vector<2048x20xi32>
    %eq3A_14 = arith.cmpi eq, %eq3A, %iota3A : vector<2048x20xi32>
    %convert_element_type3A_15 = arith.extui %eq3A_14 : vector<2048x20xi1> to vector<2048x20xi32>
    %convert_element_type3A_16 = arith.sitofp %convert_element_type3A_15 : vector<2048x20xi32> to vector<2048x20xf32>
    %convert_element_type3A_17 = arith.truncf %convert_element_type3A_16 : vector<2048x20xf32> to vector<2048x20xbf16>
    %get3A_18 = arith.constant 0 : index
    %get3A_19 = arith.constant 0 : index
    %get3A_20 = vector.load %arg3[%get3A_18, %get3A_19] : memref<1024x1024xbf16, #tpu.memory_space<vmem>>, vector<1024x1024xbf16>
    %dot_general3A_21 = arith.constant dense<0.000000e+00> : vector<2048x1024xf32>
    %dot_general3A_22 = tpu.matmul %convert_element_type3A, %get3A_20, %dot_general3A_21 {dimension_numbers = #tpu.dot_dimension_numbers<[1], [1], [0], [0], [0, 0, 1, 0], [], []>, transpose_lhs_hint = false} : vector<2048x1024xbf16>, vector<1024x1024xbf16>, vector<2048x1024xf32> -> vector<2048x1024xf32>
    %convert_element_type3A_23 = arith.truncf %dot_general3A_8 : vector<20x1024xf32> to vector<20x1024xbf16>
    %dot_general3A_24 = arith.constant dense<0.000000e+00> : vector<2048x1024xf32>
    %dot_general3A_25 = tpu.matmul %convert_element_type3A_17, %convert_element_type3A_23, %dot_general3A_24 {dimension_numbers = #tpu.dot_dimension_numbers<[1], [0], [0], [1], [0, 0, 1, 1], [], []>, transpose_lhs_hint = false} : vector<2048x20xbf16>, vector<20x1024xbf16>, vector<2048x1024xf32> -> vector<2048x1024xf32>
    %add3A = arith.addf %dot_general3A_22, %dot_general3A_25 : vector<2048x1024xf32>
    %get3A_26 = arith.constant 0 : index
    %get3A_27 = arith.constant 0 : index
    %get3A_28 = vector.load %arg6[%get3A_26, %get3A_27] : memref<1x1024xf32, #tpu.memory_space<vmem>>, vector<1x1024xf32>
    %add3A_29 = vector.broadcast %get3A_28 : vector<1x1024xf32> to vector<2048x1024xf32>
    %add3A_30 = arith.addf %add3A, %add3A_29 : vector<2048x1024xf32>
    %swap3A = arith.constant 0 : index
    %swap3A_31 = arith.constant 0 : index
    %swap3A_32 = vector.load %arg7[%swap3A, %swap3A_31] : memref<2048x1024xf32, #tpu.memory_space<vmem>>, vector<2048x1024xf32>
    tpu.vector_store %arg7[%swap3A, %swap3A_31], %add3A_30 {strides = array<i32>} : memref<2048x1024xf32, #tpu.memory_space<vmem>>, vector<2048x1024xf32>,
    return
  }
  func.func @transform_0(%arg0: i32) -> (i32, i32) {
    %c0_i32 = arith.constant 0 : i32
    %c0_i32_0 = arith.constant 0 : i32
    return %arg0, %c0_i32 : i32, i32
  }
  func.func @transform_1(%arg0: i32) -> (i32, i32, i32) {
    %c0_i32 = arith.constant 0 : i32
    %c0_i32_0 = arith.constant 0 : i32
    %c0_i32_1 = arith.constant 0 : i32
    return %arg0, %c0_i32, %c0_i32_0 : i32, i32, i32
  }
  func.func @transform_2(%arg0: i32) -> (i32, i32) {
    %c0_i32 = arith.constant 0 : i32
    %c0_i32_0 = arith.constant 0 : i32
    %c0_i32_1 = arith.constant 0 : i32
    return %c0_i32, %c0_i32_0 : i32, i32
  }
  func.func @transform_3(%arg0: i32) -> (i32, i32) {
    %c0_i32 = arith.constant 0 : i32
    %c0_i32_0 = arith.constant 0 : i32
    %c0_i32_1 = arith.constant 0 : i32
    return %c0_i32, %c0_i32_0 : i32, i32
  }
  func.func @transform_4(%arg0: i32) -> (i32, i32) {
    %c0_i32 = arith.constant 0 : i32
    %c0_i32_0 = arith.constant 0 : i32
    %c0_i32_1 = arith.constant 0 : i32
    return %c0_i32, %c0_i32_0 : i32, i32
  }
  func.func @transform_5(%arg0: i32) -> (i32, i32) {
    %c0_i32 = arith.constant 0 : i32
    %c0_i32_0 = arith.constant 0 : i32
    %c0_i32_1 = arith.constant 0 : i32
    return %c0_i32, %c0_i32_0 : i32, i32
  }
  func.func @transform_6(%arg0: i32) -> (i32, i32) {
    %add3A = arith.constant 0 : i32
    %add3A_0 = arith.addi %add3A, %arg0 : i32
    %c0_i32 = arith.constant 0 : i32
    %c0_i32_1 = arith.constant 0 : i32
    return %add3A_0, %c0_i32 : i32, i32
  }
}

module attributes {stable_mosaic.version = 14 : i64} {
  func.func @body(%arg0: i32, %arg1: memref<16384x1024xf32, #tpu.memory_space<any>>, %arg2: memref<2048x1024xf32, #tpu.memory_space<vmem>>, %arg3: memref<1x1x2048xi32, #tpu.memory_space<vmem>>, %arg4: memref<1024x1024xbf16, #tpu.memory_space<vmem>>, %arg5: memref<1024x64xbf16, #tpu.memory_space<vmem>>, %arg6: memref<20x64xbf16, #tpu.memory_space<vmem>>, %arg7: memref<1x1024xf32, #tpu.memory_space<vmem>>, %arg8: memref<2048x1024xf32, #tpu.memory_space<vmem>>) attributes {dimension_semantics = [#tpu.dimension_semantics<arbitrary>], iteration_bounds = array<i64: 2>, scalar_prefetch = 0 : i64, scratch_operands = 0 : i64, tpu.core_type = #tpu.core_type<tc>, window_params = [{}, {transform_indices = @transform_1, window_bounds = array<i64: 2048, 1024>}, {transform_indices = @transform_2, window_bounds = array<i64: 1, 1, 2048>}, {pipeline_mode = #tpu.pipeline_mode<synchronous>, transform_indices = @transform_3, window_bounds = array<i64: 1024, 1024>}, {pipeline_mode = #tpu.pipeline_mode<synchronous>, transform_indices = @transform_4, window_bounds = array<i64: 1024, 64>}, {pipeline_mode = #tpu.pipeline_mode<synchronous>, transform_indices = @transform_5, window_bounds = array<i64: 20, 64>}, {pipeline_mode = #tpu.pipeline_mode<synchronous>, transform_indices = @transform_6, window_bounds = array<i64: 1, 1024>}, {transform_indices = @transform_7, window_bounds = array<i64: 2048, 1024>}]} {
    %get3A = arith.constant 0 : index
    %get3A_0 = arith.constant 0 : index
    %get3A_1 = vector.load %arg2[%get3A, %get3A_0] : memref<2048x1024xf32, #tpu.memory_space<vmem>>, vector<2048x1024xf32>
    %convert_element_type3A = arith.truncf %get3A_1 : vector<2048x1024xf32> to vector<2048x1024xbf16>
    %get3A_2 = arith.constant 0 : index
    %get3A_3 = arith.constant 0 : index
    %get3A_4 = vector.load %arg6[%get3A_2, %get3A_3] : memref<20x64xbf16, #tpu.memory_space<vmem>>, vector<20x64xbf16>
    %get3A_5 = arith.constant 0 : index
    %get3A_6 = arith.constant 0 : index
    %get3A_7 = vector.load %arg5[%get3A_5, %get3A_6] : memref<1024x64xbf16, #tpu.memory_space<vmem>>, vector<1024x64xbf16>
    %dot_general3A = arith.constant dense<0.000000e+00> : vector<20x1024xf32>
    %dot_general3A_8 = tpu.matmul %get3A_4, %get3A_7, %dot_general3A {dimension_numbers = #tpu.dot_dimension_numbers<[1], [1], [0], [0], [0, 0, 1, 0], [], []>, transpose_lhs_hint = false} : vector<20x64xbf16>, vector<1024x64xbf16>, vector<20x1024xf32> -> vector<20x1024xf32>
    %get3A_9 = arith.constant 0 : index
    %get3A_10 = arith.constant 0 : index
    %get3A_11 = arith.constant 0 : index
    %get3A_12 = vector.load %arg3[%get3A_9, %get3A_10, %get3A_11] : memref<1x1x2048xi32, #tpu.memory_space<vmem>>, vector<1x1x2048xi32>
    %get3A_13 = vector.shape_cast %get3A_12 : vector<1x1x2048xi32> to vector<2048xi32>
    %broadcast_in_dim3A = vector.shape_cast %get3A_13 : vector<2048xi32> to vector<2048x1xi32>
    %iota3A = tpu.iota {dimensions = array<i32: 1>} : vector<2048x20xi32>
    %eq3A = vector.broadcast %broadcast_in_dim3A : vector<2048x1xi32> to vector<2048x20xi32>
    %eq3A_14 = arith.cmpi eq, %eq3A, %iota3A : vector<2048x20xi32>
    %convert_element_type3A_15 = arith.extui %eq3A_14 : vector<2048x20xi1> to vector<2048x20xi32>
    %convert_element_type3A_16 = arith.sitofp %convert_element_type3A_15 : vector<2048x20xi32> to vector<2048x20xf32>
    %convert_element_type3A_17 = arith.truncf %convert_element_type3A_16 : vector<2048x20xf32> to vector<2048x20xbf16>
    %get3A_18 = arith.constant 0 : index
    %get3A_19 = arith.constant 0 : index
    %get3A_20 = vector.load %arg4[%get3A_18, %get3A_19] : memref<1024x1024xbf16, #tpu.memory_space<vmem>>, vector<1024x1024xbf16>
    %dot_general3A_21 = arith.constant dense<0.000000e+00> : vector<2048x1024xf32>
    %dot_general3A_22 = tpu.matmul %convert_element_type3A, %get3A_20, %dot_general3A_21 {dimension_numbers = #tpu.dot_dimension_numbers<[1], [1], [0], [0], [0, 0, 1, 0], [], []>, transpose_lhs_hint = false} : vector<2048x1024xbf16>, vector<1024x1024xbf16>, vector<2048x1024xf32> -> vector<2048x1024xf32>
    %convert_element_type3A_23 = arith.truncf %dot_general3A_8 : vector<20x1024xf32> to vector<20x1024xbf16>
    %dot_general3A_24 = arith.constant dense<0.000000e+00> : vector<2048x1024xf32>
    %dot_general3A_25 = tpu.matmul %convert_element_type3A_17, %convert_element_type3A_23, %dot_general3A_24 {dimension_numbers = #tpu.dot_dimension_numbers<[1], [0], [0], [1], [0, 0, 1, 1], [], []>, transpose_lhs_hint = false} : vector<2048x20xbf16>, vector<20x1024xbf16>, vector<2048x1024xf32> -> vector<2048x1024xf32>
    %add3A = arith.addf %dot_general3A_22, %dot_general3A_25 : vector<2048x1024xf32>
    %get3A_26 = arith.constant 0 : index
    %get3A_27 = arith.constant 0 : index
    %get3A_28 = vector.load %arg7[%get3A_26, %get3A_27] : memref<1x1024xf32, #tpu.memory_space<vmem>>, vector<1x1024xf32>
    %add3A_29 = vector.broadcast %get3A_28 : vector<1x1024xf32> to vector<2048x1024xf32>
    %add3A_30 = arith.addf %add3A, %add3A_29 : vector<2048x1024xf32>
    %swap3A = arith.constant 0 : index
    %swap3A_31 = arith.constant 0 : index
    %swap3A_32 = vector.load %arg8[%swap3A, %swap3A_31] : memref<2048x1024xf32, #tpu.memory_space<vmem>>, vector<2048x1024xf32>
    tpu.vector_store %arg8[%swap3A, %swap3A_31], %add3A_30 {strides = array<i32>} : memref<2048x1024xf32, #tpu.memory_space<vmem>>, vector<2048x1024xf32>,
    return
  }
  func.func @transform_1(%arg0: i32) -> (i32, i32) {
    %c0_i32 = arith.constant 0 : i32
    %c0_i32_0 = arith.constant 0 : i32
    return %arg0, %c0_i32 : i32, i32
  }
  func.func @transform_2(%arg0: i32) -> (i32, i32, i32) {
    %c0_i32 = arith.constant 0 : i32
    %c0_i32_0 = arith.constant 0 : i32
    %c0_i32_1 = arith.constant 0 : i32
    return %arg0, %c0_i32, %c0_i32_0 : i32, i32, i32
  }
  func.func @transform_3(%arg0: i32) -> (i32, i32) {
    %c0_i32 = arith.constant 0 : i32
    %c0_i32_0 = arith.constant 0 : i32
    %c0_i32_1 = arith.constant 0 : i32
    return %c0_i32, %c0_i32_0 : i32, i32
  }
  func.func @transform_4(%arg0: i32) -> (i32, i32) {
    %c0_i32 = arith.constant 0 : i32
    %c0_i32_0 = arith.constant 0 : i32
    %c0_i32_1 = arith.constant 0 : i32
    return %c0_i32, %c0_i32_0 : i32, i32
  }
  func.func @transform_5(%arg0: i32) -> (i32, i32) {
    %c0_i32 = arith.constant 0 : i32
    %c0_i32_0 = arith.constant 0 : i32
    %c0_i32_1 = arith.constant 0 : i32
    return %c0_i32, %c0_i32_0 : i32, i32
  }
  func.func @transform_6(%arg0: i32) -> (i32, i32) {
    %c0_i32 = arith.constant 0 : i32
    %c0_i32_0 = arith.constant 0 : i32
    %c0_i32_1 = arith.constant 0 : i32
    return %c0_i32, %c0_i32_0 : i32, i32
  }
  func.func @transform_7(%arg0: i32) -> (i32, i32) {
    %add3A = arith.constant 4 : i32
    %add3A_0 = arith.addi %add3A, %arg0 : i32
    %c0_i32 = arith.constant 0 : i32
    %c0_i32_1 = arith.constant 0 : i32
    return %add3A_0, %c0_i32 : i32, i32
  }
}

module attributes {stable_mosaic.version = 14 : i64} {
  func.func @body(%arg0: i32, %arg1: memref<16384x1024xf32, #tpu.memory_space<any>>, %arg2: memref<2048x1024xf32, #tpu.memory_space<vmem>>, %arg3: memref<1x1x2048xi32, #tpu.memory_space<vmem>>, %arg4: memref<1024x1024xbf16, #tpu.memory_space<vmem>>, %arg5: memref<1024x64xbf16, #tpu.memory_space<vmem>>, %arg6: memref<20x64xbf16, #tpu.memory_space<vmem>>, %arg7: memref<1x1024xf32, #tpu.memory_space<vmem>>, %arg8: memref<2048x1024xf32, #tpu.memory_space<vmem>>) attributes {dimension_semantics = [#tpu.dimension_semantics<arbitrary>], iteration_bounds = array<i64: 2>, scalar_prefetch = 0 : i64, scratch_operands = 0 : i64, tpu.core_type = #tpu.core_type<tc>, window_params = [{}, {transform_indices = @transform_1, window_bounds = array<i64: 2048, 1024>}, {transform_indices = @transform_2, window_bounds = array<i64: 1, 1, 2048>}, {pipeline_mode = #tpu.pipeline_mode<synchronous>, transform_indices = @transform_3, window_bounds = array<i64: 1024, 1024>}, {pipeline_mode = #tpu.pipeline_mode<synchronous>, transform_indices = @transform_4, window_bounds = array<i64: 1024, 64>}, {pipeline_mode = #tpu.pipeline_mode<synchronous>, transform_indices = @transform_5, window_bounds = array<i64: 20, 64>}, {pipeline_mode = #tpu.pipeline_mode<synchronous>, transform_indices = @transform_6, window_bounds = array<i64: 1, 1024>}, {transform_indices = @transform_7, window_bounds = array<i64: 2048, 1024>}]} {
    %get3A = arith.constant 0 : index
    %get3A_0 = arith.constant 0 : index
    %get3A_1 = vector.load %arg2[%get3A, %get3A_0] : memref<2048x1024xf32, #tpu.memory_space<vmem>>, vector<2048x1024xf32>
    %convert_element_type3A = arith.truncf %get3A_1 : vector<2048x1024xf32> to vector<2048x1024xbf16>
    %get3A_2 = arith.constant 0 : index
    %get3A_3 = arith.constant 0 : index
    %get3A_4 = vector.load %arg6[%get3A_2, %get3A_3] : memref<20x64xbf16, #tpu.memory_space<vmem>>, vector<20x64xbf16>
    %get3A_5 = arith.constant 0 : index
    %get3A_6 = arith.constant 0 : index
    %get3A_7 = vector.load %arg5[%get3A_5, %get3A_6] : memref<1024x64xbf16, #tpu.memory_space<vmem>>, vector<1024x64xbf16>
    %dot_general3A = arith.constant dense<0.000000e+00> : vector<20x1024xf32>
    %dot_general3A_8 = tpu.matmul %get3A_4, %get3A_7, %dot_general3A {dimension_numbers = #tpu.dot_dimension_numbers<[1], [1], [0], [0], [0, 0, 1, 0], [], []>, transpose_lhs_hint = false} : vector<20x64xbf16>, vector<1024x64xbf16>, vector<20x1024xf32> -> vector<20x1024xf32>
    %get3A_9 = arith.constant 0 : index
    %get3A_10 = arith.constant 0 : index
    %get3A_11 = arith.constant 0 : index
    %get3A_12 = vector.load %arg3[%get3A_9, %get3A_10, %get3A_11] : memref<1x1x2048xi32, #tpu.memory_space<vmem>>, vector<1x1x2048xi32>
    %get3A_13 = vector.shape_cast %get3A_12 : vector<1x1x2048xi32> to vector<2048xi32>
    %broadcast_in_dim3A = vector.shape_cast %get3A_13 : vector<2048xi32> to vector<2048x1xi32>
    %iota3A = tpu.iota {dimensions = array<i32: 1>} : vector<2048x20xi32>
    %eq3A = vector.broadcast %broadcast_in_dim3A : vector<2048x1xi32> to vector<2048x20xi32>
    %eq3A_14 = arith.cmpi eq, %eq3A, %iota3A : vector<2048x20xi32>
    %convert_element_type3A_15 = arith.extui %eq3A_14 : vector<2048x20xi1> to vector<2048x20xi32>
    %convert_element_type3A_16 = arith.sitofp %convert_element_type3A_15 : vector<2048x20xi32> to vector<2048x20xf32>
    %convert_element_type3A_17 = arith.truncf %convert_element_type3A_16 : vector<2048x20xf32> to vector<2048x20xbf16>
    %get3A_18 = arith.constant 0 : index
    %get3A_19 = arith.constant 0 : index
    %get3A_20 = vector.load %arg4[%get3A_18, %get3A_19] : memref<1024x1024xbf16, #tpu.memory_space<vmem>>, vector<1024x1024xbf16>
    %dot_general3A_21 = arith.constant dense<0.000000e+00> : vector<2048x1024xf32>
    %dot_general3A_22 = tpu.matmul %convert_element_type3A, %get3A_20, %dot_general3A_21 {dimension_numbers = #tpu.dot_dimension_numbers<[1], [1], [0], [0], [0, 0, 1, 0], [], []>, transpose_lhs_hint = false} : vector<2048x1024xbf16>, vector<1024x1024xbf16>, vector<2048x1024xf32> -> vector<2048x1024xf32>
    %convert_element_type3A_23 = arith.truncf %dot_general3A_8 : vector<20x1024xf32> to vector<20x1024xbf16>
    %dot_general3A_24 = arith.constant dense<0.000000e+00> : vector<2048x1024xf32>
    %dot_general3A_25 = tpu.matmul %convert_element_type3A_17, %convert_element_type3A_23, %dot_general3A_24 {dimension_numbers = #tpu.dot_dimension_numbers<[1], [0], [0], [1], [0, 0, 1, 1], [], []>, transpose_lhs_hint = false} : vector<2048x20xbf16>, vector<20x1024xbf16>, vector<2048x1024xf32> -> vector<2048x1024xf32>
    %add3A = arith.addf %dot_general3A_22, %dot_general3A_25 : vector<2048x1024xf32>
    %get3A_26 = arith.constant 0 : index
    %get3A_27 = arith.constant 0 : index
    %get3A_28 = vector.load %arg7[%get3A_26, %get3A_27] : memref<1x1024xf32, #tpu.memory_space<vmem>>, vector<1x1024xf32>
    %add3A_29 = vector.broadcast %get3A_28 : vector<1x1024xf32> to vector<2048x1024xf32>
    %add3A_30 = arith.addf %add3A, %add3A_29 : vector<2048x1024xf32>
    %swap3A = arith.constant 0 : index
    %swap3A_31 = arith.constant 0 : index
    %swap3A_32 = vector.load %arg8[%swap3A, %swap3A_31] : memref<2048x1024xf32, #tpu.memory_space<vmem>>, vector<2048x1024xf32>
    tpu.vector_store %arg8[%swap3A, %swap3A_31], %add3A_30 {strides = array<i32>} : memref<2048x1024xf32, #tpu.memory_space<vmem>>, vector<2048x1024xf32>,
    return
  }
  func.func @transform_1(%arg0: i32) -> (i32, i32) {
    %c0_i32 = arith.constant 0 : i32
    %c0_i32_0 = arith.constant 0 : i32
    return %arg0, %c0_i32 : i32, i32
  }
  func.func @transform_2(%arg0: i32) -> (i32, i32, i32) {
    %c0_i32 = arith.constant 0 : i32
    %c0_i32_0 = arith.constant 0 : i32
    %c0_i32_1 = arith.constant 0 : i32
    return %arg0, %c0_i32, %c0_i32_0 : i32, i32, i32
  }
  func.func @transform_3(%arg0: i32) -> (i32, i32) {
    %c0_i32 = arith.constant 0 : i32
    %c0_i32_0 = arith.constant 0 : i32
    %c0_i32_1 = arith.constant 0 : i32
    return %c0_i32, %c0_i32_0 : i32, i32
  }
  func.func @transform_4(%arg0: i32) -> (i32, i32) {
    %c0_i32 = arith.constant 0 : i32
    %c0_i32_0 = arith.constant 0 : i32
    %c0_i32_1 = arith.constant 0 : i32
    return %c0_i32, %c0_i32_0 : i32, i32
  }
  func.func @transform_5(%arg0: i32) -> (i32, i32) {
    %c0_i32 = arith.constant 0 : i32
    %c0_i32_0 = arith.constant 0 : i32
    %c0_i32_1 = arith.constant 0 : i32
    return %c0_i32, %c0_i32_0 : i32, i32
  }
  func.func @transform_6(%arg0: i32) -> (i32, i32) {
    %c0_i32 = arith.constant 0 : i32
    %c0_i32_0 = arith.constant 0 : i32
    %c0_i32_1 = arith.constant 0 : i32
    return %c0_i32, %c0_i32_0 : i32, i32
  }
  func.func @transform_7(%arg0: i32) -> (i32, i32) {
    %add3A = arith.constant 6 : i32
    %add3A_0 = arith.addi %add3A, %arg0 : i32
    %c0_i32 = arith.constant 0 : i32
    %c0_i32_1 = arith.constant 0 : i32
    return %add3A_0, %c0_i32 : i32, i32
  }
}

</mosaic_0001>

<sc_bundles>
// kernel: kernel.10.cloned.1.call-start
scs
__scs_entry_jumppad:
0x0: {  	(pc) =	sbr.rel $0x88, $3  }
0x1: {  	(tag) =	ssettag $0x0;
	lr =	simm.s32 $0x1  }
0x2: {  	[smem:$0x3F9B] =	sst lr;
	_ =	strace $0xD0000000  }
0x3: {  	_ = 	snop  }
0x4: {  	_ = 	snop  }
0x5: {  	_ = 	snop  }
0x6: {  	_ = 	snop  }
0x7: {  	_ = 	snop  }
__scs_overlays_trampoline_lowered:
0x8: {  	[smem:$0x3FAA] =	sst s0  }
0x9: {  	[smem:$0x3FAB] =	sst s1  }
0xa: {  	[smem:$0x3FAC] =	sst s2  }
0xb: {  	[smem:$0x3FAD] =	sst s3  }
0xc: {  	[smem:$0x3FAE] =	sst s4  }
0xd: {  	[smem:$0x3FAF] =	sst s5  }
0xe: {  	[smem:$0x3FB0] =	sst s6  }
0xf: {  	[smem:$0x3FB1] =	sst s7  }
0x10: {  	[smem:$0x3FB2] =	sst s8  }
0x11: {  	[smem:$0x3FB3] =	sst s9;
	s0 =	simm.s32 @!p0 $0x0  }
0x12: {  	s1 =	sld [smem:$0x3F99];
	s0 =	simm.s32 @p0 $0x1  }
0x13: {  	[smem:$0x3FB4] =	sst s0;
	s0 =	simm.s32 @!p1 $0x0  }
0x14: {  	s2 =	sld [smem:$0x3F98];
	s0 =	simm.s32 @p1 $0x1  }
0x15: {  	[smem:$0x3FB5] =	sst s0;
	s0 =	simm.s32 @!p2 $0x0  }
0x16: {  	s3 =	sld [smem:$0x3FDB];
	s0 =	simm.s32 @p2 $0x1  }
0x17: {  	s4 =	simm.s32 $0x1BF5;
	[smem:$0x3FB7] =	sst s0  }
0x18: {  	s0 =	sld [smem:$0x3F9A];
	_ =	swait.ge [sflag:s4], $0x0  }
0x19: {  	s7 =	sld [smem:$0x3F9B]  }
0x1a: {  	s8 =	sadd.s32 $0xFFFFE003, lr  }
0x1b: {  	s9 =	sadd.s32 $0xFFFFFEF7, lr;
	s5 =	simm.s32 $0xFFFFFFFF;
	p2 =	slt.u32 s8, $0xFFFFF086  }
0x1c: {  	p1 =	slt.u32 s9, $0xF7A;
	s5 =	simm.s32 @!p2 $0x0  }
0x1d: {  	s5 =	simm.s32 @p1 $0x1;
	p0 =	seq.s32 s7, s2  }
0x1e: {  	s7 =	smul.u32 @!p0 $0xF7A, s2;
	p2 =	seq.s32 @!p0 s5, $0x0  }
0x1f: {  	s9 =	smul.u32 $0xF7A, s1;
	s8 =	simm.s32 @!p0 $0x1BF5;
	p2 =	por !p2, p0  }
0x20: {  	[sflag:s8] =	ssyncset.s32 @!p0 $0xFFFFF086;
	s6 =	sadd.s32 @!p0 s3, s7;
	s7 =	simm.s32 @!p0 $0x108  }
0x21: {  	s3 =	sadd.s32 s3, s9;
	s6 =	sadd.s32 @!p0 $0x88, s6;
	s7 =	simm.s32 @p2 $0x1082  }
0x22: {  	[simem:s7], [sflag:s8] =	dma.local @!p0 [hbm:s6], $0xF7A  }
0x23: {  	s9 =	sor.u32 $0xD0000000, s2;
	s6 =	simm.s32 $0x108;
	_ =	swait.ge @!p0 [sflag:s8], $0x0  }
0x24: {  	s3 =	sadd.s32 $0x88, s3;
	s6 =	simm.s32 @!p1 $0x1082;
	[sflag:s4] =	ssyncset.s32 $0xFFFFF086  }
0x25: {  	[simem:s6], [sflag:s4] =	dma.local [hbm:s3], $0xF7A  }
0x26: {  	[smem:$0x3F9B] =	sst s1;
	(tag) =	ssettag s2;
	_ =	strace s9  }
0x27: {  	s1 =	sld [smem:$0x3FAB]  }
0x28: {  	s2 =	sld [smem:$0x3FAC]  }
0x29: {  	s4 =	sld [smem:$0x3FAE]  }
0x2a: {  	p0 =	seq.s32 s5, $0x0;
	s5 =	sld [smem:$0x3FAF]  }
0x2b: {  	s6 =	sld [smem:$0x3FB0]  }
0x2c: {  	s7 =	sld [smem:$0x3FB1]  }
0x2d: {  	s3 =	simm.s32 $0x108;
	s8 =	sld [smem:$0x3FB2]  }
0x2e: {  	s3 =	simm.s32 @!p0 $0x1082;
	s9 =	sld [smem:$0x3FB3]  }
0x2f: {  	lr =	sadd.s32 s0, s3;
	s0 =	sld [smem:$0x3FAA]  }
0x30: {  	s3 =	sld [smem:$0x3FAD]  }
0x31: {  	[smem:$0x3FB6] =	sst s10  }
0x32: {  	s10 =	sld [smem:$0x3FB4];
	_ =	sdelay $0x3  }
0x33: {  	p0 =	seq.s32 s10, $0x1;
	s10 =	sld [smem:$0x3FB6];
	_ =	sdelay $0x3  }
0x34: {  	[smem:$0x3FB6] =	sst s10  }
0x35: {  	s10 =	sld [smem:$0x3FB5];
	_ =	sdelay $0x3  }
0x36: {  	p1 =	seq.s32 s10, $0x1;
	s10 =	sld [smem:$0x3FB6];
	_ =	sdelay $0x3  }
0x37: {  	[smem:$0x3FB6] =	sst s10  }
0x38: {  	s10 =	sld [smem:$0x3FB7]  }
0x39: {  	_ = 	snop;
	(pc) =	sbr.ind lr, $3  }
0x3a: {  	_ = 	snop  }
0x3b: {  	_ = 	snop  }
0x3c: {  	p2 =	seq.s32 s10, $0x1;
	s10 =	sld [smem:$0x3FB6]  }
0x3d: {  	_ =	shalt  }
0x3e: {  	_ =	shalt  }
0x3f: {  	_ =	shalt  }
0x40: {  	_ =	shalt  }
0x41: {  	_ =	shalt  }
0x42: {  	_ =	shalt  }
0x43: {  	_ =	shalt  }
0x44: {  	_ =	shalt  }
0x45: {  	_ =	shalt  }
0x46: {  	_ =	shalt  }
0x47: {  	_ =	shalt  }
0x48: {  	_ =	shalt  }
0x49: {  	_ =	shalt  }
0x4a: {  	_ =	shalt  }
0x4b: {  	_ =	shalt  }
0x4c: {  	_ =	shalt  }
0x4d: {  	_ =	shalt  }
0x4e: {  	_ =	shalt  }
0x4f: {  	_ =	shalt  }
0x50: {  	_ =	shalt  }
0x51: {  	_ =	shalt  }
0x52: {  	_ =	shalt  }
0x53: {  	_ =	shalt  }
0x54: {  	_ =	shalt  }
0x55: {  	_ =	shalt  }
0x56: {  	_ =	shalt  }
0x57: {  	_ =	shalt  }
0x58: {  	_ =	shalt  }
0x59: {  	_ =	shalt  }
0x5a: {  	_ =	shalt  }
0x5b: {  	_ =	shalt  }
0x5c: {  	_ =	shalt  }
0x5d: {  	_ =	shalt  }
0x5e: {  	_ =	shalt  }
0x5f: {  	_ =	shalt  }
0x60: {  	_ =	shalt  }
0x61: {  	_ =	shalt  }
0x62: {  	_ =	shalt  }
0x63: {  	_ =	shalt  }
0x64: {  	_ =	shalt  }
0x65: {  	_ =	shalt  }
0x66: {  	_ =	shalt  }
0x67: {  	_ =	shalt  }
0x68: {  	_ =	shalt  }
0x69: {  	_ =	shalt  }
0x6a: {  	_ =	shalt  }
0x6b: {  	_ =	shalt  }
0x6c: {  	_ =	shalt  }
0x6d: {  	_ =	shalt  }
0x6e: {  	_ =	shalt  }
0x6f: {  	_ =	shalt  }
0x70: {  	_ =	shalt  }
0x71: {  	_ =	shalt  }
0x72: {  	_ =	shalt  }
0x73: {  	_ =	shalt  }
0x74: {  	_ =	shalt  }
0x75: {  	_ =	shalt  }
0x76: {  	_ =	shalt  }
0x77: {  	_ =	shalt  }
0x78: {  	_ =	shalt  }
0x79: {  	_ =	shalt  }
0x7a: {  	_ =	shalt  }
0x7b: {  	_ =	shalt  }
0x7c: {  	_ =	shalt  }
0x7d: {  	_ =	shalt  }
0x7e: {  	_ =	shalt  }
0x7f: {  	_ =	shalt  }
0x80: {  	_ =	shalt  }
0x81: {  	_ =	shalt  }
0x82: {  	_ =	shalt  }
0x83: {  	_ =	shalt  }
0x84: {  	_ =	shalt  }
0x85: {  	_ =	shalt  }
0x86: {  	_ =	shalt  }
0x87: {  	_ =	shalt  }
.Lfunc_end0:
.L_simem_size_0:
called_computation_lowered:
.L_overlay_start_0:
0x88: {  	s2 =	sld [smem:$0x3FD9]  }
0x89: {  	s3 =	sld [smem:$0x3FFE];
	_ =	sdelay $0x1  }
0x8a: {  	s1 =	srdreg.scid  }
0x8b: {  	s0 =	sand.u32 $0x1, s1  }
0x8c: {  	s17 =	sshll.u32 s0, $0xA;
	s2 =	sadd.s32 s3, s2  }
0x8d: {  	s2 =	sadd.s32 s2, s17  }
0x8e: {  	[smem:$0x3FC2] =	sst s2  }
0x8f: {  	_ = 	snop  }
0x90: {  	s2 =	sld [smem:$0x3FC7]  }
0x91: {  	s18 =	sld [smem:$0x3FD0];
	(tm) =	ssettm $0x1  }
0x92: {  	s4 =	sld [smem:$0x3FFB];
	_ =	sdelay $0x3  }
0x93: {  	_ =	strace s4  }
0x94: {  	s4 =	sld [smem:$0x3FFC];
	_ =	sdelay $0x3  }
0x95: {  	_ =	strace s4  }
0x96: {  	s4 =	sld [smem:$0x3FFD];
	_ =	sdelay $0x3  }
0x97: {  	_ =	strace s4  }
0x98: {  	_ =	strace $0x8FFFFFFF  }
0x99: {  	s19 =	sld [smem:$0x3FDB];
	_ =	sdelay $0x1  }
0x9a: {  	s5 =	simm.s32 $_scs_section_size  }
0x9b: {  	s6 =	simm.s32 $_size__tile_overlayer_lowered;
	s7 =	simm.s32 $_tile_overlayer_lowered  }
0x9c: {  	s22 =	simm.s32 $0x1BFF;
	s21 =	sshll.u32 s7, $0x1;
	s4 =	sadd.s32 s5, s19  }
0x9d: {  	s8 =	simm.s32 $0x0;
	s20 =	sshll.u32 s6, $0x1;
	s6 =	sadd.s32 s21, s4  }
0x9e: {  	[timem:s8], [sflag:s22] =	dma.local [hbm:s6], s20  }
0x9f: {  	_ =	swait.ge [sflag:s22], s20  }
0xa0: {  	s5 =	ssub.s32 $0x0, s20;
	[sflag:s22] =	ssyncset.done $0x0  }
0xa1: {  	[sflag:s22] =	ssyncadd.s32 s5;
	_ =	sdelay $0x1  }
0xa2: {  	s23 =	simm.s32 $0x1B8B  }
0xa3: {  	_ =	swait.ge [sflag:s23], $0x1  }
0xa4: {  	[sflag:s23] =	ssyncset.done $0x0  }
0xa5: {  	s25 =	simm.s32 $0x1B8E;
	s24 =	sld [smem:$0x3FFE];
	[sflag:s23] =	ssyncadd.s32 $0xFFFFFFFF  }
0xa6: {  	s26 =	simm.s32 $execute0_lowered;
	[smem:$0x3FD2] =	sst s25  }
0xa7: {  	s6 =	sshll.u32 s26, $0x1;
	_ =	strace $0x80000046;
	[dreg:$0x1] =	wrdreg $0xFFFFFFFF  }
0xa8: {  	s28 =	simm.s32 $_size_execute0_lowered;
	s4 =	sadd.s32 s4, s6;
	[dreg:$0x0] =	wrdreg $0x0  }
0xa9: {  	s6 =	sshll.u32 s28, $0x1;
	[dreg:$0x2] =	wrdreg s4  }
0xaa: {  	[dreg:$0x3] =	wrdreg s6  }
0xab: {  	[dreg:$0x4] =	wrdreg $0xC0  }
0xac: {  	_ =	task [dreg:s8], $0x5FFFF  }
0xad: {  	[dreg:$0x1] =	wrdreg $0xFFFFFFFF  }
0xae: {  	[dreg:$0x0] =	wrdreg $0x60  }
0xaf: {  	[dreg:$0x2] =	wrdreg s2  }
0xb0: {  	[dreg:$0x3] =	wrdreg s24  }
0xb1: {  	[dreg:$0x4] =	wrdreg s18  }
0xb2: {  	[dreg:$0x5] =	wrdreg $0x9  }
0xb3: {  	_ =	task.clear_ibuf [dreg:s8], $0x6FFFF;
	_ =	strace $0x90000046  }
0xb4: {  	s29 =	simm.s32 $0x9;
	_ =	strace $0x80000048  }
0xb5: {  	_ =	swait.ge [sflag:s29], $0x1  }
0xb6: {  	[sflag:s29] =	ssyncadd.s32 $0xFFFFFFFF  }
0xb7: {  	_ =	strace $0x90000048  }
0xb8: {  	_ =	sfence  }
0xb9: {  	s30 =	sld [smem:$0x0];
	_ =	sdelay $0x2  }
0xba: {  	s31 =	sshll.u32 s1, $0xD;
	s1 =	sshrl.u32 s1, $0x2  }
0xbb: {  	s3 =	sand.u32 $0x4000, s31;
	s1 =	sadd.s32 s1, s30  }
0xbc: {  	s0 =	sor.u32 s3, s0;
	s1 =	sshll.u32 s1, $0x11  }
0xbd: {  	s0 =	sor.u32 s1, s0  }
0xbe: {  	s0 =	sadd.s32 $0x8F2B, s0  }
0xbf: {  	[sflag:s0] =	ssyncadd.remote.s32 $0x1  }
0xc0: {  	_ =	sfence.sel $0xFFFF  }
0xc1: {  	[dreg:$0x0] =	wrdreg $0xFFFFFFFF;
	(pc) =	sbr.abs _section_cstart, $3  }
0xc2: {  	[dreg:$0x1] =	wrdreg $0xFFFFFFFF  }
0xc3: {  	_ =	task.clear_ibuf [dreg:s8], $0x2FFFF;
	_ =	strace $0x9FFFFFFF  }
0xc4: {  	(tm) =	ssettm $0x7FFFFFFF  }
0xc5: {  	_ =	shalt  }
tec
execute0_lowered:
.L_overlay_start_1:
0x0: {  	(tag) =	ssettag $0x1  }
0x1: {  	s1 =	rddreg [dreg:$0x0]  }
0x2: {  	s0 =	rddreg [dreg:$0x1]  }
0x3: {  	s2 =	rddreg [dreg:$0x2]  }
0x4: {  	s3 =	srdreg.scid;
	s5 =	stileid.u32;
	s9 =	simm.s32 $0x1  }
0x5: {  	s21 =	simm.s32 $0x3;
	s22 =	simm.s32 $0x4;
	s28 =	simm.s32 $0x1880  }
0x6: {  	s29 =	simm.s32 $0x2080;
	s30 =	simm.s32 $0x2880;
	s31 =	simm.s32 $0x3080  }
0x7: {  	s11 =	simm.s32 $0x4880;
	s12 =	simm.s32 $0x5080;
	s13 =	simm.s32 $0x5880  }
0x8: {  	s14 =	simm.s32 $0x6080;
	s15 =	simm.s32 $0x6880;
	s16 =	simm.s32 $0x7080  }
0x9: {  	s17 =	simm.s32 $0x7880;
	s20 =	simm.s32 $0x8080;
	s18 =	simm.s32 $0x8880  }
0xa: {  	s19 =	simm.s32 $0x9080;
	s4 =	sand.u32 $0x1, s3;
	s3 =	simm.s32 $0x0  }
0xb: {  	s5 =	sshll.u32 s5, $0x8;
	s7 =	sadd.s32 $0x300, s1;
	s6 =	sshll.u32 s4, $0x7  }
0xc: {  	[smem:$0x7FF] =	sst s3;
	s4 =	ssub.s32 $0x2, s4;
	s5 =	sor.u32 s6, s5  }
0xd: {  	_ =	strace $0x80000047;
	s6 =	sshrl.u32 s5, $0x3;
	s5 =	sshll.u32 s5, $0x7  }
0xe: {  	s23 =	sshrl.u32 s4, $0x1;
	s0 =	sadd.s32 s6, s0;
	s2 =	sadd.s32 s2, s5  }
0xf: {  	s4 =	ssub.s32 s4, s23;
	s0 =	sadd.s32 $0x2400, s0;
	[dreg:$0x8] =	wrdreg s2  }
0x10: {  	s5 =	sadd.s32 $0x100, s1;
	s24 =	sadd.s32 $0x1000, s2;
	[dreg:$0x4] =	wrdreg s0  }
0x11: {  	s6 =	sadd.s32 $0x200, s1;
	s25 =	sadd.s32 $0x2000, s2;
	[dreg:$0x5] =	wrdreg s24  }
0x12: {  	v2 =	vlaneseq.u32;
	s8 =	smax.u32 s4, $0x1;
	s26 =	sadd.s32 $0x3000, s2;
	[dreg:$0x6] =	wrdreg s25  }
0x13: {  	vm0 =	vmmov $0xffff;
	v1 =	vshrl.u32 v2, $0x3;
	s4 =	simm.s32 $0x2;
	s2 =	simm.s32 $0x4080;
	[dreg:$0x7] =	wrdreg s26  }
0x14: {  	v0 =	vand.u32 $0x7, v2;
	v2 =	vor.u32 $0x8, v2;
	v1 =	vmul.u32 $0x8, v1;
	s26 =	simm.s32 $0x80;
	s24 =	simm.s32 $0x880;
	s25 =	simm.s32 $0x1080  }
.LBB2_1:
0x15: {  	s23 =	rddreg [dreg:$0x4];
	s0 =	simm.s32 $0x5  }
0x16: {  	[tilespmem:s3], [sflag:$0x5] =	stream.linear.gather [hbm4b:s23+s3], $0x80, $0x38;
	[tilespmem:$0x10080] =	vst v63  }
0x17: {  	_ =	swait.ge [sflag:s0], $0x80  }
0x18: {  	[sflag:s0] =	ssyncset.done $0x0  }
0x19: {  	[sflag:s0] =	ssyncadd.s32 $0xFFFFFF80  }
0x1a: {  	v3 =	vld [tilespmem:$0x0];
	_ =	sdelay $0x4  }
0x1b: {  	v4 =	vshll.u32 v3, $0x3  }
0x1c: {  	v3 =	vand.u32 $0x7, v3;
	v4 =	vand.u32 $0xFFFFFFC0, v4  }
0x1d: {  	v3 =	vor.u32 v3, v4  }
0x1e: {  	v4 =	vperm.xlane v3, v0;
	_ =	sdelay $0x1  }
0x1f: {  	v4 =	vadd.s32 v1, v4;
	_ =	sdelay $0x4  }
0x20: {  	[tilespmem:s26], [sflag:$0x1] =	stream.indirect_vreg.gather [hbm4b:s1+s3], $0x80, v4, vm0, $0xb8;
	[tilespmem:$0x10080] =	vst v63  }
0x21: {  	v3 =	vperm.xlane v3, v2  }
0x22: {  	[tilespmem:s24], [sflag:$0x1] =	stream.indirect_vreg.gather [hbm4b:s5+s3], $0x80, v4, vm0, $0xb8;
	[tilespmem:$0x10080] =	vst v63  }
0x23: {  	v3 =	vadd.s32 v1, v3  }
0x24: {  	[tilespmem:s25], [sflag:$0x1] =	stream.indirect_vreg.gather [hbm4b:s6+s3], $0x80, v4, vm0, $0xb8;
	[tilespmem:$0x10080] =	vst v63  }
0x25: {  	_ = 	snop  }
0x26: {  	[tilespmem:s28], [sflag:$0x1] =	stream.indirect_vreg.gather [hbm4b:s7+s3], $0x80, v4, vm0, $0xb8;
	[tilespmem:$0x10080] =	vst v63  }
0x27: {  	_ = 	snop  }
0x28: {  	[tilespmem:s29], [sflag:$0x1] =	stream.indirect_vreg.gather [hbm4b:s1+s3], $0x80, v3, vm0, $0xb8;
	[tilespmem:$0x10080] =	vst v63  }
0x29: {  	_ = 	snop  }
0x2a: {  	[tilespmem:s30], [sflag:$0x1] =	stream.indirect_vreg.gather [hbm4b:s5+s3], $0x80, v3, vm0, $0xb8;
	[tilespmem:$0x10080] =	vst v63  }
0x2b: {  	_ = 	snop  }
0x2c: {  	[tilespmem:s31], [sflag:$0x1] =	stream.indirect_vreg.gather [hbm4b:s6+s3], $0x80, v3, vm0, $0xb8;
	[tilespmem:$0x10080] =	vst v63  }
0x2d: {  	s0 =	simm.s32 $0x3880  }
0x2e: {  	[tilespmem:s0], [sflag:$0x1] =	stream.indirect_vreg.gather [hbm4b:s7+s3], $0x80, v3, vm0, $0xb8;
	[tilespmem:$0x10080] =	vst v63  }
0x2f: {  	v3 =	vld [tilespmem:$0x10];
	_ =	sdelay $0x4  }
0x30: {  	v57 =	vshll.u32 v3, $0x3  }
0x31: {  	v3 =	vand.u32 $0x7, v3;
	v4 =	vand.u32 $0xFFFFFFC0, v57  }
0x32: {  	v3 =	vor.u32 v3, v4  }
0x33: {  	v4 =	vperm.xlane v3, v0;
	_ =	sdelay $0x1  }
0x34: {  	v4 =	vadd.s32 v1, v4;
	_ =	sdelay $0x4  }
0x35: {  	[tilespmem:s2], [sflag:$0x1] =	stream.indirect_vreg.gather [hbm4b:s1+s3], $0x80, v4, vm0, $0xb8;
	[tilespmem:$0x10080] =	vst v63  }
0x36: {  	v3 =	vperm.xlane v3, v2  }
0x37: {  	[tilespmem:s11], [sflag:$0x1] =	stream.indirect_vreg.gather [hbm4b:s5+s3], $0x80, v4, vm0, $0xb8;
	[tilespmem:$0x10080] =	vst v63  }
0x38: {  	v3 =	vadd.s32 v1, v3  }
0x39: {  	[tilespmem:s12], [sflag:$0x1] =	stream.indirect_vreg.gather [hbm4b:s6+s3], $0x80, v4, vm0, $0xb8;
	[tilespmem:$0x10080] =	vst v63  }
0x3a: {  	_ = 	snop  }
0x3b: {  	[tilespmem:s13], [sflag:$0x1] =	stream.indirect_vreg.gather [hbm4b:s7+s3], $0x80, v4, vm0, $0xb8;
	[tilespmem:$0x10080] =	vst v63  }
0x3c: {  	_ = 	snop  }
0x3d: {  	[tilespmem:s14], [sflag:$0x1] =	stream.indirect_vreg.gather [hbm4b:s1+s3], $0x80, v3, vm0, $0xb8;
	[tilespmem:$0x10080] =	vst v63  }
0x3e: {  	_ = 	snop  }
0x3f: {  	[tilespmem:s15], [sflag:$0x1] =	stream.indirect_vreg.gather [hbm4b:s5+s3], $0x80, v3, vm0, $0xb8;
	[tilespmem:$0x10080] =	vst v63  }
0x40: {  	_ = 	snop  }
0x41: {  	[tilespmem:s16], [sflag:$0x1] =	stream.indirect_vreg.gather [hbm4b:s6+s3], $0x80, v3, vm0, $0xb8;
	[tilespmem:$0x10080] =	vst v63  }
0x42: {  	_ = 	snop  }
0x43: {  	[tilespmem:s17], [sflag:$0x1] =	stream.indirect_vreg.gather [hbm4b:s7+s3], $0x80, v3, vm0, $0xb8;
	[tilespmem:$0x10080] =	vst v63  }
0x44: {  	v3 =	vld [tilespmem:$0x20];
	_ =	sdelay $0x4  }
0x45: {  	v58 =	vshll.u32 v3, $0x3  }
0x46: {  	v3 =	vand.u32 $0x7, v3;
	v4 =	vand.u32 $0xFFFFFFC0, v58  }
0x47: {  	v3 =	vor.u32 v3, v4  }
0x48: {  	v4 =	vperm.xlane v3, v0;
	_ =	sdelay $0x1  }
0x49: {  	v4 =	vadd.s32 v1, v4;
	_ =	sdelay $0x4  }
0x4a: {  	[tilespmem:s20], [sflag:$0x2] =	stream.indirect_vreg.gather [hbm4b:s1+s3], $0x80, v4, vm0, $0xb8;
	[tilespmem:$0x10080] =	vst v63  }
0x4b: {  	v3 =	vperm.xlane v3, v2  }
0x4c: {  	[tilespmem:s18], [sflag:$0x2] =	stream.indirect_vreg.gather [hbm4b:s5+s3], $0x80, v4, vm0, $0xb8;
	[tilespmem:$0x10080] =	vst v63  }
0x4d: {  	v3 =	vadd.s32 v1, v3  }
0x4e: {  	[tilespmem:s19], [sflag:$0x2] =	stream.indirect_vreg.gather [hbm4b:s6+s3], $0x80, v4, vm0, $0xb8;
	[tilespmem:$0x10080] =	vst v63  }
0x4f: {  	s10 =	simm.s32 $0x9880  }
0x50: {  	[tilespmem:s10], [sflag:$0x2] =	stream.indirect_vreg.gather [hbm4b:s7+s3], $0x80, v4, vm0, $0xb8;
	[tilespmem:$0x10080] =	vst v63  }
0x51: {  	s10 =	simm.s32 $0xA080  }
0x52: {  	[tilespmem:s10], [sflag:$0x2] =	stream.indirect_vreg.gather [hbm4b:s1+s3], $0x80, v3, vm0, $0xb8;
	[tilespmem:$0x10080] =	vst v63  }
0x53: {  	s23 =	simm.s32 $0xA880  }
0x54: {  	[tilespmem:s23], [sflag:$0x2] =	stream.indirect_vreg.gather [hbm4b:s5+s3], $0x80, v3, vm0, $0xb8;
	[tilespmem:$0x10080] =	vst v63  }
0x55: {  	s23 =	simm.s32 $0xB080  }
0x56: {  	[tilespmem:s23], [sflag:$0x2] =	stream.indirect_vreg.gather [hbm4b:s6+s3], $0x80, v3, vm0, $0xb8;
	[tilespmem:$0x10080] =	vst v63  }
0x57: {  	s23 =	simm.s32 $0xB880  }
0x58: {  	[tilespmem:s23], [sflag:$0x2] =	stream.indirect_vreg.gather [hbm4b:s7+s3], $0x80, v3, vm0, $0xb8;
	[tilespmem:$0x10080] =	vst v63  }
0x59: {  	v3 =	vld [tilespmem:$0x30];
	_ =	sdelay $0x4  }
0x5a: {  	v59 =	vshll.u32 v3, $0x3  }
0x5b: {  	v3 =	vand.u32 $0x7, v3;
	v4 =	vand.u32 $0xFFFFFFC0, v59  }
0x5c: {  	v3 =	vor.u32 v3, v4  }
0x5d: {  	v4 =	vperm.xlane v3, v0;
	_ =	sdelay $0x1  }
0x5e: {  	v4 =	vadd.s32 v1, v4;
	_ =	sdelay $0x3  }
0x5f: {  	s23 =	simm.s32 $0xC080  }
0x60: {  	[tilespmem:s23], [sflag:$0x2] =	stream.indirect_vreg.gather [hbm4b:s1+s3], $0x80, v4, vm0, $0xb8;
	[tilespmem:$0x10080] =	vst v63  }
0x61: {  	v3 =	vperm.xlane v3, v2;
	s23 =	simm.s32 $0xC880  }
0x62: {  	[tilespmem:s23], [sflag:$0x2] =	stream.indirect_vreg.gather [hbm4b:s5+s3], $0x80, v4, vm0, $0xb8;
	[tilespmem:$0x10080] =	vst v63  }
0x63: {  	v3 =	vadd.s32 v1, v3;
	s23 =	simm.s32 $0xD080  }
0x64: {  	[tilespmem:s23], [sflag:$0x2] =	stream.indirect_vreg.gather [hbm4b:s6+s3], $0x80, v4, vm0, $0xb8;
	[tilespmem:$0x10080] =	vst v63  }
0x65: {  	s23 =	simm.s32 $0xD880  }
0x66: {  	[tilespmem:s23], [sflag:$0x2] =	stream.indirect_vreg.gather [hbm4b:s7+s3], $0x80, v4, vm0, $0xb8;
	[tilespmem:$0x10080] =	vst v63  }
0x67: {  	s23 =	simm.s32 $0xE080  }
0x68: {  	[tilespmem:s23], [sflag:$0x2] =	stream.indirect_vreg.gather [hbm4b:s1+s3], $0x80, v3, vm0, $0xb8;
	[tilespmem:$0x10080] =	vst v63  }
0x69: {  	s23 =	simm.s32 $0xE880  }
0x6a: {  	[tilespmem:s23], [sflag:$0x2] =	stream.indirect_vreg.gather [hbm4b:s5+s3], $0x80, v3, vm0, $0xb8;
	[tilespmem:$0x10080] =	vst v63  }
0x6b: {  	s23 =	simm.s32 $0xF080  }
0x6c: {  	[tilespmem:s23], [sflag:$0x2] =	stream.indirect_vreg.gather [hbm4b:s6+s3], $0x80, v3, vm0, $0xb8;
	[tilespmem:$0x10080] =	vst v63  }
0x6d: {  	s23 =	simm.s32 $0xF880  }
0x6e: {  	[tilespmem:s23], [sflag:$0x2] =	stream.indirect_vreg.gather [hbm4b:s7+s3], $0x80, v3, vm0, $0xb8;
	[tilespmem:$0x10080] =	vst v63  }
0x6f: {  	_ =	swait.ge [sflag:s9], $0x8000  }
0x70: {  	[sflag:s9] =	ssyncset.done $0x0  }
0x71: {  	s23 =	rddreg [dreg:$0x8];
	[sflag:s9] =	ssyncadd.s32 $0xFFFF8000  }
0x72: {  	[hbm4b:s23+s3] =	stream.linear.scatter [tilespmem:s26], [sflag:$0x3], $0x8000, $0x38;
	[tilespmem:$0x10080] =	vst v63  }
0x73: {  	_ =	swait.ge [sflag:s21], $0x8000  }
0x74: {  	[sflag:s21] =	ssyncset.done $0x0  }
0x75: {  	[sflag:s21] =	ssyncadd.s32 $0xFFFF8000  }
0x76: {  	v3 =	vld [tilespmem:$0x40];
	_ =	sdelay $0x4  }
0x77: {  	v60 =	vshll.u32 v3, $0x3  }
0x78: {  	v3 =	vand.u32 $0x7, v3;
	v4 =	vand.u32 $0xFFFFFFC0, v60  }
0x79: {  	v3 =	vor.u32 v3, v4  }
0x7a: {  	v4 =	vperm.xlane v3, v0;
	_ =	sdelay $0x1  }
0x7b: {  	v4 =	vadd.s32 v1, v4;
	_ =	sdelay $0x4  }
0x7c: {  	[tilespmem:s26], [sflag:$0x1] =	stream.indirect_vreg.gather [hbm4b:s1+s3], $0x80, v4, vm0, $0xb8;
	[tilespmem:$0x10080] =	vst v63  }
0x7d: {  	v3 =	vperm.xlane v3, v2  }
0x7e: {  	[tilespmem:s24], [sflag:$0x1] =	stream.indirect_vreg.gather [hbm4b:s5+s3], $0x80, v4, vm0, $0xb8;
	[tilespmem:$0x10080] =	vst v63  }
0x7f: {  	v3 =	vadd.s32 v1, v3  }
0x80: {  	[tilespmem:s25], [sflag:$0x1] =	stream.indirect_vreg.gather [hbm4b:s6+s3], $0x80, v4, vm0, $0xb8;
	[tilespmem:$0x10080] =	vst v63  }
0x81: {  	_ = 	snop  }
0x82: {  	[tilespmem:s28], [sflag:$0x1] =	stream.indirect_vreg.gather [hbm4b:s7+s3], $0x80, v4, vm0, $0xb8;
	[tilespmem:$0x10080] =	vst v63  }
0x83: {  	_ = 	snop  }
0x84: {  	[tilespmem:s29], [sflag:$0x1] =	stream.indirect_vreg.gather [hbm4b:s1+s3], $0x80, v3, vm0, $0xb8;
	[tilespmem:$0x10080] =	vst v63  }
0x85: {  	_ = 	snop  }
0x86: {  	[tilespmem:s30], [sflag:$0x1] =	stream.indirect_vreg.gather [hbm4b:s5+s3], $0x80, v3, vm0, $0xb8;
	[tilespmem:$0x10080] =	vst v63  }
0x87: {  	_ = 	snop  }
0x88: {  	[tilespmem:s31], [sflag:$0x1] =	stream.indirect_vreg.gather [hbm4b:s6+s3], $0x80, v3, vm0, $0xb8;
	[tilespmem:$0x10080] =	vst v63  }
0x89: {  	_ = 	snop  }
0x8a: {  	[tilespmem:s0], [sflag:$0x1] =	stream.indirect_vreg.gather [hbm4b:s7+s3], $0x80, v3, vm0, $0xb8;
	[tilespmem:$0x10080] =	vst v63  }
0x8b: {  	v3 =	vld [tilespmem:$0x50];
	_ =	sdelay $0x4  }
0x8c: {  	v61 =	vshll.u32 v3, $0x3  }
0x8d: {  	v3 =	vand.u32 $0x7, v3;
	v4 =	vand.u32 $0xFFFFFFC0, v61  }
0x8e: {  	v3 =	vor.u32 v3, v4  }
0x8f: {  	v4 =	vperm.xlane v3, v0;
	_ =	sdelay $0x1  }
0x90: {  	v4 =	vadd.s32 v1, v4;
	_ =	sdelay $0x4  }
0x91: {  	[tilespmem:s2], [sflag:$0x1] =	stream.indirect_vreg.gather [hbm4b:s1+s3], $0x80, v4, vm0, $0xb8;
	[tilespmem:$0x10080] =	vst v63  }
0x92: {  	v3 =	vperm.xlane v3, v2  }
0x93: {  	[tilespmem:s11], [sflag:$0x1] =	stream.indirect_vreg.gather [hbm4b:s5+s3], $0x80, v4, vm0, $0xb8;
	[tilespmem:$0x10080] =	vst v63  }
0x94: {  	v3 =	vadd.s32 v1, v3  }
0x95: {  	[tilespmem:s12], [sflag:$0x1] =	stream.indirect_vreg.gather [hbm4b:s6+s3], $0x80, v4, vm0, $0xb8;
	[tilespmem:$0x10080] =	vst v63  }
0x96: {  	_ = 	snop  }
0x97: {  	[tilespmem:s13], [sflag:$0x1] =	stream.indirect_vreg.gather [hbm4b:s7+s3], $0x80, v4, vm0, $0xb8;
	[tilespmem:$0x10080] =	vst v63  }
0x98: {  	_ = 	snop  }
0x99: {  	[tilespmem:s14], [sflag:$0x1] =	stream.indirect_vreg.gather [hbm4b:s1+s3], $0x80, v3, vm0, $0xb8;
	[tilespmem:$0x10080] =	vst v63  }
0x9a: {  	_ = 	snop  }
0x9b: {  	[tilespmem:s15], [sflag:$0x1] =	stream.indirect_vreg.gather [hbm4b:s5+s3], $0x80, v3, vm0, $0xb8;
	[tilespmem:$0x10080] =	vst v63  }
0x9c: {  	_ = 	snop  }
0x9d: {  	[tilespmem:s16], [sflag:$0x1] =	stream.indirect_vreg.gather [hbm4b:s6+s3], $0x80, v3, vm0, $0xb8;
	[tilespmem:$0x10080] =	vst v63  }
0x9e: {  	_ = 	snop  }
0x9f: {  	[tilespmem:s17], [sflag:$0x1] =	stream.indirect_vreg.gather [hbm4b:s7+s3], $0x80, v3, vm0, $0xb8;
	[tilespmem:$0x10080] =	vst v63  }
0xa0: {  	_ =	swait.ge [sflag:s4], $0x8000  }
0xa1: {  	[sflag:s4] =	ssyncset.done $0x0  }
0xa2: {  	s0 =	rddreg [dreg:$0x5];
	[sflag:s4] =	ssyncadd.s32 $0xFFFF8000  }
0xa3: {  	[hbm4b:s0+s3] =	stream.linear.scatter [tilespmem:s20], [sflag:$0x4], $0x8000, $0x38;
	[tilespmem:$0x10080] =	vst v63  }
0xa4: {  	_ =	swait.ge [sflag:s22], $0x8000  }
0xa5: {  	[sflag:s22] =	ssyncset.done $0x0  }
0xa6: {  	[sflag:s22] =	ssyncadd.s32 $0xFFFF8000  }
0xa7: {  	v3 =	vld [tilespmem:$0x60];
	_ =	sdelay $0x4  }
0xa8: {  	v62 =	vshll.u32 v3, $0x3  }
0xa9: {  	v3 =	vand.u32 $0x7, v3;
	v4 =	vand.u32 $0xFFFFFFC0, v62  }
0xaa: {  	v3 =	vor.u32 v3, v4  }
0xab: {  	v4 =	vperm.xlane v3, v0;
	_ =	sdelay $0x1  }
0xac: {  	v4 =	vadd.s32 v1, v4;
	_ =	sdelay $0x4  }
0xad: {  	[tilespmem:s20], [sflag:$0x2] =	stream.indirect_vreg.gather [hbm4b:s1+s3], $0x80, v4, vm0, $0xb8;
	[tilespmem:$0x10080] =	vst v63  }
0xae: {  	v3 =	vperm.xlane v3, v2  }
0xaf: {  	[tilespmem:s18], [sflag:$0x2] =	stream.indirect_vreg.gather [hbm4b:s5+s3], $0x80, v4, vm0, $0xb8;
	[tilespmem:$0x10080] =	vst v63  }
0xb0: {  	v3 =	vadd.s32 v1, v3  }
0xb1: {  	[tilespmem:s19], [sflag:$0x2] =	stream.indirect_vreg.gather [hbm4b:s6+s3], $0x80, v4, vm0, $0xb8;
	[tilespmem:$0x10080] =	vst v63  }
0xb2: {  	s23 =	simm.s32 $0x9880  }
0xb3: {  	[tilespmem:s23], [sflag:$0x2] =	stream.indirect_vreg.gather [hbm4b:s7+s3], $0x80, v4, vm0, $0xb8;
	[tilespmem:$0x10080] =	vst v63  }
0xb4: {  	_ = 	snop  }
0xb5: {  	[tilespmem:s10], [sflag:$0x2] =	stream.indirect_vreg.gather [hbm4b:s1+s3], $0x80, v3, vm0, $0xb8;
	[tilespmem:$0x10080] =	vst v63  }
0xb6: {  	s23 =	simm.s32 $0xA880  }
0xb7: {  	[tilespmem:s23], [sflag:$0x2] =	stream.indirect_vreg.gather [hbm4b:s5+s3], $0x80, v3, vm0, $0xb8;
	[tilespmem:$0x10080] =	vst v63  }
0xb8: {  	s10 =	simm.s32 $0xB080  }
0xb9: {  	[tilespmem:s10], [sflag:$0x2] =	stream.indirect_vreg.gather [hbm4b:s6+s3], $0x80, v3, vm0, $0xb8;
	[tilespmem:$0x10080] =	vst v63  }
0xba: {  	s23 =	simm.s32 $0xB880  }
0xbb: {  	[tilespmem:s23], [sflag:$0x2] =	stream.indirect_vreg.gather [hbm4b:s7+s3], $0x80, v3, vm0, $0xb8;
	[tilespmem:$0x10080] =	vst v63  }
0xbc: {  	v3 =	vld [tilespmem:$0x70];
	_ =	sdelay $0x4  }
0xbd: {  	v63 =	vshll.u32 v3, $0x3  }
0xbe: {  	v3 =	vand.u32 $0x7, v3;
	v4 =	vand.u32 $0xFFFFFFC0, v63  }
0xbf: {  	v3 =	vor.u32 v3, v4  }
0xc0: {  	v4 =	vperm.xlane v3, v0;
	_ =	sdelay $0x1  }
0xc1: {  	v4 =	vadd.s32 v1, v4;
	_ =	sdelay $0x3  }
0xc2: {  	s10 =	simm.s32 $0xC080  }
0xc3: {  	[tilespmem:s10], [sflag:$0x2] =	stream.indirect_vreg.gather [hbm4b:s1+s3], $0x80, v4, vm0, $0xb8;
	[tilespmem:$0x10080] =	vst v63  }
0xc4: {  	s23 =	simm.s32 $0xC880;
	v3 =	vperm.xlane v3, v2  }
0xc5: {  	[tilespmem:s23], [sflag:$0x2] =	stream.indirect_vreg.gather [hbm4b:s5+s3], $0x80, v4, vm0, $0xb8;
	[tilespmem:$0x10080] =	vst v63  }
0xc6: {  	v3 =	vadd.s32 v1, v3;
	s10 =	simm.s32 $0xD080  }
0xc7: {  	[tilespmem:s10], [sflag:$0x2] =	stream.indirect_vreg.gather [hbm4b:s6+s3], $0x80, v4, vm0, $0xb8;
	[tilespmem:$0x10080] =	vst v63  }
0xc8: {  	s23 =	simm.s32 $0xD880  }
0xc9: {  	[tilespmem:s23], [sflag:$0x2] =	stream.indirect_vreg.gather [hbm4b:s7+s3], $0x80, v4, vm0, $0xb8;
	[tilespmem:$0x10080] =	vst v63  }
0xca: {  	s10 =	simm.s32 $0xE080  }
0xcb: {  	[tilespmem:s10], [sflag:$0x2] =	stream.indirect_vreg.gather [hbm4b:s1+s3], $0x80, v3, vm0, $0xb8;
	[tilespmem:$0x10080] =	vst v63  }
0xcc: {  	s23 =	simm.s32 $0xE880  }
0xcd: {  	[tilespmem:s23], [sflag:$0x2] =	stream.indirect_vreg.gather [hbm4b:s5+s3], $0x80, v3, vm0, $0xb8;
	[tilespmem:$0x10080] =	vst v63  }
0xce: {  	s10 =	simm.s32 $0xF080  }
0xcf: {  	[tilespmem:s10], [sflag:$0x2] =	stream.indirect_vreg.gather [hbm4b:s6+s3], $0x80, v3, vm0, $0xb8;
	[tilespmem:$0x10080] =	vst v63  }
0xd0: {  	s23 =	simm.s32 $0xF880  }
0xd1: {  	[tilespmem:s23], [sflag:$0x2] =	stream.indirect_vreg.gather [hbm4b:s7+s3], $0x80, v3, vm0, $0xb8;
	[tilespmem:$0x10080] =	vst v63  }
0xd2: {  	_ =	swait.ge [sflag:s9], $0x8000  }
0xd3: {  	[sflag:s9] =	ssyncset.done $0x0  }
0xd4: {  	s0 =	rddreg [dreg:$0x6];
	[sflag:s9] =	ssyncadd.s32 $0xFFFF8000  }
0xd5: {  	[hbm4b:s0+s3] =	stream.linear.scatter [tilespmem:s26], [sflag:$0x3], $0x8000, $0x38;
	[tilespmem:$0x10080] =	vst v63  }
0xd6: {  	_ =	swait.ge [sflag:s4], $0x8000  }
0xd7: {  	[sflag:s4] =	ssyncset.done $0x0  }
0xd8: {  	s10 =	rddreg [dreg:$0x7];
	[sflag:s4] =	ssyncadd.s32 $0xFFFF8000  }
0xd9: {  	[hbm4b:s10+s3] =	stream.linear.scatter [tilespmem:s20], [sflag:$0x4], $0x8000, $0x38;
	[tilespmem:$0x10080] =	vst v63  }
0xda: {  	p0 =	sne.s32 s8, $0x1;
	_ =	swait.ge [sflag:s21], $0x8000  }
.Ltmp0:
0xdb: {  	[sflag:s21] =	ssyncset.done $0x0;
	(pc) =	sbr.rel @p0 .LBB2_1-.Ltmp0, $4  }
0xdc: {  	[sflag:s21] =	ssyncadd.s32 $0xFFFF8000  }
0xdd: {  	_ =	swait.ge [sflag:s22], $0x8000  }
0xde: {  	[sflag:s22] =	ssyncset.done $0x0  }
0xdf: {  	s8 =	sadd.s32 $0xFFFFFFFF, s8;
	[sflag:s22] =	ssyncadd.s32 $0xFFFF8000  }
0xe0: {  	_ =	sfence.sel $0x180000  }
0xe1: {  	[bflag:$0x0] =	sbarrier.arrive $0xFFFF  }
0xe2: {  	_ =	strace $0x90000047  }
0xe3: {  	s0 =	stileid.u32;
	[bflag:$0x2] =	sbarrier.arrive $0xFFFF  }
0xe4: {  	p0 =	sne.s32 s0, $0x0;
	s0 =	rddreg [dreg:$0x3]  }
0xe5: {  	s0 =	sadd.s32 @!p0 $0x100000, s0  }
0xe6: {  	[sflag:s0] =	ssyncadd.tile.s32 @!p0 $0x1;
	_ =	shalt  }
.Lfunc_end2:
_tile_overlayer_lowered:
.L_overlay_start_2:
0xe7: {  	(tag) =	ssettag $0x2  }
0xe8: {  	s0 =	rddreg [dreg:$0x0];
	s2 =	stileid.u32  }
0xe9: {  	s1 =	rddreg [dreg:$0x1];
	p0 =	sne.s32 s2, $0x0  }
0xea: {  	s3 =	rddreg [dreg:$0x2];
	[bflag:$0x3] =	sbarrier.arrive $0xFFFF;
	s2 =	simm.s32 @!p0 $0x1C05  }
0xeb: {  	[timem:s3], [sflag:s2] =	dma.local @!p0 [hbm:s0], s1  }
0xec: {  	s0 =	simm.s32 @!p0 $0x5  }
0xed: {  	_ =	swait.ge @!p0 [sflag:s0], s1  }
0xee: {  	s1 =	ssub.s32 @!p0 $0x0, s1;
	[sflag:s0] =	ssyncset.done @!p0 $0x0  }
0xef: {  	[sflag:s0] =	ssyncadd.s32 @!p0 s1  }
0xf0: {  	[bflag:$0x3] =	sbarrier.arrive $0xFFFF  }
0xf1: {  	_ =	shalt  }

// kernel: kernel.13.cloned.1.call-start
scs
__scs_entry_jumppad:
0x0: {  	(pc) =	sbr.rel $0x88, $3  }
0x1: {  	(tag) =	ssettag $0x0;
	lr =	simm.s32 $0x1  }
0x2: {  	[smem:$0x3F9B] =	sst lr;
	_ =	strace $0xD0000000  }
0x3: {  	_ = 	snop  }
0x4: {  	_ = 	snop  }
0x5: {  	_ = 	snop  }
0x6: {  	_ = 	snop  }
0x7: {  	_ = 	snop  }
__scs_overlays_trampoline_lowered:
0x8: {  	[smem:$0x3FAA] =	sst s0  }
0x9: {  	[smem:$0x3FAB] =	sst s1  }
0xa: {  	[smem:$0x3FAC] =	sst s2  }
0xb: {  	[smem:$0x3FAD] =	sst s3  }
0xc: {  	[smem:$0x3FAE] =	sst s4  }
0xd: {  	[smem:$0x3FAF] =	sst s5  }
0xe: {  	[smem:$0x3FB0] =	sst s6  }
0xf: {  	[smem:$0x3FB1] =	sst s7  }
0x10: {  	[smem:$0x3FB2] =	sst s8  }
0x11: {  	[smem:$0x3FB3] =	sst s9;
	s0 =	simm.s32 @!p0 $0x0  }
0x12: {  	s1 =	sld [smem:$0x3F99];
	s0 =	simm.s32 @p0 $0x1  }
0x13: {  	[smem:$0x3FB4] =	sst s0;
	s0 =	simm.s32 @!p1 $0x0  }
0x14: {  	s2 =	sld [smem:$0x3F98];
	s0 =	simm.s32 @p1 $0x1  }
0x15: {  	[smem:$0x3FB5] =	sst s0;
	s0 =	simm.s32 @!p2 $0x0  }
0x16: {  	s3 =	sld [smem:$0x3FDB];
	s0 =	simm.s32 @p2 $0x1  }
0x17: {  	s4 =	simm.s32 $0x1BF5;
	[smem:$0x3FB7] =	sst s0  }
0x18: {  	s0 =	sld [smem:$0x3F9A];
	_ =	swait.ge [sflag:s4], $0x0  }
0x19: {  	s7 =	sld [smem:$0x3F9B]  }
0x1a: {  	s8 =	sadd.s32 $0xFFFFE003, lr  }
0x1b: {  	s9 =	sadd.s32 $0xFFFFFEF7, lr;
	s5 =	simm.s32 $0xFFFFFFFF;
	p2 =	slt.u32 s8, $0xFFFFF086  }
0x1c: {  	p1 =	slt.u32 s9, $0xF7A;
	s5 =	simm.s32 @!p2 $0x0  }
0x1d: {  	s5 =	simm.s32 @p1 $0x1;
	p0 =	seq.s32 s7, s2  }
0x1e: {  	s7 =	smul.u32 @!p0 $0xF7A, s2;
	p2 =	seq.s32 @!p0 s5, $0x0  }
0x1f: {  	s9 =	smul.u32 $0xF7A, s1;
	s8 =	simm.s32 @!p0 $0x1BF5;
	p2 =	por !p2, p0  }
0x20: {  	[sflag:s8] =	ssyncset.s32 @!p0 $0xFFFFF086;
	s6 =	sadd.s32 @!p0 s3, s7;
	s7 =	simm.s32 @!p0 $0x108  }
0x21: {  	s3 =	sadd.s32 s3, s9;
	s6 =	sadd.s32 @!p0 $0x88, s6;
	s7 =	simm.s32 @p2 $0x1082  }
0x22: {  	[simem:s7], [sflag:s8] =	dma.local @!p0 [hbm:s6], $0xF7A  }
0x23: {  	s9 =	sor.u32 $0xD0000000, s2;
	s6 =	simm.s32 $0x108;
	_ =	swait.ge @!p0 [sflag:s8], $0x0  }
0x24: {  	s3 =	sadd.s32 $0x88, s3;
	s6 =	simm.s32 @!p1 $0x1082;
	[sflag:s4] =	ssyncset.s32 $0xFFFFF086  }
0x25: {  	[simem:s6], [sflag:s4] =	dma.local [hbm:s3], $0xF7A  }
0x26: {  	[smem:$0x3F9B] =	sst s1;
	(tag) =	ssettag s2;
	_ =	strace s9  }
0x27: {  	s1 =	sld [smem:$0x3FAB]  }
0x28: {  	s2 =	sld [smem:$0x3FAC]  }
0x29: {  	s4 =	sld [smem:$0x3FAE]  }
0x2a: {  	p0 =	seq.s32 s5, $0x0;
	s5 =	sld [smem:$0x3FAF]  }
0x2b: {  	s6 =	sld [smem:$0x3FB0]  }
0x2c: {  	s7 =	sld [smem:$0x3FB1]  }
0x2d: {  	s3 =	simm.s32 $0x108;
	s8 =	sld [smem:$0x3FB2]  }
0x2e: {  	s3 =	simm.s32 @!p0 $0x1082;
	s9 =	sld [smem:$0x3FB3]  }
0x2f: {  	lr =	sadd.s32 s0, s3;
	s0 =	sld [smem:$0x3FAA]  }
0x30: {  	s3 =	sld [smem:$0x3FAD]  }
0x31: {  	[smem:$0x3FB6] =	sst s10  }
0x32: {  	s10 =	sld [smem:$0x3FB4];
	_ =	sdelay $0x3  }
0x33: {  	p0 =	seq.s32 s10, $0x1;
	s10 =	sld [smem:$0x3FB6];
	_ =	sdelay $0x3  }
0x34: {  	[smem:$0x3FB6] =	sst s10  }
0x35: {  	s10 =	sld [smem:$0x3FB5];
	_ =	sdelay $0x3  }
0x36: {  	p1 =	seq.s32 s10, $0x1;
	s10 =	sld [smem:$0x3FB6];
	_ =	sdelay $0x3  }
0x37: {  	[smem:$0x3FB6] =	sst s10  }
0x38: {  	s10 =	sld [smem:$0x3FB7]  }
0x39: {  	_ = 	snop;
	(pc) =	sbr.ind lr, $3  }
0x3a: {  	_ = 	snop  }
0x3b: {  	_ = 	snop  }
0x3c: {  	p2 =	seq.s32 s10, $0x1;
	s10 =	sld [smem:$0x3FB6]  }
0x3d: {  	_ =	shalt  }
0x3e: {  	_ =	shalt  }
0x3f: {  	_ =	shalt  }
0x40: {  	_ =	shalt  }
0x41: {  	_ =	shalt  }
0x42: {  	_ =	shalt  }
0x43: {  	_ =	shalt  }
0x44: {  	_ =	shalt  }
0x45: {  	_ =	shalt  }
0x46: {  	_ =	shalt  }
0x47: {  	_ =	shalt  }
0x48: {  	_ =	shalt  }
0x49: {  	_ =	shalt  }
0x4a: {  	_ =	shalt  }
0x4b: {  	_ =	shalt  }
0x4c: {  	_ =	shalt  }
0x4d: {  	_ =	shalt  }
0x4e: {  	_ =	shalt  }
0x4f: {  	_ =	shalt  }
0x50: {  	_ =	shalt  }
0x51: {  	_ =	shalt  }
0x52: {  	_ =	shalt  }
0x53: {  	_ =	shalt  }
0x54: {  	_ =	shalt  }
0x55: {  	_ =	shalt  }
0x56: {  	_ =	shalt  }
0x57: {  	_ =	shalt  }
0x58: {  	_ =	shalt  }
0x59: {  	_ =	shalt  }
0x5a: {  	_ =	shalt  }
0x5b: {  	_ =	shalt  }
0x5c: {  	_ =	shalt  }
0x5d: {  	_ =	shalt  }
0x5e: {  	_ =	shalt  }
0x5f: {  	_ =	shalt  }
0x60: {  	_ =	shalt  }
0x61: {  	_ =	shalt  }
0x62: {  	_ =	shalt  }
0x63: {  	_ =	shalt  }
0x64: {  	_ =	shalt  }
0x65: {  	_ =	shalt  }
0x66: {  	_ =	shalt  }
0x67: {  	_ =	shalt  }
0x68: {  	_ =	shalt  }
0x69: {  	_ =	shalt  }
0x6a: {  	_ =	shalt  }
0x6b: {  	_ =	shalt  }
0x6c: {  	_ =	shalt  }
0x6d: {  	_ =	shalt  }
0x6e: {  	_ =	shalt  }
0x6f: {  	_ =	shalt  }
0x70: {  	_ =	shalt  }
0x71: {  	_ =	shalt  }
0x72: {  	_ =	shalt  }
0x73: {  	_ =	shalt  }
0x74: {  	_ =	shalt  }
0x75: {  	_ =	shalt  }
0x76: {  	_ =	shalt  }
0x77: {  	_ =	shalt  }
0x78: {  	_ =	shalt  }
0x79: {  	_ =	shalt  }
0x7a: {  	_ =	shalt  }
0x7b: {  	_ =	shalt  }
0x7c: {  	_ =	shalt  }
0x7d: {  	_ =	shalt  }
0x7e: {  	_ =	shalt  }
0x7f: {  	_ =	shalt  }
0x80: {  	_ =	shalt  }
0x81: {  	_ =	shalt  }
0x82: {  	_ =	shalt  }
0x83: {  	_ =	shalt  }
0x84: {  	_ =	shalt  }
0x85: {  	_ =	shalt  }
0x86: {  	_ =	shalt  }
0x87: {  	_ =	shalt  }
.Lfunc_end0:
.L_simem_size_0:
called_computation.1_lowered:
.L_overlay_start_0:
0x88: {  	s2 =	sld [smem:$0x3FD9]  }
0x89: {  	s3 =	sld [smem:$0x3FFE];
	_ =	sdelay $0x1  }
0x8a: {  	s1 =	srdreg.scid  }
0x8b: {  	s0 =	sand.u32 $0x1, s1  }
0x8c: {  	s17 =	sshll.u32 s0, $0xA;
	s2 =	sadd.s32 s3, s2  }
0x8d: {  	s2 =	sadd.s32 s2, s17  }
0x8e: {  	[smem:$0x3FC2] =	sst s2  }
0x8f: {  	_ = 	snop  }
0x90: {  	s18 =	sld [smem:$0x3FC7];
	(tm) =	ssettm $0x1  }
0x91: {  	s19 =	sld [smem:$0x3FFB];
	_ =	sdelay $0x3  }
0x92: {  	_ =	strace s19  }
0x93: {  	s2 =	sld [smem:$0x3FFC];
	_ =	sdelay $0x3  }
0x94: {  	_ =	strace s2  }
0x95: {  	s2 =	sld [smem:$0x3FFD];
	_ =	sdelay $0x3  }
0x96: {  	_ =	strace s2  }
0x97: {  	_ =	strace $0x8FFFFFFF  }
0x98: {  	s20 =	sld [smem:$0x3FDB];
	_ =	sdelay $0x1  }
0x99: {  	s4 =	simm.s32 $_scs_section_size  }
0x9a: {  	s5 =	simm.s32 $_size__tile_overlayer_lowered;
	s6 =	simm.s32 $_tile_overlayer_lowered  }
0x9b: {  	s7 =	simm.s32 $0x1BFF;
	s21 =	sshll.u32 s6, $0x1;
	s4 =	sadd.s32 s4, s20  }
0x9c: {  	s22 =	simm.s32 $0x0;
	s5 =	sshll.u32 s5, $0x1;
	s6 =	sadd.s32 s21, s4  }
0x9d: {  	[timem:s22], [sflag:s7] =	dma.local [hbm:s6], s5  }
0x9e: {  	_ =	swait.ge [sflag:s7], s5  }
0x9f: {  	s5 =	ssub.s32 $0x0, s5;
	[sflag:s7] =	ssyncset.done $0x0  }
0xa0: {  	[sflag:s7] =	ssyncadd.s32 s5;
	_ =	sdelay $0x1  }
0xa1: {  	s23 =	simm.s32 $0x1B8B  }
0xa2: {  	_ =	swait.ge [sflag:s23], $0x1  }
0xa3: {  	[sflag:s23] =	ssyncset.done $0x0  }
0xa4: {  	[sflag:s23] =	ssyncadd.s32 $0xFFFFFFFF  }
0xa5: {  	s5 =	sld [smem:$0x0]  }
0xa6: {  	s6 =	sand.u32 $0xFFFFFFFE, s1  }
0xa7: {  	p0 =	sne.s32 s1, s6  }
0xa8: {  	s6 =	sshll.u32 @p0 s6, $0xE  }
0xa9: {  	s6 =	sadd.s32 @p0 $0x11B8D, s6;
	s7 =	sshll.u32 @p0 s5, $0x11  }
0xaa: {  	s6 =	sor.u32 @p0 s7, s6  }
0xab: {  	[sflag:s6] =	ssyncadd.remote.s32 @p0 $0x1;
	_ =	sdelay $0x1  }
0xac: {  	s6 =	simm.s32 @p0 $0x1B8D  }
0xad: {  	_ =	swait.eq @p0 [sflag:s6], $0x1  }
0xae: {  	[sflag:s6] =	ssyncadd.s32 @p0 $0xFFFFFFFF  }
0xaf: {  	s7 =	sshll.u32 @!p0 s1, $0xE  }
0xb0: {  	s7 =	sor.u32 @!p0 $0x4000, s7;
	s6 =	simm.s32 @!p0 $0x1B8D  }
0xb1: {  	s5 =	sshll.u32 @!p0 s5, $0x11;
	s7 =	sadd.s32 @!p0 $0x11B8D, s7;
	_ =	swait.eq @!p0 [sflag:s6], $0x1  }
0xb2: {  	s5 =	sor.u32 @!p0 s5, s7;
	[sflag:s6] =	ssyncadd.s32 @!p0 $0xFFFFFFFF  }
0xb3: {  	s25 =	simm.s32 $0x1B8E;
	s24 =	sld [smem:$0x3FFE];
	[sflag:s5] =	ssyncadd.remote.s32 @!p0 $0x1  }
0xb4: {  	s26 =	simm.s32 $execute0_lowered;
	[smem:$0x3FD2] =	sst s25  }
0xb5: {  	s6 =	sshll.u32 s26, $0x1;
	_ =	strace $0x80000049;
	[dreg:$0x1] =	wrdreg $0xFFFFFFFF  }
0xb6: {  	s28 =	simm.s32 $_size_execute0_lowered;
	s4 =	sadd.s32 s4, s6;
	[dreg:$0x0] =	wrdreg $0x0  }
0xb7: {  	s6 =	sshll.u32 s28, $0x1;
	[dreg:$0x2] =	wrdreg s4  }
0xb8: {  	[dreg:$0x3] =	wrdreg s6  }
0xb9: {  	[dreg:$0x4] =	wrdreg $0xC0  }
0xba: {  	_ =	task [dreg:s22], $0x5FFFF  }
0xbb: {  	[dreg:$0x1] =	wrdreg $0xFFFFFFFF  }
0xbc: {  	[dreg:$0x0] =	wrdreg $0x60  }
0xbd: {  	[dreg:$0x2] =	wrdreg s18  }
0xbe: {  	[dreg:$0x3] =	wrdreg s24  }
0xbf: {  	[dreg:$0x4] =	wrdreg $0xA  }
0xc0: {  	_ =	task.clear_ibuf [dreg:s22], $0x5FFFF;
	_ =	strace $0x90000049  }
0xc1: {  	s29 =	simm.s32 $0xA;
	_ =	strace $0x8000004B  }
0xc2: {  	_ =	swait.ge [sflag:s29], $0x1  }
0xc3: {  	[sflag:s29] =	ssyncadd.s32 $0xFFFFFFFF  }
0xc4: {  	_ =	strace $0x9000004B  }
0xc5: {  	_ =	sfence  }
0xc6: {  	s30 =	sld [smem:$0x0];
	_ =	sdelay $0x2  }
0xc7: {  	s31 =	sshll.u32 s1, $0xD;
	s1 =	sshrl.u32 s1, $0x2  }
0xc8: {  	s4 =	sand.u32 $0x4000, s31;
	s1 =	sadd.s32 s1, s30  }
0xc9: {  	s0 =	sor.u32 s4, s0;
	s1 =	sshll.u32 s1, $0x11  }
0xca: {  	s0 =	sor.u32 s1, s0  }
0xcb: {  	s0 =	sadd.s32 $0x8F2B, s0  }
0xcc: {  	[sflag:s0] =	ssyncadd.remote.s32 $0x1  }
0xcd: {  	_ =	sfence.sel $0xFFFF  }
0xce: {  	[dreg:$0x0] =	wrdreg $0xFFFFFFFF;
	(pc) =	sbr.abs _section_cstart, $3  }
0xcf: {  	[dreg:$0x1] =	wrdreg $0xFFFFFFFF  }
0xd0: {  	_ =	task.clear_ibuf [dreg:s22], $0x2FFFF;
	_ =	strace $0x9FFFFFFF  }
0xd1: {  	(tm) =	ssettm $0x7FFFFFFF  }
tec
execute0_lowered:
.L_overlay_start_1:
0x0: {  	(tag) =	ssettag $0x1  }
0x1: {  	s2 =	rddreg [dreg:$0x0]  }
0x2: {  	s0 =	rddreg [dreg:$0x1];
	s1 =	srdreg.scid  }
0x3: {  	s4 =	stileid.u32;
	s3 =	simm.s32 $0x0;
	s8 =	simm.s32 $0x1  }
0x4: {  	s19 =	simm.s32 $0x3;
	s20 =	simm.s32 $0x2;
	s21 =	simm.s32 $0x4  }
0x5: {  	s23 =	simm.s32 $0x880;
	s24 =	simm.s32 $0x1080;
	s28 =	simm.s32 $0x2080  }
0x6: {  	s29 =	simm.s32 $0x2880;
	s30 =	simm.s32 $0x3080;
	s31 =	simm.s32 $0x3880  }
0x7: {  	s10 =	simm.s32 $0x5080;
	s11 =	simm.s32 $0x5880;
	s12 =	simm.s32 $0x6080  }
0x8: {  	s13 =	simm.s32 $0x6880;
	s14 =	simm.s32 $0x7080;
	s1 =	sand.u32 $0x1, s1  }
0x9: {  	s15 =	simm.s32 $0x7880;
	s4 =	sshll.u32 s4, $0x8;
	s5 =	sshll.u32 s1, $0x7  }
0xa: {  	s18 =	simm.s32 $0x8080;
	s16 =	simm.s32 $0x8880;
	s4 =	sor.u32 s5, s4  }
0xb: {  	s17 =	simm.s32 $0x9080;
	[smem:$0x7FF] =	sst s3;
	s5 =	sshrl.u32 s4, $0x3  }
0xc: {  	_ =	strace $0x8000004A;
	s4 =	sshll.u32 s4, $0x7;
	s5 =	sadd.s32 s5, s0  }
0xd: {  	s1 =	ssub.s32 $0x2, s1;
	s0 =	sadd.s32 s4, s0;
	s5 =	sadd.s32 $0x2600, s5  }
0xe: {  	s25 =	sshrl.u32 s1, $0x1;
	s26 =	sadd.s32 $0x2C00, s0;
	[dreg:$0x3] =	wrdreg s5  }
0xf: {  	s1 =	ssub.s32 s1, s25;
	s6 =	sadd.s32 $0x3C00, s0;
	[dreg:$0x4] =	wrdreg s26  }
0x10: {  	s25 =	simm.s32 $0x80;
	s7 =	sadd.s32 $0x4C00, s0;
	[dreg:$0x5] =	wrdreg s6  }
0x11: {  	v2 =	vlaneseq.u32;
	s4 =	sadd.s32 $0x100, s2;
	s0 =	sadd.s32 $0x5C00, s0;
	[dreg:$0x6] =	wrdreg s7  }
0x12: {  	vm0 =	vmmov $0xffff;
	v1 =	vshrl.u32 v2, $0x3;
	s5 =	sadd.s32 $0x200, s2;
	s6 =	sadd.s32 $0x300, s2;
	[dreg:$0x7] =	wrdreg s0  }
0x13: {  	v0 =	vand.u32 $0x7, v2;
	v2 =	vor.u32 $0x8, v2;
	v1 =	vmul.u32 $0x8, v1;
	s7 =	smax.u32 s1, $0x1;
	s26 =	simm.s32 $0x1880;
	s1 =	simm.s32 $0x4880  }
.LBB2_1:
0x14: {  	s22 =	rddreg [dreg:$0x3];
	s0 =	simm.s32 $0x5  }
0x15: {  	[tilespmem:s3], [sflag:$0x5] =	stream.linear.gather [hbm4b:s22+s3], $0x80, $0x38;
	[tilespmem:$0x10080] =	vst v63  }
0x16: {  	_ =	swait.ge [sflag:s0], $0x80  }
0x17: {  	[sflag:s0] =	ssyncset.done $0x0  }
0x18: {  	[sflag:s0] =	ssyncadd.s32 $0xFFFFFF80  }
0x19: {  	v3 =	vld [tilespmem:$0x0];
	_ =	sdelay $0x4  }
0x1a: {  	v4 =	vshll.u32 v3, $0x3  }
0x1b: {  	v3 =	vand.u32 $0x7, v3;
	v4 =	vand.u32 $0xFFFFFFC0, v4  }
0x1c: {  	v3 =	vor.u32 v3, v4  }
0x1d: {  	v4 =	vperm.xlane v3, v0;
	_ =	sdelay $0x1  }
0x1e: {  	v4 =	vadd.s32 v1, v4;
	_ =	sdelay $0x4  }
0x1f: {  	[tilespmem:s25], [sflag:$0x1] =	stream.indirect_vreg.gather [hbm4b:s2+s3], $0x80, v4, vm0, $0xb8;
	[tilespmem:$0x10080] =	vst v63  }
0x20: {  	v3 =	vperm.xlane v3, v2  }
0x21: {  	[tilespmem:s23], [sflag:$0x1] =	stream.indirect_vreg.gather [hbm4b:s4+s3], $0x80, v4, vm0, $0xb8;
	[tilespmem:$0x10080] =	vst v63  }
0x22: {  	v3 =	vadd.s32 v1, v3  }
0x23: {  	[tilespmem:s24], [sflag:$0x1] =	stream.indirect_vreg.gather [hbm4b:s5+s3], $0x80, v4, vm0, $0xb8;
	[tilespmem:$0x10080] =	vst v63  }
0x24: {  	_ = 	snop  }
0x25: {  	[tilespmem:s26], [sflag:$0x1] =	stream.indirect_vreg.gather [hbm4b:s6+s3], $0x80, v4, vm0, $0xb8;
	[tilespmem:$0x10080] =	vst v63  }
0x26: {  	_ = 	snop  }
0x27: {  	[tilespmem:s28], [sflag:$0x1] =	stream.indirect_vreg.gather [hbm4b:s2+s3], $0x80, v3, vm0, $0xb8;
	[tilespmem:$0x10080] =	vst v63  }
0x28: {  	_ = 	snop  }
0x29: {  	[tilespmem:s29], [sflag:$0x1] =	stream.indirect_vreg.gather [hbm4b:s4+s3], $0x80, v3, vm0, $0xb8;
	[tilespmem:$0x10080] =	vst v63  }
0x2a: {  	_ = 	snop  }
0x2b: {  	[tilespmem:s30], [sflag:$0x1] =	stream.indirect_vreg.gather [hbm4b:s5+s3], $0x80, v3, vm0, $0xb8;
	[tilespmem:$0x10080] =	vst v63  }
0x2c: {  	_ = 	snop  }
0x2d: {  	[tilespmem:s31], [sflag:$0x1] =	stream.indirect_vreg.gather [hbm4b:s6+s3], $0x80, v3, vm0, $0xb8;
	[tilespmem:$0x10080] =	vst v63  }
0x2e: {  	v3 =	vld [tilespmem:$0x10];
	_ =	sdelay $0x4  }
0x2f: {  	v57 =	vshll.u32 v3, $0x3  }
0x30: {  	v3 =	vand.u32 $0x7, v3;
	v4 =	vand.u32 $0xFFFFFFC0, v57  }
0x31: {  	v3 =	vor.u32 v3, v4  }
0x32: {  	v4 =	vperm.xlane v3, v0;
	_ =	sdelay $0x1  }
0x33: {  	v4 =	vadd.s32 v1, v4;
	_ =	sdelay $0x3  }
0x34: {  	s0 =	simm.s32 $0x4080  }
0x35: {  	[tilespmem:s0], [sflag:$0x1] =	stream.indirect_vreg.gather [hbm4b:s2+s3], $0x80, v4, vm0, $0xb8;
	[tilespmem:$0x10080] =	vst v63  }
0x36: {  	v3 =	vperm.xlane v3, v2  }
0x37: {  	[tilespmem:s1], [sflag:$0x1] =	stream.indirect_vreg.gather [hbm4b:s4+s3], $0x80, v4, vm0, $0xb8;
	[tilespmem:$0x10080] =	vst v63  }
0x38: {  	v3 =	vadd.s32 v1, v3  }
0x39: {  	[tilespmem:s10], [sflag:$0x1] =	stream.indirect_vreg.gather [hbm4b:s5+s3], $0x80, v4, vm0, $0xb8;
	[tilespmem:$0x10080] =	vst v63  }
0x3a: {  	_ = 	snop  }
0x3b: {  	[tilespmem:s11], [sflag:$0x1] =	stream.indirect_vreg.gather [hbm4b:s6+s3], $0x80, v4, vm0, $0xb8;
	[tilespmem:$0x10080] =	vst v63  }
0x3c: {  	_ = 	snop  }
0x3d: {  	[tilespmem:s12], [sflag:$0x1] =	stream.indirect_vreg.gather [hbm4b:s2+s3], $0x80, v3, vm0, $0xb8;
	[tilespmem:$0x10080] =	vst v63  }
0x3e: {  	_ = 	snop  }
0x3f: {  	[tilespmem:s13], [sflag:$0x1] =	stream.indirect_vreg.gather [hbm4b:s4+s3], $0x80, v3, vm0, $0xb8;
	[tilespmem:$0x10080] =	vst v63  }
0x40: {  	_ = 	snop  }
0x41: {  	[tilespmem:s14], [sflag:$0x1] =	stream.indirect_vreg.gather [hbm4b:s5+s3], $0x80, v3, vm0, $0xb8;
	[tilespmem:$0x10080] =	vst v63  }
0x42: {  	_ = 	snop  }
0x43: {  	[tilespmem:s15], [sflag:$0x1] =	stream.indirect_vreg.gather [hbm4b:s6+s3], $0x80, v3, vm0, $0xb8;
	[tilespmem:$0x10080] =	vst v63  }
0x44: {  	v3 =	vld [tilespmem:$0x20];
	_ =	sdelay $0x4  }
0x45: {  	v58 =	vshll.u32 v3, $0x3  }
0x46: {  	v3 =	vand.u32 $0x7, v3;
	v4 =	vand.u32 $0xFFFFFFC0, v58  }
0x47: {  	v3 =	vor.u32 v3, v4  }
0x48: {  	v4 =	vperm.xlane v3, v0;
	_ =	sdelay $0x1  }
0x49: {  	v4 =	vadd.s32 v1, v4;
	_ =	sdelay $0x4  }
0x4a: {  	[tilespmem:s18], [sflag:$0x2] =	stream.indirect_vreg.gather [hbm4b:s2+s3], $0x80, v4, vm0, $0xb8;
	[tilespmem:$0x10080] =	vst v63  }
0x4b: {  	v3 =	vperm.xlane v3, v2  }
0x4c: {  	[tilespmem:s16], [sflag:$0x2] =	stream.indirect_vreg.gather [hbm4b:s4+s3], $0x80, v4, vm0, $0xb8;
	[tilespmem:$0x10080] =	vst v63  }
0x4d: {  	v3 =	vadd.s32 v1, v3  }
0x4e: {  	[tilespmem:s17], [sflag:$0x2] =	stream.indirect_vreg.gather [hbm4b:s5+s3], $0x80, v4, vm0, $0xb8;
	[tilespmem:$0x10080] =	vst v63  }
0x4f: {  	s9 =	simm.s32 $0x9880  }
0x50: {  	[tilespmem:s9], [sflag:$0x2] =	stream.indirect_vreg.gather [hbm4b:s6+s3], $0x80, v4, vm0, $0xb8;
	[tilespmem:$0x10080] =	vst v63  }
0x51: {  	s9 =	simm.s32 $0xA080  }
0x52: {  	[tilespmem:s9], [sflag:$0x2] =	stream.indirect_vreg.gather [hbm4b:s2+s3], $0x80, v3, vm0, $0xb8;
	[tilespmem:$0x10080] =	vst v63  }
0x53: {  	s22 =	simm.s32 $0xA880  }
0x54: {  	[tilespmem:s22], [sflag:$0x2] =	stream.indirect_vreg.gather [hbm4b:s4+s3], $0x80, v3, vm0, $0xb8;
	[tilespmem:$0x10080] =	vst v63  }
0x55: {  	s22 =	simm.s32 $0xB080  }
0x56: {  	[tilespmem:s22], [sflag:$0x2] =	stream.indirect_vreg.gather [hbm4b:s5+s3], $0x80, v3, vm0, $0xb8;
	[tilespmem:$0x10080] =	vst v63  }
0x57: {  	s22 =	simm.s32 $0xB880  }
0x58: {  	[tilespmem:s22], [sflag:$0x2] =	stream.indirect_vreg.gather [hbm4b:s6+s3], $0x80, v3, vm0, $0xb8;
	[tilespmem:$0x10080] =	vst v63  }
0x59: {  	v3 =	vld [tilespmem:$0x30];
	_ =	sdelay $0x4  }
0x5a: {  	v59 =	vshll.u32 v3, $0x3  }
0x5b: {  	v3 =	vand.u32 $0x7, v3;
	v4 =	vand.u32 $0xFFFFFFC0, v59  }
0x5c: {  	v3 =	vor.u32 v3, v4  }
0x5d: {  	v4 =	vperm.xlane v3, v0;
	_ =	sdelay $0x1  }
0x5e: {  	v4 =	vadd.s32 v1, v4;
	_ =	sdelay $0x3  }
0x5f: {  	s22 =	simm.s32 $0xC080  }
0x60: {  	[tilespmem:s22], [sflag:$0x2] =	stream.indirect_vreg.gather [hbm4b:s2+s3], $0x80, v4, vm0, $0xb8;
	[tilespmem:$0x10080] =	vst v63  }
0x61: {  	v3 =	vperm.xlane v3, v2;
	s22 =	simm.s32 $0xC880  }
0x62: {  	[tilespmem:s22], [sflag:$0x2] =	stream.indirect_vreg.gather [hbm4b:s4+s3], $0x80, v4, vm0, $0xb8;
	[tilespmem:$0x10080] =	vst v63  }
0x63: {  	v3 =	vadd.s32 v1, v3;
	s22 =	simm.s32 $0xD080  }
0x64: {  	[tilespmem:s22], [sflag:$0x2] =	stream.indirect_vreg.gather [hbm4b:s5+s3], $0x80, v4, vm0, $0xb8;
	[tilespmem:$0x10080] =	vst v63  }
0x65: {  	s22 =	simm.s32 $0xD880  }
0x66: {  	[tilespmem:s22], [sflag:$0x2] =	stream.indirect_vreg.gather [hbm4b:s6+s3], $0x80, v4, vm0, $0xb8;
	[tilespmem:$0x10080] =	vst v63  }
0x67: {  	s22 =	simm.s32 $0xE080  }
0x68: {  	[tilespmem:s22], [sflag:$0x2] =	stream.indirect_vreg.gather [hbm4b:s2+s3], $0x80, v3, vm0, $0xb8;
	[tilespmem:$0x10080] =	vst v63  }
0x69: {  	s22 =	simm.s32 $0xE880  }
0x6a: {  	[tilespmem:s22], [sflag:$0x2] =	stream.indirect_vreg.gather [hbm4b:s4+s3], $0x80, v3, vm0, $0xb8;
	[tilespmem:$0x10080] =	vst v63  }
0x6b: {  	s22 =	simm.s32 $0xF080  }
0x6c: {  	[tilespmem:s22], [sflag:$0x2] =	stream.indirect_vreg.gather [hbm4b:s5+s3], $0x80, v3, vm0, $0xb8;
	[tilespmem:$0x10080] =	vst v63  }
0x6d: {  	s22 =	simm.s32 $0xF880  }
0x6e: {  	[tilespmem:s22], [sflag:$0x2] =	stream.indirect_vreg.gather [hbm4b:s6+s3], $0x80, v3, vm0, $0xb8;
	[tilespmem:$0x10080] =	vst v63  }
0x6f: {  	_ =	swait.ge [sflag:s8], $0x8000  }
0x70: {  	[sflag:s8] =	ssyncset.done $0x0  }
0x71: {  	s22 =	rddreg [dreg:$0x4];
	[sflag:s8] =	ssyncadd.s32 $0xFFFF8000  }
0x72: {  	[hbm4b:s22+s3] =	stream.linear.scatter [tilespmem:s25], [sflag:$0x3], $0x8000, $0x38;
	[tilespmem:$0x10080] =	vst v63  }
0x73: {  	_ =	swait.ge [sflag:s19], $0x8000  }
0x74: {  	[sflag:s19] =	ssyncset.done $0x0  }
0x75: {  	[sflag:s19] =	ssyncadd.s32 $0xFFFF8000  }
0x76: {  	v3 =	vld [tilespmem:$0x40];
	_ =	sdelay $0x4  }
0x77: {  	v60 =	vshll.u32 v3, $0x3  }
0x78: {  	v3 =	vand.u32 $0x7, v3;
	v4 =	vand.u32 $0xFFFFFFC0, v60  }
0x79: {  	v3 =	vor.u32 v3, v4  }
0x7a: {  	v4 =	vperm.xlane v3, v0;
	_ =	sdelay $0x1  }
0x7b: {  	v4 =	vadd.s32 v1, v4;
	_ =	sdelay $0x4  }
0x7c: {  	[tilespmem:s25], [sflag:$0x1] =	stream.indirect_vreg.gather [hbm4b:s2+s3], $0x80, v4, vm0, $0xb8;
	[tilespmem:$0x10080] =	vst v63  }
0x7d: {  	v3 =	vperm.xlane v3, v2  }
0x7e: {  	[tilespmem:s23], [sflag:$0x1] =	stream.indirect_vreg.gather [hbm4b:s4+s3], $0x80, v4, vm0, $0xb8;
	[tilespmem:$0x10080] =	vst v63  }
0x7f: {  	v3 =	vadd.s32 v1, v3  }
0x80: {  	[tilespmem:s24], [sflag:$0x1] =	stream.indirect_vreg.gather [hbm4b:s5+s3], $0x80, v4, vm0, $0xb8;
	[tilespmem:$0x10080] =	vst v63  }
0x81: {  	_ = 	snop  }
0x82: {  	[tilespmem:s26], [sflag:$0x1] =	stream.indirect_vreg.gather [hbm4b:s6+s3], $0x80, v4, vm0, $0xb8;
	[tilespmem:$0x10080] =	vst v63  }
0x83: {  	_ = 	snop  }
0x84: {  	[tilespmem:s28], [sflag:$0x1] =	stream.indirect_vreg.gather [hbm4b:s2+s3], $0x80, v3, vm0, $0xb8;
	[tilespmem:$0x10080] =	vst v63  }
0x85: {  	_ = 	snop  }
0x86: {  	[tilespmem:s29], [sflag:$0x1] =	stream.indirect_vreg.gather [hbm4b:s4+s3], $0x80, v3, vm0, $0xb8;
	[tilespmem:$0x10080] =	vst v63  }
0x87: {  	_ = 	snop  }
0x88: {  	[tilespmem:s30], [sflag:$0x1] =	stream.indirect_vreg.gather [hbm4b:s5+s3], $0x80, v3, vm0, $0xb8;
	[tilespmem:$0x10080] =	vst v63  }
0x89: {  	_ = 	snop  }
0x8a: {  	[tilespmem:s31], [sflag:$0x1] =	stream.indirect_vreg.gather [hbm4b:s6+s3], $0x80, v3, vm0, $0xb8;
	[tilespmem:$0x10080] =	vst v63  }
0x8b: {  	v3 =	vld [tilespmem:$0x50];
	_ =	sdelay $0x4  }
0x8c: {  	v61 =	vshll.u32 v3, $0x3  }
0x8d: {  	v3 =	vand.u32 $0x7, v3;
	v4 =	vand.u32 $0xFFFFFFC0, v61  }
0x8e: {  	v3 =	vor.u32 v3, v4  }
0x8f: {  	v4 =	vperm.xlane v3, v0;
	_ =	sdelay $0x1  }
0x90: {  	v4 =	vadd.s32 v1, v4;
	_ =	sdelay $0x4  }
0x91: {  	[tilespmem:s0], [sflag:$0x1] =	stream.indirect_vreg.gather [hbm4b:s2+s3], $0x80, v4, vm0, $0xb8;
	[tilespmem:$0x10080] =	vst v63  }
0x92: {  	v3 =	vperm.xlane v3, v2  }
0x93: {  	[tilespmem:s1], [sflag:$0x1] =	stream.indirect_vreg.gather [hbm4b:s4+s3], $0x80, v4, vm0, $0xb8;
	[tilespmem:$0x10080] =	vst v63  }
0x94: {  	v3 =	vadd.s32 v1, v3  }
0x95: {  	[tilespmem:s10], [sflag:$0x1] =	stream.indirect_vreg.gather [hbm4b:s5+s3], $0x80, v4, vm0, $0xb8;
	[tilespmem:$0x10080] =	vst v63  }
0x96: {  	_ = 	snop  }
0x97: {  	[tilespmem:s11], [sflag:$0x1] =	stream.indirect_vreg.gather [hbm4b:s6+s3], $0x80, v4, vm0, $0xb8;
	[tilespmem:$0x10080] =	vst v63  }
0x98: {  	_ = 	snop  }
0x99: {  	[tilespmem:s12], [sflag:$0x1] =	stream.indirect_vreg.gather [hbm4b:s2+s3], $0x80, v3, vm0, $0xb8;
	[tilespmem:$0x10080] =	vst v63  }
0x9a: {  	_ = 	snop  }
0x9b: {  	[tilespmem:s13], [sflag:$0x1] =	stream.indirect_vreg.gather [hbm4b:s4+s3], $0x80, v3, vm0, $0xb8;
	[tilespmem:$0x10080] =	vst v63  }
0x9c: {  	_ = 	snop  }
0x9d: {  	[tilespmem:s14], [sflag:$0x1] =	stream.indirect_vreg.gather [hbm4b:s5+s3], $0x80, v3, vm0, $0xb8;
	[tilespmem:$0x10080] =	vst v63  }
0x9e: {  	_ = 	snop  }
0x9f: {  	[tilespmem:s15], [sflag:$0x1] =	stream.indirect_vreg.gather [hbm4b:s6+s3], $0x80, v3, vm0, $0xb8;
	[tilespmem:$0x10080] =	vst v63  }
0xa0: {  	_ =	swait.ge [sflag:s20], $0x8000  }
0xa1: {  	[sflag:s20] =	ssyncset.done $0x0  }
0xa2: {  	s0 =	rddreg [dreg:$0x5];
	[sflag:s20] =	ssyncadd.s32 $0xFFFF8000  }
0xa3: {  	[hbm4b:s0+s3] =	stream.linear.scatter [tilespmem:s18], [sflag:$0x4], $0x8000, $0x38;
	[tilespmem:$0x10080] =	vst v63  }
0xa4: {  	_ =	swait.ge [sflag:s21], $0x8000  }
0xa5: {  	[sflag:s21] =	ssyncset.done $0x0  }
0xa6: {  	[sflag:s21] =	ssyncadd.s32 $0xFFFF8000  }
0xa7: {  	v3 =	vld [tilespmem:$0x60];
	_ =	sdelay $0x4  }
0xa8: {  	v62 =	vshll.u32 v3, $0x3  }
0xa9: {  	v3 =	vand.u32 $0x7, v3;
	v4 =	vand.u32 $0xFFFFFFC0, v62  }
0xaa: {  	v3 =	vor.u32 v3, v4  }
0xab: {  	v4 =	vperm.xlane v3, v0;
	_ =	sdelay $0x1  }
0xac: {  	v4 =	vadd.s32 v1, v4;
	_ =	sdelay $0x4  }
0xad: {  	[tilespmem:s18], [sflag:$0x2] =	stream.indirect_vreg.gather [hbm4b:s2+s3], $0x80, v4, vm0, $0xb8;
	[tilespmem:$0x10080] =	vst v63  }
0xae: {  	v3 =	vperm.xlane v3, v2  }
0xaf: {  	[tilespmem:s16], [sflag:$0x2] =	stream.indirect_vreg.gather [hbm4b:s4+s3], $0x80, v4, vm0, $0xb8;
	[tilespmem:$0x10080] =	vst v63  }
0xb0: {  	v3 =	vadd.s32 v1, v3  }
0xb1: {  	[tilespmem:s17], [sflag:$0x2] =	stream.indirect_vreg.gather [hbm4b:s5+s3], $0x80, v4, vm0, $0xb8;
	[tilespmem:$0x10080] =	vst v63  }
0xb2: {  	s22 =	simm.s32 $0x9880  }
0xb3: {  	[tilespmem:s22], [sflag:$0x2] =	stream.indirect_vreg.gather [hbm4b:s6+s3], $0x80, v4, vm0, $0xb8;
	[tilespmem:$0x10080] =	vst v63  }
0xb4: {  	_ = 	snop  }
0xb5: {  	[tilespmem:s9], [sflag:$0x2] =	stream.indirect_vreg.gather [hbm4b:s2+s3], $0x80, v3, vm0, $0xb8;
	[tilespmem:$0x10080] =	vst v63  }
0xb6: {  	s22 =	simm.s32 $0xA880  }
0xb7: {  	[tilespmem:s22], [sflag:$0x2] =	stream.indirect_vreg.gather [hbm4b:s4+s3], $0x80, v3, vm0, $0xb8;
	[tilespmem:$0x10080] =	vst v63  }
0xb8: {  	s9 =	simm.s32 $0xB080  }
0xb9: {  	[tilespmem:s9], [sflag:$0x2] =	stream.indirect_vreg.gather [hbm4b:s5+s3], $0x80, v3, vm0, $0xb8;
	[tilespmem:$0x10080] =	vst v63  }
0xba: {  	s22 =	simm.s32 $0xB880  }
0xbb: {  	[tilespmem:s22], [sflag:$0x2] =	stream.indirect_vreg.gather [hbm4b:s6+s3], $0x80, v3, vm0, $0xb8;
	[tilespmem:$0x10080] =	vst v63  }
0xbc: {  	v3 =	vld [tilespmem:$0x70];
	_ =	sdelay $0x4  }
0xbd: {  	v63 =	vshll.u32 v3, $0x3  }
0xbe: {  	v3 =	vand.u32 $0x7, v3;
	v4 =	vand.u32 $0xFFFFFFC0, v63  }
0xbf: {  	v3 =	vor.u32 v3, v4  }
0xc0: {  	v4 =	vperm.xlane v3, v0;
	_ =	sdelay $0x1  }
0xc1: {  	v4 =	vadd.s32 v1, v4;
	_ =	sdelay $0x3  }
0xc2: {  	s9 =	simm.s32 $0xC080  }
0xc3: {  	[tilespmem:s9], [sflag:$0x2] =	stream.indirect_vreg.gather [hbm4b:s2+s3], $0x80, v4, vm0, $0xb8;
	[tilespmem:$0x10080] =	vst v63  }
0xc4: {  	s22 =	simm.s32 $0xC880;
	v3 =	vperm.xlane v3, v2  }
0xc5: {  	[tilespmem:s22], [sflag:$0x2] =	stream.indirect_vreg.gather [hbm4b:s4+s3], $0x80, v4, vm0, $0xb8;
	[tilespmem:$0x10080] =	vst v63  }
0xc6: {  	v3 =	vadd.s32 v1, v3;
	s9 =	simm.s32 $0xD080  }
0xc7: {  	[tilespmem:s9], [sflag:$0x2] =	stream.indirect_vreg.gather [hbm4b:s5+s3], $0x80, v4, vm0, $0xb8;
	[tilespmem:$0x10080] =	vst v63  }
0xc8: {  	s22 =	simm.s32 $0xD880  }
0xc9: {  	[tilespmem:s22], [sflag:$0x2] =	stream.indirect_vreg.gather [hbm4b:s6+s3], $0x80, v4, vm0, $0xb8;
	[tilespmem:$0x10080] =	vst v63  }
0xca: {  	s9 =	simm.s32 $0xE080  }
0xcb: {  	[tilespmem:s9], [sflag:$0x2] =	stream.indirect_vreg.gather [hbm4b:s2+s3], $0x80, v3, vm0, $0xb8;
	[tilespmem:$0x10080] =	vst v63  }
0xcc: {  	s22 =	simm.s32 $0xE880  }
0xcd: {  	[tilespmem:s22], [sflag:$0x2] =	stream.indirect_vreg.gather [hbm4b:s4+s3], $0x80, v3, vm0, $0xb8;
	[tilespmem:$0x10080] =	vst v63  }
0xce: {  	s9 =	simm.s32 $0xF080  }
0xcf: {  	[tilespmem:s9], [sflag:$0x2] =	stream.indirect_vreg.gather [hbm4b:s5+s3], $0x80, v3, vm0, $0xb8;
	[tilespmem:$0x10080] =	vst v63  }
0xd0: {  	s22 =	simm.s32 $0xF880  }
0xd1: {  	[tilespmem:s22], [sflag:$0x2] =	stream.indirect_vreg.gather [hbm4b:s6+s3], $0x80, v3, vm0, $0xb8;
	[tilespmem:$0x10080] =	vst v63  }
0xd2: {  	_ =	swait.ge [sflag:s8], $0x8000  }
0xd3: {  	[sflag:s8] =	ssyncset.done $0x0  }
0xd4: {  	s0 =	rddreg [dreg:$0x6];
	[sflag:s8] =	ssyncadd.s32 $0xFFFF8000  }
0xd5: {  	[hbm4b:s0+s3] =	stream.linear.scatter [tilespmem:s25], [sflag:$0x3], $0x8000, $0x38;
	[tilespmem:$0x10080] =	vst v63  }
0xd6: {  	_ =	swait.ge [sflag:s20], $0x8000  }
0xd7: {  	[sflag:s20] =	ssyncset.done $0x0  }
0xd8: {  	s9 =	rddreg [dreg:$0x7];
	[sflag:s20] =	ssyncadd.s32 $0xFFFF8000  }
0xd9: {  	[hbm4b:s9+s3] =	stream.linear.scatter [tilespmem:s18], [sflag:$0x4], $0x8000, $0x38;
	[tilespmem:$0x10080] =	vst v63  }
0xda: {  	p0 =	sne.s32 s7, $0x1;
	_ =	swait.ge [sflag:s19], $0x8000  }
.Ltmp0:
0xdb: {  	[sflag:s19] =	ssyncset.done $0x0;
	(pc) =	sbr.rel @p0 .LBB2_1-.Ltmp0, $4  }
0xdc: {  	[sflag:s19] =	ssyncadd.s32 $0xFFFF8000  }
0xdd: {  	_ =	swait.ge [sflag:s21], $0x8000  }
0xde: {  	[sflag:s21] =	ssyncset.done $0x0  }
0xdf: {  	s7 =	sadd.s32 $0xFFFFFFFF, s7;
	[sflag:s21] =	ssyncadd.s32 $0xFFFF8000  }
0xe0: {  	_ =	sfence.sel $0x180000  }
0xe1: {  	[bflag:$0x0] =	sbarrier.arrive $0xFFFF  }
0xe2: {  	_ =	strace $0x9000004A  }
0xe3: {  	s0 =	stileid.u32;
	[bflag:$0x2] =	sbarrier.arrive $0xFFFF  }
0xe4: {  	p0 =	sne.s32 s0, $0x0;
	s0 =	rddreg [dreg:$0x2]  }
0xe5: {  	s0 =	sadd.s32 @!p0 $0x100000, s0  }
0xe6: {  	[sflag:s0] =	ssyncadd.tile.s32 @!p0 $0x1;
	_ =	shalt  }
.Lfunc_end2:
_tile_overlayer_lowered:
.L_overlay_start_2:
0xe7: {  	(tag) =	ssettag $0x2  }
0xe8: {  	s0 =	rddreg [dreg:$0x0];
	s2 =	stileid.u32  }
0xe9: {  	s1 =	rddreg [dreg:$0x1];
	p0 =	sne.s32 s2, $0x0  }
0xea: {  	s3 =	rddreg [dreg:$0x2];
	[bflag:$0x3] =	sbarrier.arrive $0xFFFF;
	s2 =	simm.s32 @!p0 $0x1C05  }
0xeb: {  	[timem:s3], [sflag:s2] =	dma.local @!p0 [hbm:s0], s1  }
0xec: {  	s0 =	simm.s32 @!p0 $0x5  }
0xed: {  	_ =	swait.ge @!p0 [sflag:s0], s1  }
0xee: {  	s1 =	ssub.s32 @!p0 $0x0, s1;
	[sflag:s0] =	ssyncset.done @!p0 $0x0  }
0xef: {  	[sflag:s0] =	ssyncadd.s32 @!p0 s1  }
0xf0: {  	[bflag:$0x3] =	sbarrier.arrive $0xFFFF  }
0xf1: {  	_ =	shalt  }

// kernel: kernel.16.cloned.1.call-start
scs
__scs_entry_jumppad:
0x0: {  	(pc) =	sbr.rel $0x88, $3  }
0x1: {  	(tag) =	ssettag $0x0;
	lr =	simm.s32 $0x1  }
0x2: {  	[smem:$0x3F9B] =	sst lr;
	_ =	strace $0xD0000000  }
0x3: {  	_ = 	snop  }
0x4: {  	_ = 	snop  }
0x5: {  	_ = 	snop  }
0x6: {  	_ = 	snop  }
0x7: {  	_ = 	snop  }
__scs_overlays_trampoline_lowered:
0x8: {  	[smem:$0x3FAA] =	sst s0  }
0x9: {  	[smem:$0x3FAB] =	sst s1  }
0xa: {  	[smem:$0x3FAC] =	sst s2  }
0xb: {  	[smem:$0x3FAD] =	sst s3  }
0xc: {  	[smem:$0x3FAE] =	sst s4  }
0xd: {  	[smem:$0x3FAF] =	sst s5  }
0xe: {  	[smem:$0x3FB0] =	sst s6  }
0xf: {  	[smem:$0x3FB1] =	sst s7  }
0x10: {  	[smem:$0x3FB2] =	sst s8  }
0x11: {  	[smem:$0x3FB3] =	sst s9;
	s0 =	simm.s32 @!p0 $0x0  }
0x12: {  	s1 =	sld [smem:$0x3F99];
	s0 =	simm.s32 @p0 $0x1  }
0x13: {  	[smem:$0x3FB4] =	sst s0;
	s0 =	simm.s32 @!p1 $0x0  }
0x14: {  	s2 =	sld [smem:$0x3F98];
	s0 =	simm.s32 @p1 $0x1  }
0x15: {  	[smem:$0x3FB5] =	sst s0;
	s0 =	simm.s32 @!p2 $0x0  }
0x16: {  	s3 =	sld [smem:$0x3FDB];
	s0 =	simm.s32 @p2 $0x1  }
0x17: {  	s4 =	simm.s32 $0x1BF5;
	[smem:$0x3FB7] =	sst s0  }
0x18: {  	s0 =	sld [smem:$0x3F9A];
	_ =	swait.ge [sflag:s4], $0x0  }
0x19: {  	s7 =	sld [smem:$0x3F9B]  }
0x1a: {  	s8 =	sadd.s32 $0xFFFFE003, lr  }
0x1b: {  	s9 =	sadd.s32 $0xFFFFFEF7, lr;
	s5 =	simm.s32 $0xFFFFFFFF;
	p2 =	slt.u32 s8, $0xFFFFF086  }
0x1c: {  	p1 =	slt.u32 s9, $0xF7A;
	s5 =	simm.s32 @!p2 $0x0  }
0x1d: {  	s5 =	simm.s32 @p1 $0x1;
	p0 =	seq.s32 s7, s2  }
0x1e: {  	s7 =	smul.u32 @!p0 $0xF7A, s2;
	p2 =	seq.s32 @!p0 s5, $0x0  }
0x1f: {  	s9 =	smul.u32 $0xF7A, s1;
	s8 =	simm.s32 @!p0 $0x1BF5;
	p2 =	por !p2, p0  }
0x20: {  	[sflag:s8] =	ssyncset.s32 @!p0 $0xFFFFF086;
	s6 =	sadd.s32 @!p0 s3, s7;
	s7 =	simm.s32 @!p0 $0x108  }
0x21: {  	s3 =	sadd.s32 s3, s9;
	s6 =	sadd.s32 @!p0 $0x88, s6;
	s7 =	simm.s32 @p2 $0x1082  }
0x22: {  	[simem:s7], [sflag:s8] =	dma.local @!p0 [hbm:s6], $0xF7A  }
0x23: {  	s9 =	sor.u32 $0xD0000000, s2;
	s6 =	simm.s32 $0x108;
	_ =	swait.ge @!p0 [sflag:s8], $0x0  }
0x24: {  	s3 =	sadd.s32 $0x88, s3;
	s6 =	simm.s32 @!p1 $0x1082;
	[sflag:s4] =	ssyncset.s32 $0xFFFFF086  }
0x25: {  	[simem:s6], [sflag:s4] =	dma.local [hbm:s3], $0xF7A  }
0x26: {  	[smem:$0x3F9B] =	sst s1;
	(tag) =	ssettag s2;
	_ =	strace s9  }
0x27: {  	s1 =	sld [smem:$0x3FAB]  }
0x28: {  	s2 =	sld [smem:$0x3FAC]  }
0x29: {  	s4 =	sld [smem:$0x3FAE]  }
0x2a: {  	p0 =	seq.s32 s5, $0x0;
	s5 =	sld [smem:$0x3FAF]  }
0x2b: {  	s6 =	sld [smem:$0x3FB0]  }
0x2c: {  	s7 =	sld [smem:$0x3FB1]  }
0x2d: {  	s3 =	simm.s32 $0x108;
	s8 =	sld [smem:$0x3FB2]  }
0x2e: {  	s3 =	simm.s32 @!p0 $0x1082;
	s9 =	sld [smem:$0x3FB3]  }
0x2f: {  	lr =	sadd.s32 s0, s3;
	s0 =	sld [smem:$0x3FAA]  }
0x30: {  	s3 =	sld [smem:$0x3FAD]  }
0x31: {  	[smem:$0x3FB6] =	sst s10  }
0x32: {  	s10 =	sld [smem:$0x3FB4];
	_ =	sdelay $0x3  }
0x33: {  	p0 =	seq.s32 s10, $0x1;
	s10 =	sld [smem:$0x3FB6];
	_ =	sdelay $0x3  }
0x34: {  	[smem:$0x3FB6] =	sst s10  }
0x35: {  	s10 =	sld [smem:$0x3FB5];
	_ =	sdelay $0x3  }
0x36: {  	p1 =	seq.s32 s10, $0x1;
	s10 =	sld [smem:$0x3FB6];
	_ =	sdelay $0x3  }
0x37: {  	[smem:$0x3FB6] =	sst s10  }
0x38: {  	s10 =	sld [smem:$0x3FB7]  }
0x39: {  	_ = 	snop;
	(pc) =	sbr.ind lr, $3  }
0x3a: {  	_ = 	snop  }
0x3b: {  	_ = 	snop  }
0x3c: {  	p2 =	seq.s32 s10, $0x1;
	s10 =	sld [smem:$0x3FB6]  }
0x3d: {  	_ =	shalt  }
0x3e: {  	_ =	shalt  }
0x3f: {  	_ =	shalt  }
0x40: {  	_ =	shalt  }
0x41: {  	_ =	shalt  }
0x42: {  	_ =	shalt  }
0x43: {  	_ =	shalt  }
0x44: {  	_ =	shalt  }
0x45: {  	_ =	shalt  }
0x46: {  	_ =	shalt  }
0x47: {  	_ =	shalt  }
0x48: {  	_ =	shalt  }
0x49: {  	_ =	shalt  }
0x4a: {  	_ =	shalt  }
0x4b: {  	_ =	shalt  }
0x4c: {  	_ =	shalt  }
0x4d: {  	_ =	shalt  }
0x4e: {  	_ =	shalt  }
0x4f: {  	_ =	shalt  }
0x50: {  	_ =	shalt  }
0x51: {  	_ =	shalt  }
0x52: {  	_ =	shalt  }
0x53: {  	_ =	shalt  }
0x54: {  	_ =	shalt  }
0x55: {  	_ =	shalt  }
0x56: {  	_ =	shalt  }
0x57: {  	_ =	shalt  }
0x58: {  	_ =	shalt  }
0x59: {  	_ =	shalt  }
0x5a: {  	_ =	shalt  }
0x5b: {  	_ =	shalt  }
0x5c: {  	_ =	shalt  }
0x5d: {  	_ =	shalt  }
0x5e: {  	_ =	shalt  }
0x5f: {  	_ =	shalt  }
0x60: {  	_ =	shalt  }
0x61: {  	_ =	shalt  }
0x62: {  	_ =	shalt  }
0x63: {  	_ =	shalt  }
0x64: {  	_ =	shalt  }
0x65: {  	_ =	shalt  }
0x66: {  	_ =	shalt  }
0x67: {  	_ =	shalt  }
0x68: {  	_ =	shalt  }
0x69: {  	_ =	shalt  }
0x6a: {  	_ =	shalt  }
0x6b: {  	_ =	shalt  }
0x6c: {  	_ =	shalt  }
0x6d: {  	_ =	shalt  }
0x6e: {  	_ =	shalt  }
0x6f: {  	_ =	shalt  }
0x70: {  	_ =	shalt  }
0x71: {  	_ =	shalt  }
0x72: {  	_ =	shalt  }
0x73: {  	_ =	shalt  }
0x74: {  	_ =	shalt  }
0x75: {  	_ =	shalt  }
0x76: {  	_ =	shalt  }
0x77: {  	_ =	shalt  }
0x78: {  	_ =	shalt  }
0x79: {  	_ =	shalt  }
0x7a: {  	_ =	shalt  }
0x7b: {  	_ =	shalt  }
0x7c: {  	_ =	shalt  }
0x7d: {  	_ =	shalt  }
0x7e: {  	_ =	shalt  }
0x7f: {  	_ =	shalt  }
0x80: {  	_ =	shalt  }
0x81: {  	_ =	shalt  }
0x82: {  	_ =	shalt  }
0x83: {  	_ =	shalt  }
0x84: {  	_ =	shalt  }
0x85: {  	_ =	shalt  }
0x86: {  	_ =	shalt  }
0x87: {  	_ =	shalt  }
.Lfunc_end0:
.L_simem_size_0:
called_computation.2_lowered:
.L_overlay_start_0:
0x88: {  	s2 =	sld [smem:$0x3FD9]  }
0x89: {  	s3 =	sld [smem:$0x3FFE];
	_ =	sdelay $0x1  }
0x8a: {  	s1 =	srdreg.scid  }
0x8b: {  	s0 =	sand.u32 $0x1, s1  }
0x8c: {  	s17 =	sshll.u32 s0, $0xA;
	s2 =	sadd.s32 s3, s2  }
0x8d: {  	s2 =	sadd.s32 s2, s17  }
0x8e: {  	[smem:$0x3FC2] =	sst s2  }
0x8f: {  	_ = 	snop  }
0x90: {  	s18 =	sld [smem:$0x3FC7];
	(tm) =	ssettm $0x1  }
0x91: {  	s19 =	sld [smem:$0x3FFB];
	_ =	sdelay $0x3  }
0x92: {  	_ =	strace s19  }
0x93: {  	s2 =	sld [smem:$0x3FFC];
	_ =	sdelay $0x3  }
0x94: {  	_ =	strace s2  }
0x95: {  	s2 =	sld [smem:$0x3FFD];
	_ =	sdelay $0x3  }
0x96: {  	_ =	strace s2  }
0x97: {  	_ =	strace $0x8FFFFFFF  }
0x98: {  	s20 =	sld [smem:$0x3FDB];
	_ =	sdelay $0x1  }
0x99: {  	s4 =	simm.s32 $_scs_section_size  }
0x9a: {  	s5 =	simm.s32 $_size__tile_overlayer_lowered;
	s6 =	simm.s32 $_tile_overlayer_lowered  }
0x9b: {  	s7 =	simm.s32 $0x1BFF;
	s21 =	sshll.u32 s6, $0x1;
	s4 =	sadd.s32 s4, s20  }
0x9c: {  	s22 =	simm.s32 $0x0;
	s5 =	sshll.u32 s5, $0x1;
	s6 =	sadd.s32 s21, s4  }
0x9d: {  	[timem:s22], [sflag:s7] =	dma.local [hbm:s6], s5  }
0x9e: {  	_ =	swait.ge [sflag:s7], s5  }
0x9f: {  	s5 =	ssub.s32 $0x0, s5;
	[sflag:s7] =	ssyncset.done $0x0  }
0xa0: {  	[sflag:s7] =	ssyncadd.s32 s5;
	_ =	sdelay $0x1  }
0xa1: {  	s23 =	simm.s32 $0x1B8B  }
0xa2: {  	_ =	swait.ge [sflag:s23], $0x1  }
0xa3: {  	[sflag:s23] =	ssyncset.done $0x0  }
0xa4: {  	[sflag:s23] =	ssyncadd.s32 $0xFFFFFFFF  }
0xa5: {  	s5 =	sld [smem:$0x0]  }
0xa6: {  	s6 =	sand.u32 $0xFFFFFFFE, s1  }
0xa7: {  	p0 =	sne.s32 s1, s6  }
0xa8: {  	s6 =	sshll.u32 @p0 s6, $0xE  }
0xa9: {  	s6 =	sadd.s32 @p0 $0x11B8D, s6;
	s7 =	sshll.u32 @p0 s5, $0x11  }
0xaa: {  	s6 =	sor.u32 @p0 s7, s6  }
0xab: {  	[sflag:s6] =	ssyncadd.remote.s32 @p0 $0x1;
	_ =	sdelay $0x1  }
0xac: {  	s6 =	simm.s32 @p0 $0x1B8D  }
0xad: {  	_ =	swait.eq @p0 [sflag:s6], $0x1  }
0xae: {  	[sflag:s6] =	ssyncadd.s32 @p0 $0xFFFFFFFF  }
0xaf: {  	s7 =	sshll.u32 @!p0 s1, $0xE  }
0xb0: {  	s7 =	sor.u32 @!p0 $0x4000, s7;
	s6 =	simm.s32 @!p0 $0x1B8D  }
0xb1: {  	s5 =	sshll.u32 @!p0 s5, $0x11;
	s7 =	sadd.s32 @!p0 $0x11B8D, s7;
	_ =	swait.eq @!p0 [sflag:s6], $0x1  }
0xb2: {  	s5 =	sor.u32 @!p0 s5, s7;
	[sflag:s6] =	ssyncadd.s32 @!p0 $0xFFFFFFFF  }
0xb3: {  	s25 =	simm.s32 $0x1B8E;
	s24 =	sld [smem:$0x3FFE];
	[sflag:s5] =	ssyncadd.remote.s32 @!p0 $0x1  }
0xb4: {  	s26 =	simm.s32 $execute0_lowered;
	[smem:$0x3FD2] =	sst s25  }
0xb5: {  	s6 =	sshll.u32 s26, $0x1;
	_ =	strace $0x8000004C;
	[dreg:$0x1] =	wrdreg $0xFFFFFFFF  }
0xb6: {  	s28 =	simm.s32 $_size_execute0_lowered;
	s4 =	sadd.s32 s4, s6;
	[dreg:$0x0] =	wrdreg $0x0  }
0xb7: {  	s6 =	sshll.u32 s28, $0x1;
	[dreg:$0x2] =	wrdreg s4  }
0xb8: {  	[dreg:$0x3] =	wrdreg s6  }
0xb9: {  	[dreg:$0x4] =	wrdreg $0xC0  }
0xba: {  	_ =	task [dreg:s22], $0x5FFFF  }
0xbb: {  	[dreg:$0x1] =	wrdreg $0xFFFFFFFF  }
0xbc: {  	[dreg:$0x0] =	wrdreg $0x60  }
0xbd: {  	[dreg:$0x2] =	wrdreg s18  }
0xbe: {  	[dreg:$0x3] =	wrdreg s24  }
0xbf: {  	[dreg:$0x4] =	wrdreg $0xB  }
0xc0: {  	_ =	task.clear_ibuf [dreg:s22], $0x5FFFF;
	_ =	strace $0x9000004C  }
0xc1: {  	s29 =	simm.s32 $0xB;
	_ =	strace $0x8000004E  }
0xc2: {  	_ =	swait.ge [sflag:s29], $0x1  }
0xc3: {  	[sflag:s29] =	ssyncadd.s32 $0xFFFFFFFF  }
0xc4: {  	_ =	strace $0x9000004E  }
0xc5: {  	_ =	sfence  }
0xc6: {  	s30 =	sld [smem:$0x0];
	_ =	sdelay $0x2  }
0xc7: {  	s31 =	sshll.u32 s1, $0xD;
	s1 =	sshrl.u32 s1, $0x2  }
0xc8: {  	s4 =	sand.u32 $0x4000, s31;
	s1 =	sadd.s32 s1, s30  }
0xc9: {  	s0 =	sor.u32 s4, s0;
	s1 =	sshll.u32 s1, $0x11  }
0xca: {  	s0 =	sor.u32 s1, s0  }
0xcb: {  	s0 =	sadd.s32 $0x8F2B, s0  }
0xcc: {  	[sflag:s0] =	ssyncadd.remote.s32 $0x1  }
0xcd: {  	_ =	sfence.sel $0xFFFF  }
0xce: {  	[dreg:$0x0] =	wrdreg $0xFFFFFFFF;
	(pc) =	sbr.abs _section_cstart, $3  }
0xcf: {  	[dreg:$0x1] =	wrdreg $0xFFFFFFFF  }
0xd0: {  	_ =	task.clear_ibuf [dreg:s22], $0x2FFFF;
	_ =	strace $0x9FFFFFFF  }
0xd1: {  	(tm) =	ssettm $0x7FFFFFFF  }
tec
execute0_lowered:
.L_overlay_start_1:
0x0: {  	(tag) =	ssettag $0x1  }
0x1: {  	s2 =	rddreg [dreg:$0x0]  }
0x2: {  	s0 =	rddreg [dreg:$0x1];
	s1 =	srdreg.scid  }
0x3: {  	s4 =	stileid.u32;
	s3 =	simm.s32 $0x0;
	s8 =	simm.s32 $0x1  }
0x4: {  	s19 =	simm.s32 $0x3;
	s20 =	simm.s32 $0x2;
	s21 =	simm.s32 $0x4  }
0x5: {  	s23 =	simm.s32 $0x880;
	s24 =	simm.s32 $0x1080;
	s28 =	simm.s32 $0x2080  }
0x6: {  	s29 =	simm.s32 $0x2880;
	s30 =	simm.s32 $0x3080;
	s31 =	simm.s32 $0x3880  }
0x7: {  	s10 =	simm.s32 $0x5080;
	s11 =	simm.s32 $0x5880;
	s12 =	simm.s32 $0x6080  }
0x8: {  	s13 =	simm.s32 $0x6880;
	s14 =	simm.s32 $0x7080;
	s1 =	sand.u32 $0x1, s1  }
0x9: {  	s15 =	simm.s32 $0x7880;
	s4 =	sshll.u32 s4, $0x8;
	s5 =	sshll.u32 s1, $0x7  }
0xa: {  	s18 =	simm.s32 $0x8080;
	s16 =	simm.s32 $0x8880;
	s4 =	sor.u32 s5, s4  }
0xb: {  	s17 =	simm.s32 $0x9080;
	[smem:$0x7FF] =	sst s3;
	s5 =	sshrl.u32 s4, $0x3  }
0xc: {  	_ =	strace $0x8000004D;
	s4 =	sshll.u32 s4, $0x7;
	s5 =	sadd.s32 s5, s0  }
0xd: {  	s1 =	ssub.s32 $0x2, s1;
	s0 =	sadd.s32 s4, s0;
	s5 =	sadd.s32 $0x2800, s5  }
0xe: {  	s25 =	sshrl.u32 s1, $0x1;
	s26 =	sadd.s32 $0x82C00, s0;
	[dreg:$0x3] =	wrdreg s5  }
0xf: {  	s1 =	ssub.s32 s1, s25;
	s6 =	sadd.s32 $0x83C00, s0;
	[dreg:$0x4] =	wrdreg s26  }
0x10: {  	s25 =	simm.s32 $0x80;
	s7 =	sadd.s32 $0x84C00, s0;
	[dreg:$0x5] =	wrdreg s6  }
0x11: {  	v2 =	vlaneseq.u32;
	s4 =	sadd.s32 $0x100, s2;
	s0 =	sadd.s32 $0x85C00, s0;
	[dreg:$0x6] =	wrdreg s7  }
0x12: {  	vm0 =	vmmov $0xffff;
	v1 =	vshrl.u32 v2, $0x3;
	s5 =	sadd.s32 $0x200, s2;
	s6 =	sadd.s32 $0x300, s2;
	[dreg:$0x7] =	wrdreg s0  }
0x13: {  	v0 =	vand.u32 $0x7, v2;
	v2 =	vor.u32 $0x8, v2;
	v1 =	vmul.u32 $0x8, v1;
	s7 =	smax.u32 s1, $0x1;
	s26 =	simm.s32 $0x1880;
	s1 =	simm.s32 $0x4880  }
.LBB2_1:
0x14: {  	s22 =	rddreg [dreg:$0x3];
	s0 =	simm.s32 $0x5  }
0x15: {  	[tilespmem:s3], [sflag:$0x5] =	stream.linear.gather [hbm4b:s22+s3], $0x80, $0x38;
	[tilespmem:$0x10080] =	vst v63  }
0x16: {  	_ =	swait.ge [sflag:s0], $0x80  }
0x17: {  	[sflag:s0] =	ssyncset.done $0x0  }
0x18: {  	[sflag:s0] =	ssyncadd.s32 $0xFFFFFF80  }
0x19: {  	v3 =	vld [tilespmem:$0x0];
	_ =	sdelay $0x4  }
0x1a: {  	v4 =	vshll.u32 v3, $0x3  }
0x1b: {  	v3 =	vand.u32 $0x7, v3;
	v4 =	vand.u32 $0xFFFFFFC0, v4  }
0x1c: {  	v3 =	vor.u32 v3, v4  }
0x1d: {  	v4 =	vperm.xlane v3, v0;
	_ =	sdelay $0x1  }
0x1e: {  	v4 =	vadd.s32 v1, v4;
	_ =	sdelay $0x4  }
0x1f: {  	[tilespmem:s25], [sflag:$0x1] =	stream.indirect_vreg.gather [hbm4b:s2+s3], $0x80, v4, vm0, $0xb8;
	[tilespmem:$0x10080] =	vst v63  }
0x20: {  	v3 =	vperm.xlane v3, v2  }
0x21: {  	[tilespmem:s23], [sflag:$0x1] =	stream.indirect_vreg.gather [hbm4b:s4+s3], $0x80, v4, vm0, $0xb8;
	[tilespmem:$0x10080] =	vst v63  }
0x22: {  	v3 =	vadd.s32 v1, v3  }
0x23: {  	[tilespmem:s24], [sflag:$0x1] =	stream.indirect_vreg.gather [hbm4b:s5+s3], $0x80, v4, vm0, $0xb8;
	[tilespmem:$0x10080] =	vst v63  }
0x24: {  	_ = 	snop  }
0x25: {  	[tilespmem:s26], [sflag:$0x1] =	stream.indirect_vreg.gather [hbm4b:s6+s3], $0x80, v4, vm0, $0xb8;
	[tilespmem:$0x10080] =	vst v63  }
0x26: {  	_ = 	snop  }
0x27: {  	[tilespmem:s28], [sflag:$0x1] =	stream.indirect_vreg.gather [hbm4b:s2+s3], $0x80, v3, vm0, $0xb8;
	[tilespmem:$0x10080] =	vst v63  }
0x28: {  	_ = 	snop  }
0x29: {  	[tilespmem:s29], [sflag:$0x1] =	stream.indirect_vreg.gather [hbm4b:s4+s3], $0x80, v3, vm0, $0xb8;
	[tilespmem:$0x10080] =	vst v63  }
0x2a: {  	_ = 	snop  }
0x2b: {  	[tilespmem:s30], [sflag:$0x1] =	stream.indirect_vreg.gather [hbm4b:s5+s3], $0x80, v3, vm0, $0xb8;
	[tilespmem:$0x10080] =	vst v63  }
0x2c: {  	_ = 	snop  }
0x2d: {  	[tilespmem:s31], [sflag:$0x1] =	stream.indirect_vreg.gather [hbm4b:s6+s3], $0x80, v3, vm0, $0xb8;
	[tilespmem:$0x10080] =	vst v63  }
0x2e: {  	v3 =	vld [tilespmem:$0x10];
	_ =	sdelay $0x4  }
0x2f: {  	v57 =	vshll.u32 v3, $0x3  }
0x30: {  	v3 =	vand.u32 $0x7, v3;
	v4 =	vand.u32 $0xFFFFFFC0, v57  }
0x31: {  	v3 =	vor.u32 v3, v4  }
0x32: {  	v4 =	vperm.xlane v3, v0;
	_ =	sdelay $0x1  }
0x33: {  	v4 =	vadd.s32 v1, v4;
	_ =	sdelay $0x3  }
0x34: {  	s0 =	simm.s32 $0x4080  }
0x35: {  	[tilespmem:s0], [sflag:$0x1] =	stream.indirect_vreg.gather [hbm4b:s2+s3], $0x80, v4, vm0, $0xb8;
	[tilespmem:$0x10080] =	vst v63  }
0x36: {  	v3 =	vperm.xlane v3, v2  }
0x37: {  	[tilespmem:s1], [sflag:$0x1] =	stream.indirect_vreg.gather [hbm4b:s4+s3], $0x80, v4, vm0, $0xb8;
	[tilespmem:$0x10080] =	vst v63  }
0x38: {  	v3 =	vadd.s32 v1, v3  }
0x39: {  	[tilespmem:s10], [sflag:$0x1] =	stream.indirect_vreg.gather [hbm4b:s5+s3], $0x80, v4, vm0, $0xb8;
	[tilespmem:$0x10080] =	vst v63  }
0x3a: {  	_ = 	snop  }
0x3b: {  	[tilespmem:s11], [sflag:$0x1] =	stream.indirect_vreg.gather [hbm4b:s6+s3], $0x80, v4, vm0, $0xb8;
	[tilespmem:$0x10080] =	vst v63  }
0x3c: {  	_ = 	snop  }
0x3d: {  	[tilespmem:s12], [sflag:$0x1] =	stream.indirect_vreg.gather [hbm4b:s2+s3], $0x80, v3, vm0, $0xb8;
	[tilespmem:$0x10080] =	vst v63  }
0x3e: {  	_ = 	snop  }
0x3f: {  	[tilespmem:s13], [sflag:$0x1] =	stream.indirect_vreg.gather [hbm4b:s4+s3], $0x80, v3, vm0, $0xb8;
	[tilespmem:$0x10080] =	vst v63  }
0x40: {  	_ = 	snop  }
0x41: {  	[tilespmem:s14], [sflag:$0x1] =	stream.indirect_vreg.gather [hbm4b:s5+s3], $0x80, v3, vm0, $0xb8;
	[tilespmem:$0x10080] =	vst v63  }
0x42: {  	_ = 	snop  }
0x43: {  	[tilespmem:s15], [sflag:$0x1] =	stream.indirect_vreg.gather [hbm4b:s6+s3], $0x80, v3, vm0, $0xb8;
	[tilespmem:$0x10080] =	vst v63  }
0x44: {  	v3 =	vld [tilespmem:$0x20];
	_ =	sdelay $0x4  }
0x45: {  	v58 =	vshll.u32 v3, $0x3  }
0x46: {  	v3 =	vand.u32 $0x7, v3;
	v4 =	vand.u32 $0xFFFFFFC0, v58  }
0x47: {  	v3 =	vor.u32 v3, v4  }
0x48: {  	v4 =	vperm.xlane v3, v0;
	_ =	sdelay $0x1  }
0x49: {  	v4 =	vadd.s32 v1, v4;
	_ =	sdelay $0x4  }
0x4a: {  	[tilespmem:s18], [sflag:$0x2] =	stream.indirect_vreg.gather [hbm4b:s2+s3], $0x80, v4, vm0, $0xb8;
	[tilespmem:$0x10080] =	vst v63  }
0x4b: {  	v3 =	vperm.xlane v3, v2  }
0x4c: {  	[tilespmem:s16], [sflag:$0x2] =	stream.indirect_vreg.gather [hbm4b:s4+s3], $0x80, v4, vm0, $0xb8;
	[tilespmem:$0x10080] =	vst v63  }
0x4d: {  	v3 =	vadd.s32 v1, v3  }
0x4e: {  	[tilespmem:s17], [sflag:$0x2] =	stream.indirect_vreg.gather [hbm4b:s5+s3], $0x80, v4, vm0, $0xb8;
	[tilespmem:$0x10080] =	vst v63  }
0x4f: {  	s9 =	simm.s32 $0x9880  }
0x50: {  	[tilespmem:s9], [sflag:$0x2] =	stream.indirect_vreg.gather [hbm4b:s6+s3], $0x80, v4, vm0, $0xb8;
	[tilespmem:$0x10080] =	vst v63  }
0x51: {  	s9 =	simm.s32 $0xA080  }
0x52: {  	[tilespmem:s9], [sflag:$0x2] =	stream.indirect_vreg.gather [hbm4b:s2+s3], $0x80, v3, vm0, $0xb8;
	[tilespmem:$0x10080] =	vst v63  }
0x53: {  	s22 =	simm.s32 $0xA880  }
0x54: {  	[tilespmem:s22], [sflag:$0x2] =	stream.indirect_vreg.gather [hbm4b:s4+s3], $0x80, v3, vm0, $0xb8;
	[tilespmem:$0x10080] =	vst v63  }
0x55: {  	s22 =	simm.s32 $0xB080  }
0x56: {  	[tilespmem:s22], [sflag:$0x2] =	stream.indirect_vreg.gather [hbm4b:s5+s3], $0x80, v3, vm0, $0xb8;
	[tilespmem:$0x10080] =	vst v63  }
0x57: {  	s22 =	simm.s32 $0xB880  }
0x58: {  	[tilespmem:s22], [sflag:$0x2] =	stream.indirect_vreg.gather [hbm4b:s6+s3], $0x80, v3, vm0, $0xb8;
	[tilespmem:$0x10080] =	vst v63  }
0x59: {  	v3 =	vld [tilespmem:$0x30];
	_ =	sdelay $0x4  }
0x5a: {  	v59 =	vshll.u32 v3, $0x3  }
0x5b: {  	v3 =	vand.u32 $0x7, v3;
	v4 =	vand.u32 $0xFFFFFFC0, v59  }
0x5c: {  	v3 =	vor.u32 v3, v4  }
0x5d: {  	v4 =	vperm.xlane v3, v0;
	_ =	sdelay $0x1  }
0x5e: {  	v4 =	vadd.s32 v1, v4;
	_ =	sdelay $0x3  }
0x5f: {  	s22 =	simm.s32 $0xC080  }
0x60: {  	[tilespmem:s22], [sflag:$0x2] =	stream.indirect_vreg.gather [hbm4b:s2+s3], $0x80, v4, vm0, $0xb8;
	[tilespmem:$0x10080] =	vst v63  }
0x61: {  	v3 =	vperm.xlane v3, v2;
	s22 =	simm.s32 $0xC880  }
0x62: {  	[tilespmem:s22], [sflag:$0x2] =	stream.indirect_vreg.gather [hbm4b:s4+s3], $0x80, v4, vm0, $0xb8;
	[tilespmem:$0x10080] =	vst v63  }
0x63: {  	v3 =	vadd.s32 v1, v3;
	s22 =	simm.s32 $0xD080  }
0x64: {  	[tilespmem:s22], [sflag:$0x2] =	stream.indirect_vreg.gather [hbm4b:s5+s3], $0x80, v4, vm0, $0xb8;
	[tilespmem:$0x10080] =	vst v63  }
0x65: {  	s22 =	simm.s32 $0xD880  }
0x66: {  	[tilespmem:s22], [sflag:$0x2] =	stream.indirect_vreg.gather [hbm4b:s6+s3], $0x80, v4, vm0, $0xb8;
	[tilespmem:$0x10080] =	vst v63  }
0x67: {  	s22 =	simm.s32 $0xE080  }
0x68: {  	[tilespmem:s22], [sflag:$0x2] =	stream.indirect_vreg.gather [hbm4b:s2+s3], $0x80, v3, vm0, $0xb8;
	[tilespmem:$0x10080] =	vst v63  }
0x69: {  	s22 =	simm.s32 $0xE880  }
0x6a: {  	[tilespmem:s22], [sflag:$0x2] =	stream.indirect_vreg.gather [hbm4b:s4+s3], $0x80, v3, vm0, $0xb8;
	[tilespmem:$0x10080] =	vst v63  }
0x6b: {  	s22 =	simm.s32 $0xF080  }
0x6c: {  	[tilespmem:s22], [sflag:$0x2] =	stream.indirect_vreg.gather [hbm4b:s5+s3], $0x80, v3, vm0, $0xb8;
	[tilespmem:$0x10080] =	vst v63  }
0x6d: {  	s22 =	simm.s32 $0xF880  }
0x6e: {  	[tilespmem:s22], [sflag:$0x2] =	stream.indirect_vreg.gather [hbm4b:s6+s3], $0x80, v3, vm0, $0xb8;
	[tilespmem:$0x10080] =	vst v63  }
0x6f: {  	_ =	swait.ge [sflag:s8], $0x8000  }
0x70: {  	[sflag:s8] =	ssyncset.done $0x0  }
0x71: {  	s22 =	rddreg [dreg:$0x4];
	[sflag:s8] =	ssyncadd.s32 $0xFFFF8000  }
0x72: {  	[hbm4b:s22+s3] =	stream.linear.scatter [tilespmem:s25], [sflag:$0x3], $0x8000, $0x38;
	[tilespmem:$0x10080] =	vst v63  }
0x73: {  	_ =	swait.ge [sflag:s19], $0x8000  }
0x74: {  	[sflag:s19] =	ssyncset.done $0x0  }
0x75: {  	[sflag:s19] =	ssyncadd.s32 $0xFFFF8000  }
0x76: {  	v3 =	vld [tilespmem:$0x40];
	_ =	sdelay $0x4  }
0x77: {  	v60 =	vshll.u32 v3, $0x3  }
0x78: {  	v3 =	vand.u32 $0x7, v3;
	v4 =	vand.u32 $0xFFFFFFC0, v60  }
0x79: {  	v3 =	vor.u32 v3, v4  }
0x7a: {  	v4 =	vperm.xlane v3, v0;
	_ =	sdelay $0x1  }
0x7b: {  	v4 =	vadd.s32 v1, v4;
	_ =	sdelay $0x4  }
0x7c: {  	[tilespmem:s25], [sflag:$0x1] =	stream.indirect_vreg.gather [hbm4b:s2+s3], $0x80, v4, vm0, $0xb8;
	[tilespmem:$0x10080] =	vst v63  }
0x7d: {  	v3 =	vperm.xlane v3, v2  }
0x7e: {  	[tilespmem:s23], [sflag:$0x1] =	stream.indirect_vreg.gather [hbm4b:s4+s3], $0x80, v4, vm0, $0xb8;
	[tilespmem:$0x10080] =	vst v63  }
0x7f: {  	v3 =	vadd.s32 v1, v3  }
0x80: {  	[tilespmem:s24], [sflag:$0x1] =	stream.indirect_vreg.gather [hbm4b:s5+s3], $0x80, v4, vm0, $0xb8;
	[tilespmem:$0x10080] =	vst v63  }
0x81: {  	_ = 	snop  }
0x82: {  	[tilespmem:s26], [sflag:$0x1] =	stream.indirect_vreg.gather [hbm4b:s6+s3], $0x80, v4, vm0, $0xb8;
	[tilespmem:$0x10080] =	vst v63  }
0x83: {  	_ = 	snop  }
0x84: {  	[tilespmem:s28], [sflag:$0x1] =	stream.indirect_vreg.gather [hbm4b:s2+s3], $0x80, v3, vm0, $0xb8;
	[tilespmem:$0x10080] =	vst v63  }
0x85: {  	_ = 	snop  }
0x86: {  	[tilespmem:s29], [sflag:$0x1] =	stream.indirect_vreg.gather [hbm4b:s4+s3], $0x80, v3, vm0, $0xb8;
	[tilespmem:$0x10080] =	vst v63  }
0x87: {  	_ = 	snop  }
0x88: {  	[tilespmem:s30], [sflag:$0x1] =	stream.indirect_vreg.gather [hbm4b:s5+s3], $0x80, v3, vm0, $0xb8;
	[tilespmem:$0x10080] =	vst v63  }
0x89: {  	_ = 	snop  }
0x8a: {  	[tilespmem:s31], [sflag:$0x1] =	stream.indirect_vreg.gather [hbm4b:s6+s3], $0x80, v3, vm0, $0xb8;
	[tilespmem:$0x10080] =	vst v63  }
0x8b: {  	v3 =	vld [tilespmem:$0x50];
	_ =	sdelay $0x4  }
0x8c: {  	v61 =	vshll.u32 v3, $0x3  }
0x8d: {  	v3 =	vand.u32 $0x7, v3;
	v4 =	vand.u32 $0xFFFFFFC0, v61  }
0x8e: {  	v3 =	vor.u32 v3, v4  }
0x8f: {  	v4 =	vperm.xlane v3, v0;
	_ =	sdelay $0x1  }
0x90: {  	v4 =	vadd.s32 v1, v4;
	_ =	sdelay $0x4  }
0x91: {  	[tilespmem:s0], [sflag:$0x1] =	stream.indirect_vreg.gather [hbm4b:s2+s3], $0x80, v4, vm0, $0xb8;
	[tilespmem:$0x10080] =	vst v63  }
0x92: {  	v3 =	vperm.xlane v3, v2  }
0x93: {  	[tilespmem:s1], [sflag:$0x1] =	stream.indirect_vreg.gather [hbm4b:s4+s3], $0x80, v4, vm0, $0xb8;
	[tilespmem:$0x10080] =	vst v63  }
0x94: {  	v3 =	vadd.s32 v1, v3  }
0x95: {  	[tilespmem:s10], [sflag:$0x1] =	stream.indirect_vreg.gather [hbm4b:s5+s3], $0x80, v4, vm0, $0xb8;
	[tilespmem:$0x10080] =	vst v63  }
0x96: {  	_ = 	snop  }
0x97: {  	[tilespmem:s11], [sflag:$0x1] =	stream.indirect_vreg.gather [hbm4b:s6+s3], $0x80, v4, vm0, $0xb8;
	[tilespmem:$0x10080] =	vst v63  }
0x98: {  	_ = 	snop  }
0x99: {  	[tilespmem:s12], [sflag:$0x1] =	stream.indirect_vreg.gather [hbm4b:s2+s3], $0x80, v3, vm0, $0xb8;
	[tilespmem:$0x10080] =	vst v63  }
0x9a: {  	_ = 	snop  }
0x9b: {  	[tilespmem:s13], [sflag:$0x1] =	stream.indirect_vreg.gather [hbm4b:s4+s3], $0x80, v3, vm0, $0xb8;
	[tilespmem:$0x10080] =	vst v63  }
0x9c: {  	_ = 	snop  }
0x9d: {  	[tilespmem:s14], [sflag:$0x1] =	stream.indirect_vreg.gather [hbm4b:s5+s3], $0x80, v3, vm0, $0xb8;
	[tilespmem:$0x10080] =	vst v63  }
0x9e: {  	_ = 	snop  }
0x9f: {  	[tilespmem:s15], [sflag:$0x1] =	stream.indirect_vreg.gather [hbm4b:s6+s3], $0x80, v3, vm0, $0xb8;
	[tilespmem:$0x10080] =	vst v63  }
0xa0: {  	_ =	swait.ge [sflag:s20], $0x8000  }
0xa1: {  	[sflag:s20] =	ssyncset.done $0x0  }
0xa2: {  	s0 =	rddreg [dreg:$0x5];
	[sflag:s20] =	ssyncadd.s32 $0xFFFF8000  }
0xa3: {  	[hbm4b:s0+s3] =	stream.linear.scatter [tilespmem:s18], [sflag:$0x4], $0x8000, $0x38;
	[tilespmem:$0x10080] =	vst v63  }
0xa4: {  	_ =	swait.ge [sflag:s21], $0x8000  }
0xa5: {  	[sflag:s21] =	ssyncset.done $0x0  }
0xa6: {  	[sflag:s21] =	ssyncadd.s32 $0xFFFF8000  }
0xa7: {  	v3 =	vld [tilespmem:$0x60];
	_ =	sdelay $0x4  }
0xa8: {  	v62 =	vshll.u32 v3, $0x3  }
0xa9: {  	v3 =	vand.u32 $0x7, v3;
	v4 =	vand.u32 $0xFFFFFFC0, v62  }
0xaa: {  	v3 =	vor.u32 v3, v4  }
0xab: {  	v4 =	vperm.xlane v3, v0;
	_ =	sdelay $0x1  }
0xac: {  	v4 =	vadd.s32 v1, v4;
	_ =	sdelay $0x4  }
0xad: {  	[tilespmem:s18], [sflag:$0x2] =	stream.indirect_vreg.gather [hbm4b:s2+s3], $0x80, v4, vm0, $0xb8;
	[tilespmem:$0x10080] =	vst v63  }
0xae: {  	v3 =	vperm.xlane v3, v2  }
0xaf: {  	[tilespmem:s16], [sflag:$0x2] =	stream.indirect_vreg.gather [hbm4b:s4+s3], $0x80, v4, vm0, $0xb8;
	[tilespmem:$0x10080] =	vst v63  }
0xb0: {  	v3 =	vadd.s32 v1, v3  }
0xb1: {  	[tilespmem:s17], [sflag:$0x2] =	stream.indirect_vreg.gather [hbm4b:s5+s3], $0x80, v4, vm0, $0xb8;
	[tilespmem:$0x10080] =	vst v63  }
0xb2: {  	s22 =	simm.s32 $0x9880  }
0xb3: {  	[tilespmem:s22], [sflag:$0x2] =	stream.indirect_vreg.gather [hbm4b:s6+s3], $0x80, v4, vm0, $0xb8;
	[tilespmem:$0x10080] =	vst v63  }
0xb4: {  	_ = 	snop  }
0xb5: {  	[tilespmem:s9], [sflag:$0x2] =	stream.indirect_vreg.gather [hbm4b:s2+s3], $0x80, v3, vm0, $0xb8;
	[tilespmem:$0x10080] =	vst v63  }
0xb6: {  	s22 =	simm.s32 $0xA880  }
0xb7: {  	[tilespmem:s22], [sflag:$0x2] =	stream.indirect_vreg.gather [hbm4b:s4+s3], $0x80, v3, vm0, $0xb8;
	[tilespmem:$0x10080] =	vst v63  }
0xb8: {  	s9 =	simm.s32 $0xB080  }
0xb9: {  	[tilespmem:s9], [sflag:$0x2] =	stream.indirect_vreg.gather [hbm4b:s5+s3], $0x80, v3, vm0, $0xb8;
	[tilespmem:$0x10080] =	vst v63  }
0xba: {  	s22 =	simm.s32 $0xB880  }
0xbb: {  	[tilespmem:s22], [sflag:$0x2] =	stream.indirect_vreg.gather [hbm4b:s6+s3], $0x80, v3, vm0, $0xb8;
	[tilespmem:$0x10080] =	vst v63  }
0xbc: {  	v3 =	vld [tilespmem:$0x70];
	_ =	sdelay $0x4  }
0xbd: {  	v63 =	vshll.u32 v3, $0x3  }
0xbe: {  	v3 =	vand.u32 $0x7, v3;
	v4 =	vand.u32 $0xFFFFFFC0, v63  }
0xbf: {  	v3 =	vor.u32 v3, v4  }
0xc0: {  	v4 =	vperm.xlane v3, v0;
	_ =	sdelay $0x1  }
0xc1: {  	v4 =	vadd.s32 v1, v4;
	_ =	sdelay $0x3  }
0xc2: {  	s9 =	simm.s32 $0xC080  }
0xc3: {  	[tilespmem:s9], [sflag:$0x2] =	stream.indirect_vreg.gather [hbm4b:s2+s3], $0x80, v4, vm0, $0xb8;
	[tilespmem:$0x10080] =	vst v63  }
0xc4: {  	s22 =	simm.s32 $0xC880;
	v3 =	vperm.xlane v3, v2  }
0xc5: {  	[tilespmem:s22], [sflag:$0x2] =	stream.indirect_vreg.gather [hbm4b:s4+s3], $0x80, v4, vm0, $0xb8;
	[tilespmem:$0x10080] =	vst v63  }
0xc6: {  	v3 =	vadd.s32 v1, v3;
	s9 =	simm.s32 $0xD080  }
0xc7: {  	[tilespmem:s9], [sflag:$0x2] =	stream.indirect_vreg.gather [hbm4b:s5+s3], $0x80, v4, vm0, $0xb8;
	[tilespmem:$0x10080] =	vst v63  }
0xc8: {  	s22 =	simm.s32 $0xD880  }
0xc9: {  	[tilespmem:s22], [sflag:$0x2] =	stream.indirect_vreg.gather [hbm4b:s6+s3], $0x80, v4, vm0, $0xb8;
	[tilespmem:$0x10080] =	vst v63  }
0xca: {  	s9 =	simm.s32 $0xE080  }
0xcb: {  	[tilespmem:s9], [sflag:$0x2] =	stream.indirect_vreg.gather [hbm4b:s2+s3], $0x80, v3, vm0, $0xb8;
	[tilespmem:$0x10080] =	vst v63  }
0xcc: {  	s22 =	simm.s32 $0xE880  }
0xcd: {  	[tilespmem:s22], [sflag:$0x2] =	stream.indirect_vreg.gather [hbm4b:s4+s3], $0x80, v3, vm0, $0xb8;
	[tilespmem:$0x10080] =	vst v63  }
0xce: {  	s9 =	simm.s32 $0xF080  }
0xcf: {  	[tilespmem:s9], [sflag:$0x2] =	stream.indirect_vreg.gather [hbm4b:s5+s3], $0x80, v3, vm0, $0xb8;
	[tilespmem:$0x10080] =	vst v63  }
0xd0: {  	s22 =	simm.s32 $0xF880  }
0xd1: {  	[tilespmem:s22], [sflag:$0x2] =	stream.indirect_vreg.gather [hbm4b:s6+s3], $0x80, v3, vm0, $0xb8;
	[tilespmem:$0x10080] =	vst v63  }
0xd2: {  	_ =	swait.ge [sflag:s8], $0x8000  }
0xd3: {  	[sflag:s8] =	ssyncset.done $0x0  }
0xd4: {  	s0 =	rddreg [dreg:$0x6];
	[sflag:s8] =	ssyncadd.s32 $0xFFFF8000  }
0xd5: {  	[hbm4b:s0+s3] =	stream.linear.scatter [tilespmem:s25], [sflag:$0x3], $0x8000, $0x38;
	[tilespmem:$0x10080] =	vst v63  }
0xd6: {  	_ =	swait.ge [sflag:s20], $0x8000  }
0xd7: {  	[sflag:s20] =	ssyncset.done $0x0  }
0xd8: {  	s9 =	rddreg [dreg:$0x7];
	[sflag:s20] =	ssyncadd.s32 $0xFFFF8000  }
0xd9: {  	[hbm4b:s9+s3] =	stream.linear.scatter [tilespmem:s18], [sflag:$0x4], $0x8000, $0x38;
	[tilespmem:$0x10080] =	vst v63  }
0xda: {  	p0 =	sne.s32 s7, $0x1;
	_ =	swait.ge [sflag:s19], $0x8000  }
.Ltmp0:
0xdb: {  	[sflag:s19] =	ssyncset.done $0x0;
	(pc) =	sbr.rel @p0 .LBB2_1-.Ltmp0, $4  }
0xdc: {  	[sflag:s19] =	ssyncadd.s32 $0xFFFF8000  }
0xdd: {  	_ =	swait.ge [sflag:s21], $0x8000  }
0xde: {  	[sflag:s21] =	ssyncset.done $0x0  }
0xdf: {  	s7 =	sadd.s32 $0xFFFFFFFF, s7;
	[sflag:s21] =	ssyncadd.s32 $0xFFFF8000  }
0xe0: {  	_ =	sfence.sel $0x180000  }
0xe1: {  	[bflag:$0x0] =	sbarrier.arrive $0xFFFF  }
0xe2: {  	_ =	strace $0x9000004D  }
0xe3: {  	s0 =	stileid.u32;
	[bflag:$0x2] =	sbarrier.arrive $0xFFFF  }
0xe4: {  	p0 =	sne.s32 s0, $0x0;
	s0 =	rddreg [dreg:$0x2]  }
0xe5: {  	s0 =	sadd.s32 @!p0 $0x100000, s0  }
0xe6: {  	[sflag:s0] =	ssyncadd.tile.s32 @!p0 $0x1;
	_ =	shalt  }
.Lfunc_end2:
_tile_overlayer_lowered:
.L_overlay_start_2:
0xe7: {  	(tag) =	ssettag $0x2  }
0xe8: {  	s0 =	rddreg [dreg:$0x0];
	s2 =	stileid.u32  }
0xe9: {  	s1 =	rddreg [dreg:$0x1];
	p0 =	sne.s32 s2, $0x0  }
0xea: {  	s3 =	rddreg [dreg:$0x2];
	[bflag:$0x3] =	sbarrier.arrive $0xFFFF;
	s2 =	simm.s32 @!p0 $0x1C05  }
0xeb: {  	[timem:s3], [sflag:s2] =	dma.local @!p0 [hbm:s0], s1  }
0xec: {  	s0 =	simm.s32 @!p0 $0x5  }
0xed: {  	_ =	swait.ge @!p0 [sflag:s0], s1  }
0xee: {  	s1 =	ssub.s32 @!p0 $0x0, s1;
	[sflag:s0] =	ssyncset.done @!p0 $0x0  }
0xef: {  	[sflag:s0] =	ssyncadd.s32 @!p0 s1  }
0xf0: {  	[bflag:$0x3] =	sbarrier.arrive $0xFFFF  }
0xf1: {  	_ =	shalt  }

// kernel: kernel.19.cloned.1.call-start
scs
__scs_entry_jumppad:
0x0: {  	(pc) =	sbr.rel $0x88, $3  }
0x1: {  	(tag) =	ssettag $0x0;
	lr =	simm.s32 $0x1  }
0x2: {  	[smem:$0x3F9B] =	sst lr;
	_ =	strace $0xD0000000  }
0x3: {  	_ = 	snop  }
0x4: {  	_ = 	snop  }
0x5: {  	_ = 	snop  }
0x6: {  	_ = 	snop  }
0x7: {  	_ = 	snop  }
__scs_overlays_trampoline_lowered:
0x8: {  	[smem:$0x3FAA] =	sst s0  }
0x9: {  	[smem:$0x3FAB] =	sst s1  }
0xa: {  	[smem:$0x3FAC] =	sst s2  }
0xb: {  	[smem:$0x3FAD] =	sst s3  }
0xc: {  	[smem:$0x3FAE] =	sst s4  }
0xd: {  	[smem:$0x3FAF] =	sst s5  }
0xe: {  	[smem:$0x3FB0] =	sst s6  }
0xf: {  	[smem:$0x3FB1] =	sst s7  }
0x10: {  	[smem:$0x3FB2] =	sst s8  }
0x11: {  	[smem:$0x3FB3] =	sst s9;
	s0 =	simm.s32 @!p0 $0x0  }
0x12: {  	s1 =	sld [smem:$0x3F99];
	s0 =	simm.s32 @p0 $0x1  }
0x13: {  	[smem:$0x3FB4] =	sst s0;
	s0 =	simm.s32 @!p1 $0x0  }
0x14: {  	s2 =	sld [smem:$0x3F98];
	s0 =	simm.s32 @p1 $0x1  }
0x15: {  	[smem:$0x3FB5] =	sst s0;
	s0 =	simm.s32 @!p2 $0x0  }
0x16: {  	s3 =	sld [smem:$0x3FDB];
	s0 =	simm.s32 @p2 $0x1  }
0x17: {  	s4 =	simm.s32 $0x1BF5;
	[smem:$0x3FB7] =	sst s0  }
0x18: {  	s0 =	sld [smem:$0x3F9A];
	_ =	swait.ge [sflag:s4], $0x0  }
0x19: {  	s7 =	sld [smem:$0x3F9B]  }
0x1a: {  	s8 =	sadd.s32 $0xFFFFE003, lr  }
0x1b: {  	s9 =	sadd.s32 $0xFFFFFEF7, lr;
	s5 =	simm.s32 $0xFFFFFFFF;
	p2 =	slt.u32 s8, $0xFFFFF086  }
0x1c: {  	p1 =	slt.u32 s9, $0xF7A;
	s5 =	simm.s32 @!p2 $0x0  }
0x1d: {  	s5 =	simm.s32 @p1 $0x1;
	p0 =	seq.s32 s7, s2  }
0x1e: {  	s7 =	smul.u32 @!p0 $0xF7A, s2;
	p2 =	seq.s32 @!p0 s5, $0x0  }
0x1f: {  	s9 =	smul.u32 $0xF7A, s1;
	s8 =	simm.s32 @!p0 $0x1BF5;
	p2 =	por !p2, p0  }
0x20: {  	[sflag:s8] =	ssyncset.s32 @!p0 $0xFFFFF086;
	s6 =	sadd.s32 @!p0 s3, s7;
	s7 =	simm.s32 @!p0 $0x108  }
0x21: {  	s3 =	sadd.s32 s3, s9;
	s6 =	sadd.s32 @!p0 $0x88, s6;
	s7 =	simm.s32 @p2 $0x1082  }
0x22: {  	[simem:s7], [sflag:s8] =	dma.local @!p0 [hbm:s6], $0xF7A  }
0x23: {  	s9 =	sor.u32 $0xD0000000, s2;
	s6 =	simm.s32 $0x108;
	_ =	swait.ge @!p0 [sflag:s8], $0x0  }
0x24: {  	s3 =	sadd.s32 $0x88, s3;
	s6 =	simm.s32 @!p1 $0x1082;
	[sflag:s4] =	ssyncset.s32 $0xFFFFF086  }
0x25: {  	[simem:s6], [sflag:s4] =	dma.local [hbm:s3], $0xF7A  }
0x26: {  	[smem:$0x3F9B] =	sst s1;
	(tag) =	ssettag s2;
	_ =	strace s9  }
0x27: {  	s1 =	sld [smem:$0x3FAB]  }
0x28: {  	s2 =	sld [smem:$0x3FAC]  }
0x29: {  	s4 =	sld [smem:$0x3FAE]  }
0x2a: {  	p0 =	seq.s32 s5, $0x0;
	s5 =	sld [smem:$0x3FAF]  }
0x2b: {  	s6 =	sld [smem:$0x3FB0]  }
0x2c: {  	s7 =	sld [smem:$0x3FB1]  }
0x2d: {  	s3 =	simm.s32 $0x108;
	s8 =	sld [smem:$0x3FB2]  }
0x2e: {  	s3 =	simm.s32 @!p0 $0x1082;
	s9 =	sld [smem:$0x3FB3]  }
0x2f: {  	lr =	sadd.s32 s0, s3;
	s0 =	sld [smem:$0x3FAA]  }
0x30: {  	s3 =	sld [smem:$0x3FAD]  }
0x31: {  	[smem:$0x3FB6] =	sst s10  }
0x32: {  	s10 =	sld [smem:$0x3FB4];
	_ =	sdelay $0x3  }
0x33: {  	p0 =	seq.s32 s10, $0x1;
	s10 =	sld [smem:$0x3FB6];
	_ =	sdelay $0x3  }
0x34: {  	[smem:$0x3FB6] =	sst s10  }
0x35: {  	s10 =	sld [smem:$0x3FB5];
	_ =	sdelay $0x3  }
0x36: {  	p1 =	seq.s32 s10, $0x1;
	s10 =	sld [smem:$0x3FB6];
	_ =	sdelay $0x3  }
0x37: {  	[smem:$0x3FB6] =	sst s10  }
0x38: {  	s10 =	sld [smem:$0x3FB7]  }
0x39: {  	_ = 	snop;
	(pc) =	sbr.ind lr, $3  }
0x3a: {  	_ = 	snop  }
0x3b: {  	_ = 	snop  }
0x3c: {  	p2 =	seq.s32 s10, $0x1;
	s10 =	sld [smem:$0x3FB6]  }
0x3d: {  	_ =	shalt  }
0x3e: {  	_ =	shalt  }
0x3f: {  	_ =	shalt  }
0x40: {  	_ =	shalt  }
0x41: {  	_ =	shalt  }
0x42: {  	_ =	shalt  }
0x43: {  	_ =	shalt  }
0x44: {  	_ =	shalt  }
0x45: {  	_ =	shalt  }
0x46: {  	_ =	shalt  }
0x47: {  	_ =	shalt  }
0x48: {  	_ =	shalt  }
0x49: {  	_ =	shalt  }
0x4a: {  	_ =	shalt  }
0x4b: {  	_ =	shalt  }
0x4c: {  	_ =	shalt  }
0x4d: {  	_ =	shalt  }
0x4e: {  	_ =	shalt  }
0x4f: {  	_ =	shalt  }
0x50: {  	_ =	shalt  }
0x51: {  	_ =	shalt  }
0x52: {  	_ =	shalt  }
0x53: {  	_ =	shalt  }
0x54: {  	_ =	shalt  }
0x55: {  	_ =	shalt  }
0x56: {  	_ =	shalt  }
0x57: {  	_ =	shalt  }
0x58: {  	_ =	shalt  }
0x59: {  	_ =	shalt  }
0x5a: {  	_ =	shalt  }
0x5b: {  	_ =	shalt  }
0x5c: {  	_ =	shalt  }
0x5d: {  	_ =	shalt  }
0x5e: {  	_ =	shalt  }
0x5f: {  	_ =	shalt  }
0x60: {  	_ =	shalt  }
0x61: {  	_ =	shalt  }
0x62: {  	_ =	shalt  }
0x63: {  	_ =	shalt  }
0x64: {  	_ =	shalt  }
0x65: {  	_ =	shalt  }
0x66: {  	_ =	shalt  }
0x67: {  	_ =	shalt  }
0x68: {  	_ =	shalt  }
0x69: {  	_ =	shalt  }
0x6a: {  	_ =	shalt  }
0x6b: {  	_ =	shalt  }
0x6c: {  	_ =	shalt  }
0x6d: {  	_ =	shalt  }
0x6e: {  	_ =	shalt  }
0x6f: {  	_ =	shalt  }
0x70: {  	_ =	shalt  }
0x71: {  	_ =	shalt  }
0x72: {  	_ =	shalt  }
0x73: {  	_ =	shalt  }
0x74: {  	_ =	shalt  }
0x75: {  	_ =	shalt  }
0x76: {  	_ =	shalt  }
0x77: {  	_ =	shalt  }
0x78: {  	_ =	shalt  }
0x79: {  	_ =	shalt  }
0x7a: {  	_ =	shalt  }
0x7b: {  	_ =	shalt  }
0x7c: {  	_ =	shalt  }
0x7d: {  	_ =	shalt  }
0x7e: {  	_ =	shalt  }
0x7f: {  	_ =	shalt  }
0x80: {  	_ =	shalt  }
0x81: {  	_ =	shalt  }
0x82: {  	_ =	shalt  }
0x83: {  	_ =	shalt  }
0x84: {  	_ =	shalt  }
0x85: {  	_ =	shalt  }
0x86: {  	_ =	shalt  }
0x87: {  	_ =	shalt  }
.Lfunc_end0:
.L_simem_size_0:
called_computation.3_lowered:
.L_overlay_start_0:
0x88: {  	s2 =	sld [smem:$0x3FD9]  }
0x89: {  	s3 =	sld [smem:$0x3FFE];
	_ =	sdelay $0x1  }
0x8a: {  	s1 =	srdreg.scid  }
0x8b: {  	s0 =	sand.u32 $0x1, s1  }
0x8c: {  	s17 =	sshll.u32 s0, $0xA;
	s2 =	sadd.s32 s3, s2  }
0x8d: {  	s2 =	sadd.s32 s2, s17  }
0x8e: {  	[smem:$0x3FC2] =	sst s2  }
0x8f: {  	_ = 	snop  }
0x90: {  	s18 =	sld [smem:$0x3FC7];
	(tm) =	ssettm $0x1  }
0x91: {  	s19 =	sld [smem:$0x3FFB];
	_ =	sdelay $0x3  }
0x92: {  	_ =	strace s19  }
0x93: {  	s2 =	sld [smem:$0x3FFC];
	_ =	sdelay $0x3  }
0x94: {  	_ =	strace s2  }
0x95: {  	s2 =	sld [smem:$0x3FFD];
	_ =	sdelay $0x3  }
0x96: {  	_ =	strace s2  }
0x97: {  	_ =	strace $0x8FFFFFFF  }
0x98: {  	s20 =	sld [smem:$0x3FDB];
	_ =	sdelay $0x1  }
0x99: {  	s4 =	simm.s32 $_scs_section_size  }
0x9a: {  	s5 =	simm.s32 $_size__tile_overlayer_lowered;
	s6 =	simm.s32 $_tile_overlayer_lowered  }
0x9b: {  	s7 =	simm.s32 $0x1BFF;
	s21 =	sshll.u32 s6, $0x1;
	s4 =	sadd.s32 s4, s20  }
0x9c: {  	s22 =	simm.s32 $0x0;
	s5 =	sshll.u32 s5, $0x1;
	s6 =	sadd.s32 s21, s4  }
0x9d: {  	[timem:s22], [sflag:s7] =	dma.local [hbm:s6], s5  }
0x9e: {  	_ =	swait.ge [sflag:s7], s5  }
0x9f: {  	s5 =	ssub.s32 $0x0, s5;
	[sflag:s7] =	ssyncset.done $0x0  }
0xa0: {  	[sflag:s7] =	ssyncadd.s32 s5;
	_ =	sdelay $0x1  }
0xa1: {  	s23 =	simm.s32 $0x1B8B  }
0xa2: {  	_ =	swait.ge [sflag:s23], $0x1  }
0xa3: {  	[sflag:s23] =	ssyncset.done $0x0  }
0xa4: {  	[sflag:s23] =	ssyncadd.s32 $0xFFFFFFFF  }
0xa5: {  	s5 =	sld [smem:$0x0]  }
0xa6: {  	s6 =	sand.u32 $0xFFFFFFFE, s1  }
0xa7: {  	p0 =	sne.s32 s1, s6  }
0xa8: {  	s6 =	sshll.u32 @p0 s6, $0xE  }
0xa9: {  	s6 =	sadd.s32 @p0 $0x11B8D, s6;
	s7 =	sshll.u32 @p0 s5, $0x11  }
0xaa: {  	s6 =	sor.u32 @p0 s7, s6  }
0xab: {  	[sflag:s6] =	ssyncadd.remote.s32 @p0 $0x1;
	_ =	sdelay $0x1  }
0xac: {  	s6 =	simm.s32 @p0 $0x1B8D  }
0xad: {  	_ =	swait.eq @p0 [sflag:s6], $0x1  }
0xae: {  	[sflag:s6] =	ssyncadd.s32 @p0 $0xFFFFFFFF  }
0xaf: {  	s7 =	sshll.u32 @!p0 s1, $0xE  }
0xb0: {  	s7 =	sor.u32 @!p0 $0x4000, s7;
	s6 =	simm.s32 @!p0 $0x1B8D  }
0xb1: {  	s5 =	sshll.u32 @!p0 s5, $0x11;
	s7 =	sadd.s32 @!p0 $0x11B8D, s7;
	_ =	swait.eq @!p0 [sflag:s6], $0x1  }
0xb2: {  	s5 =	sor.u32 @!p0 s5, s7;
	[sflag:s6] =	ssyncadd.s32 @!p0 $0xFFFFFFFF  }
0xb3: {  	s25 =	simm.s32 $0x1B8E;
	s24 =	sld [smem:$0x3FFE];
	[sflag:s5] =	ssyncadd.remote.s32 @!p0 $0x1  }
0xb4: {  	s26 =	simm.s32 $execute0_lowered;
	[smem:$0x3FD2] =	sst s25  }
0xb5: {  	s6 =	sshll.u32 s26, $0x1;
	_ =	strace $0x8000004F;
	[dreg:$0x1] =	wrdreg $0xFFFFFFFF  }
0xb6: {  	s28 =	simm.s32 $_size_execute0_lowered;
	s4 =	sadd.s32 s4, s6;
	[dreg:$0x0] =	wrdreg $0x0  }
0xb7: {  	s6 =	sshll.u32 s28, $0x1;
	[dreg:$0x2] =	wrdreg s4  }
0xb8: {  	[dreg:$0x3] =	wrdreg s6  }
0xb9: {  	[dreg:$0x4] =	wrdreg $0xC0  }
0xba: {  	_ =	task [dreg:s22], $0x5FFFF  }
0xbb: {  	[dreg:$0x1] =	wrdreg $0xFFFFFFFF  }
0xbc: {  	[dreg:$0x0] =	wrdreg $0x60  }
0xbd: {  	[dreg:$0x2] =	wrdreg s18  }
0xbe: {  	[dreg:$0x3] =	wrdreg s24  }
0xbf: {  	[dreg:$0x4] =	wrdreg $0xC  }
0xc0: {  	_ =	task.clear_ibuf [dreg:s22], $0x5FFFF;
	_ =	strace $0x9000004F  }
0xc1: {  	s29 =	simm.s32 $0xC;
	_ =	strace $0x80000051  }
0xc2: {  	_ =	swait.ge [sflag:s29], $0x1  }
0xc3: {  	[sflag:s29] =	ssyncadd.s32 $0xFFFFFFFF  }
0xc4: {  	_ =	strace $0x90000051  }
0xc5: {  	_ =	sfence  }
0xc6: {  	s30 =	sld [smem:$0x0];
	_ =	sdelay $0x2  }
0xc7: {  	s31 =	sshll.u32 s1, $0xD;
	s1 =	sshrl.u32 s1, $0x2  }
0xc8: {  	s4 =	sand.u32 $0x4000, s31;
	s1 =	sadd.s32 s1, s30  }
0xc9: {  	s0 =	sor.u32 s4, s0;
	s1 =	sshll.u32 s1, $0x11  }
0xca: {  	s0 =	sor.u32 s1, s0  }
0xcb: {  	s0 =	sadd.s32 $0x8F2B, s0  }
0xcc: {  	[sflag:s0] =	ssyncadd.remote.s32 $0x1  }
0xcd: {  	_ =	sfence.sel $0xFFFF  }
0xce: {  	[dreg:$0x0] =	wrdreg $0xFFFFFFFF;
	(pc) =	sbr.abs _section_cstart, $3  }
0xcf: {  	[dreg:$0x1] =	wrdreg $0xFFFFFFFF  }
0xd0: {  	_ =	task.clear_ibuf [dreg:s22], $0x2FFFF;
	_ =	strace $0x9FFFFFFF  }
0xd1: {  	(tm) =	ssettm $0x7FFFFFFF  }
tec
execute0_lowered:
.L_overlay_start_1:
0x0: {  	(tag) =	ssettag $0x1  }
0x1: {  	s2 =	rddreg [dreg:$0x0]  }
0x2: {  	s0 =	rddreg [dreg:$0x1];
	s1 =	srdreg.scid  }
0x3: {  	s4 =	stileid.u32;
	s3 =	simm.s32 $0x0;
	s8 =	simm.s32 $0x1  }
0x4: {  	s19 =	simm.s32 $0x3;
	s20 =	simm.s32 $0x2;
	s21 =	simm.s32 $0x4  }
0x5: {  	s23 =	simm.s32 $0x880;
	s24 =	simm.s32 $0x1080;
	s28 =	simm.s32 $0x2080  }
0x6: {  	s29 =	simm.s32 $0x2880;
	s30 =	simm.s32 $0x3080;
	s31 =	simm.s32 $0x3880  }
0x7: {  	s10 =	simm.s32 $0x5080;
	s11 =	simm.s32 $0x5880;
	s12 =	simm.s32 $0x6080  }
0x8: {  	s13 =	simm.s32 $0x6880;
	s14 =	simm.s32 $0x7080;
	s1 =	sand.u32 $0x1, s1  }
0x9: {  	s15 =	simm.s32 $0x7880;
	s4 =	sshll.u32 s4, $0x8;
	s5 =	sshll.u32 s1, $0x7  }
0xa: {  	s18 =	simm.s32 $0x8080;
	s16 =	simm.s32 $0x8880;
	s4 =	sor.u32 s5, s4  }
0xb: {  	s17 =	simm.s32 $0x9080;
	[smem:$0x7FF] =	sst s3;
	s5 =	sshrl.u32 s4, $0x3  }
0xc: {  	_ =	strace $0x80000050;
	s4 =	sshll.u32 s4, $0x7;
	s5 =	sadd.s32 s5, s0  }
0xd: {  	s1 =	ssub.s32 $0x2, s1;
	s0 =	sadd.s32 s4, s0;
	s5 =	sadd.s32 $0x2A00, s5  }
0xe: {  	s25 =	sshrl.u32 s1, $0x1;
	s26 =	sadd.s32 $0x102C00, s0;
	[dreg:$0x3] =	wrdreg s5  }
0xf: {  	s1 =	ssub.s32 s1, s25;
	s6 =	sadd.s32 $0x103C00, s0;
	[dreg:$0x4] =	wrdreg s26  }
0x10: {  	s25 =	simm.s32 $0x80;
	s7 =	sadd.s32 $0x104C00, s0;
	[dreg:$0x5] =	wrdreg s6  }
0x11: {  	v2 =	vlaneseq.u32;
	s4 =	sadd.s32 $0x100, s2;
	s0 =	sadd.s32 $0x105C00, s0;
	[dreg:$0x6] =	wrdreg s7  }
0x12: {  	vm0 =	vmmov $0xffff;
	v1 =	vshrl.u32 v2, $0x3;
	s5 =	sadd.s32 $0x200, s2;
	s6 =	sadd.s32 $0x300, s2;
	[dreg:$0x7] =	wrdreg s0  }
0x13: {  	v0 =	vand.u32 $0x7, v2;
	v2 =	vor.u32 $0x8, v2;
	v1 =	vmul.u32 $0x8, v1;
	s7 =	smax.u32 s1, $0x1;
	s26 =	simm.s32 $0x1880;
	s1 =	simm.s32 $0x4880  }
.LBB2_1:
0x14: {  	s22 =	rddreg [dreg:$0x3];
	s0 =	simm.s32 $0x5  }
0x15: {  	[tilespmem:s3], [sflag:$0x5] =	stream.linear.gather [hbm4b:s22+s3], $0x80, $0x38;
	[tilespmem:$0x10080] =	vst v63  }
0x16: {  	_ =	swait.ge [sflag:s0], $0x80  }
0x17: {  	[sflag:s0] =	ssyncset.done $0x0  }
0x18: {  	[sflag:s0] =	ssyncadd.s32 $0xFFFFFF80  }
0x19: {  	v3 =	vld [tilespmem:$0x0];
	_ =	sdelay $0x4  }
0x1a: {  	v4 =	vshll.u32 v3, $0x3  }
0x1b: {  	v3 =	vand.u32 $0x7, v3;
	v4 =	vand.u32 $0xFFFFFFC0, v4  }
0x1c: {  	v3 =	vor.u32 v3, v4  }
0x1d: {  	v4 =	vperm.xlane v3, v0;
	_ =	sdelay $0x1  }
0x1e: {  	v4 =	vadd.s32 v1, v4;
	_ =	sdelay $0x4  }
0x1f: {  	[tilespmem:s25], [sflag:$0x1] =	stream.indirect_vreg.gather [hbm4b:s2+s3], $0x80, v4, vm0, $0xb8;
	[tilespmem:$0x10080] =	vst v63  }
0x20: {  	v3 =	vperm.xlane v3, v2  }
0x21: {  	[tilespmem:s23], [sflag:$0x1] =	stream.indirect_vreg.gather [hbm4b:s4+s3], $0x80, v4, vm0, $0xb8;
	[tilespmem:$0x10080] =	vst v63  }
0x22: {  	v3 =	vadd.s32 v1, v3  }
0x23: {  	[tilespmem:s24], [sflag:$0x1] =	stream.indirect_vreg.gather [hbm4b:s5+s3], $0x80, v4, vm0, $0xb8;
	[tilespmem:$0x10080] =	vst v63  }
0x24: {  	_ = 	snop  }
0x25: {  	[tilespmem:s26], [sflag:$0x1] =	stream.indirect_vreg.gather [hbm4b:s6+s3], $0x80, v4, vm0, $0xb8;
	[tilespmem:$0x10080] =	vst v63  }
0x26: {  	_ = 	snop  }
0x27: {  	[tilespmem:s28], [sflag:$0x1] =	stream.indirect_vreg.gather [hbm4b:s2+s3], $0x80, v3, vm0, $0xb8;
	[tilespmem:$0x10080] =	vst v63  }
0x28: {  	_ = 	snop  }
0x29: {  	[tilespmem:s29], [sflag:$0x1] =	stream.indirect_vreg.gather [hbm4b:s4+s3], $0x80, v3, vm0, $0xb8;
	[tilespmem:$0x10080] =	vst v63  }
0x2a: {  	_ = 	snop  }
0x2b: {  	[tilespmem:s30], [sflag:$0x1] =	stream.indirect_vreg.gather [hbm4b:s5+s3], $0x80, v3, vm0, $0xb8;
	[tilespmem:$0x10080] =	vst v63  }
0x2c: {  	_ = 	snop  }
0x2d: {  	[tilespmem:s31], [sflag:$0x1] =	stream.indirect_vreg.gather [hbm4b:s6+s3], $0x80, v3, vm0, $0xb8;
	[tilespmem:$0x10080] =	vst v63  }
0x2e: {  	v3 =	vld [tilespmem:$0x10];
	_ =	sdelay $0x4  }
0x2f: {  	v57 =	vshll.u32 v3, $0x3  }
0x30: {  	v3 =	vand.u32 $0x7, v3;
	v4 =	vand.u32 $0xFFFFFFC0, v57  }
0x31: {  	v3 =	vor.u32 v3, v4  }
0x32: {  	v4 =	vperm.xlane v3, v0;
	_ =	sdelay $0x1  }
0x33: {  	v4 =	vadd.s32 v1, v4;
	_ =	sdelay $0x3  }
0x34: {  	s0 =	simm.s32 $0x4080  }
0x35: {  	[tilespmem:s0], [sflag:$0x1] =	stream.indirect_vreg.gather [hbm4b:s2+s3], $0x80, v4, vm0, $0xb8;
	[tilespmem:$0x10080] =	vst v63  }
0x36: {  	v3 =	vperm.xlane v3, v2  }
0x37: {  	[tilespmem:s1], [sflag:$0x1] =	stream.indirect_vreg.gather [hbm4b:s4+s3], $0x80, v4, vm0, $0xb8;
	[tilespmem:$0x10080] =	vst v63  }
0x38: {  	v3 =	vadd.s32 v1, v3  }
0x39: {  	[tilespmem:s10], [sflag:$0x1] =	stream.indirect_vreg.gather [hbm4b:s5+s3], $0x80, v4, vm0, $0xb8;
	[tilespmem:$0x10080] =	vst v63  }
0x3a: {  	_ = 	snop  }
0x3b: {  	[tilespmem:s11], [sflag:$0x1] =	stream.indirect_vreg.gather [hbm4b:s6+s3], $0x80, v4, vm0, $0xb8;
	[tilespmem:$0x10080] =	vst v63  }
0x3c: {  	_ = 	snop  }
0x3d: {  	[tilespmem:s12], [sflag:$0x1] =	stream.indirect_vreg.gather [hbm4b:s2+s3], $0x80, v3, vm0, $0xb8;
	[tilespmem:$0x10080] =	vst v63  }
0x3e: {  	_ = 	snop  }
0x3f: {  	[tilespmem:s13], [sflag:$0x1] =	stream.indirect_vreg.gather [hbm4b:s4+s3], $0x80, v3, vm0, $0xb8;
	[tilespmem:$0x10080] =	vst v63  }
0x40: {  	_ = 	snop  }
0x41: {  	[tilespmem:s14], [sflag:$0x1] =	stream.indirect_vreg.gather [hbm4b:s5+s3], $0x80, v3, vm0, $0xb8;
	[tilespmem:$0x10080] =	vst v63  }
0x42: {  	_ = 	snop  }
0x43: {  	[tilespmem:s15], [sflag:$0x1] =	stream.indirect_vreg.gather [hbm4b:s6+s3], $0x80, v3, vm0, $0xb8;
	[tilespmem:$0x10080] =	vst v63  }
0x44: {  	v3 =	vld [tilespmem:$0x20];
	_ =	sdelay $0x4  }
0x45: {  	v58 =	vshll.u32 v3, $0x3  }
0x46: {  	v3 =	vand.u32 $0x7, v3;
	v4 =	vand.u32 $0xFFFFFFC0, v58  }
0x47: {  	v3 =	vor.u32 v3, v4  }
0x48: {  	v4 =	vperm.xlane v3, v0;
	_ =	sdelay $0x1  }
0x49: {  	v4 =	vadd.s32 v1, v4;
	_ =	sdelay $0x4  }
0x4a: {  	[tilespmem:s18], [sflag:$0x2] =	stream.indirect_vreg.gather [hbm4b:s2+s3], $0x80, v4, vm0, $0xb8;
	[tilespmem:$0x10080] =	vst v63  }
0x4b: {  	v3 =	vperm.xlane v3, v2  }
0x4c: {  	[tilespmem:s16], [sflag:$0x2] =	stream.indirect_vreg.gather [hbm4b:s4+s3], $0x80, v4, vm0, $0xb8;
	[tilespmem:$0x10080] =	vst v63  }
0x4d: {  	v3 =	vadd.s32 v1, v3  }
0x4e: {  	[tilespmem:s17], [sflag:$0x2] =	stream.indirect_vreg.gather [hbm4b:s5+s3], $0x80, v4, vm0, $0xb8;
	[tilespmem:$0x10080] =	vst v63  }
0x4f: {  	s9 =	simm.s32 $0x9880  }
0x50: {  	[tilespmem:s9], [sflag:$0x2] =	stream.indirect_vreg.gather [hbm4b:s6+s3], $0x80, v4, vm0, $0xb8;
	[tilespmem:$0x10080] =	vst v63  }
0x51: {  	s9 =	simm.s32 $0xA080  }
0x52: {  	[tilespmem:s9], [sflag:$0x2] =	stream.indirect_vreg.gather [hbm4b:s2+s3], $0x80, v3, vm0, $0xb8;
	[tilespmem:$0x10080] =	vst v63  }
0x53: {  	s22 =	simm.s32 $0xA880  }
0x54: {  	[tilespmem:s22], [sflag:$0x2] =	stream.indirect_vreg.gather [hbm4b:s4+s3], $0x80, v3, vm0, $0xb8;
	[tilespmem:$0x10080] =	vst v63  }
0x55: {  	s22 =	simm.s32 $0xB080  }
0x56: {  	[tilespmem:s22], [sflag:$0x2] =	stream.indirect_vreg.gather [hbm4b:s5+s3], $0x80, v3, vm0, $0xb8;
	[tilespmem:$0x10080] =	vst v63  }
0x57: {  	s22 =	simm.s32 $0xB880  }
0x58: {  	[tilespmem:s22], [sflag:$0x2] =	stream.indirect_vreg.gather [hbm4b:s6+s3], $0x80, v3, vm0, $0xb8;
	[tilespmem:$0x10080] =	vst v63  }
0x59: {  	v3 =	vld [tilespmem:$0x30];
	_ =	sdelay $0x4  }
0x5a: {  	v59 =	vshll.u32 v3, $0x3  }
0x5b: {  	v3 =	vand.u32 $0x7, v3;
	v4 =	vand.u32 $0xFFFFFFC0, v59  }
0x5c: {  	v3 =	vor.u32 v3, v4  }
0x5d: {  	v4 =	vperm.xlane v3, v0;
	_ =	sdelay $0x1  }
0x5e: {  	v4 =	vadd.s32 v1, v4;
	_ =	sdelay $0x3  }
0x5f: {  	s22 =	simm.s32 $0xC080  }
0x60: {  	[tilespmem:s22], [sflag:$0x2] =	stream.indirect_vreg.gather [hbm4b:s2+s3], $0x80, v4, vm0, $0xb8;
	[tilespmem:$0x10080] =	vst v63  }
0x61: {  	v3 =	vperm.xlane v3, v2;
	s22 =	simm.s32 $0xC880  }
0x62: {  	[tilespmem:s22], [sflag:$0x2] =	stream.indirect_vreg.gather [hbm4b:s4+s3], $0x80, v4, vm0, $0xb8;
	[tilespmem:$0x10080] =	vst v63  }
0x63: {  	v3 =	vadd.s32 v1, v3;
	s22 =	simm.s32 $0xD080  }
0x64: {  	[tilespmem:s22], [sflag:$0x2] =	stream.indirect_vreg.gather [hbm4b:s5+s3], $0x80, v4, vm0, $0xb8;
	[tilespmem:$0x10080] =	vst v63  }
0x65: {  	s22 =	simm.s32 $0xD880  }
0x66: {  	[tilespmem:s22], [sflag:$0x2] =	stream.indirect_vreg.gather [hbm4b:s6+s3], $0x80, v4, vm0, $0xb8;
	[tilespmem:$0x10080] =	vst v63  }
0x67: {  	s22 =	simm.s32 $0xE080  }
0x68: {  	[tilespmem:s22], [sflag:$0x2] =	stream.indirect_vreg.gather [hbm4b:s2+s3], $0x80, v3, vm0, $0xb8;
	[tilespmem:$0x10080] =	vst v63  }
0x69: {  	s22 =	simm.s32 $0xE880  }
0x6a: {  	[tilespmem:s22], [sflag:$0x2] =	stream.indirect_vreg.gather [hbm4b:s4+s3], $0x80, v3, vm0, $0xb8;
	[tilespmem:$0x10080] =	vst v63  }
0x6b: {  	s22 =	simm.s32 $0xF080  }
0x6c: {  	[tilespmem:s22], [sflag:$0x2] =	stream.indirect_vreg.gather [hbm4b:s5+s3], $0x80, v3, vm0, $0xb8;
	[tilespmem:$0x10080] =	vst v63  }
0x6d: {  	s22 =	simm.s32 $0xF880  }
0x6e: {  	[tilespmem:s22], [sflag:$0x2] =	stream.indirect_vreg.gather [hbm4b:s6+s3], $0x80, v3, vm0, $0xb8;
	[tilespmem:$0x10080] =	vst v63  }
0x6f: {  	_ =	swait.ge [sflag:s8], $0x8000  }
0x70: {  	[sflag:s8] =	ssyncset.done $0x0  }
0x71: {  	s22 =	rddreg [dreg:$0x4];
	[sflag:s8] =	ssyncadd.s32 $0xFFFF8000  }
0x72: {  	[hbm4b:s22+s3] =	stream.linear.scatter [tilespmem:s25], [sflag:$0x3], $0x8000, $0x38;
	[tilespmem:$0x10080] =	vst v63  }
0x73: {  	_ =	swait.ge [sflag:s19], $0x8000  }
0x74: {  	[sflag:s19] =	ssyncset.done $0x0  }
0x75: {  	[sflag:s19] =	ssyncadd.s32 $0xFFFF8000  }
0x76: {  	v3 =	vld [tilespmem:$0x40];
	_ =	sdelay $0x4  }
0x77: {  	v60 =	vshll.u32 v3, $0x3  }
0x78: {  	v3 =	vand.u32 $0x7, v3;
	v4 =	vand.u32 $0xFFFFFFC0, v60  }
0x79: {  	v3 =	vor.u32 v3, v4  }
0x7a: {  	v4 =	vperm.xlane v3, v0;
	_ =	sdelay $0x1  }
0x7b: {  	v4 =	vadd.s32 v1, v4;
	_ =	sdelay $0x4  }
0x7c: {  	[tilespmem:s25], [sflag:$0x1] =	stream.indirect_vreg.gather [hbm4b:s2+s3], $0x80, v4, vm0, $0xb8;
	[tilespmem:$0x10080] =	vst v63  }
0x7d: {  	v3 =	vperm.xlane v3, v2  }
0x7e: {  	[tilespmem:s23], [sflag:$0x1] =	stream.indirect_vreg.gather [hbm4b:s4+s3], $0x80, v4, vm0, $0xb8;
	[tilespmem:$0x10080] =	vst v63  }
0x7f: {  	v3 =	vadd.s32 v1, v3  }
0x80: {  	[tilespmem:s24], [sflag:$0x1] =	stream.indirect_vreg.gather [hbm4b:s5+s3], $0x80, v4, vm0, $0xb8;
	[tilespmem:$0x10080] =	vst v63  }
0x81: {  	_ = 	snop  }
0x82: {  	[tilespmem:s26], [sflag:$0x1] =	stream.indirect_vreg.gather [hbm4b:s6+s3], $0x80, v4, vm0, $0xb8;
	[tilespmem:$0x10080] =	vst v63  }
0x83: {  	_ = 	snop  }
0x84: {  	[tilespmem:s28], [sflag:$0x1] =	stream.indirect_vreg.gather [hbm4b:s2+s3], $0x80, v3, vm0, $0xb8;
	[tilespmem:$0x10080] =	vst v63  }
0x85: {  	_ = 	snop  }
0x86: {  	[tilespmem:s29], [sflag:$0x1] =	stream.indirect_vreg.gather [hbm4b:s4+s3], $0x80, v3, vm0, $0xb8;
	[tilespmem:$0x10080] =	vst v63  }
0x87: {  	_ = 	snop  }
0x88: {  	[tilespmem:s30], [sflag:$0x1] =	stream.indirect_vreg.gather [hbm4b:s5+s3], $0x80, v3, vm0, $0xb8;
	[tilespmem:$0x10080] =	vst v63  }
0x89: {  	_ = 	snop  }
0x8a: {  	[tilespmem:s31], [sflag:$0x1] =	stream.indirect_vreg.gather [hbm4b:s6+s3], $0x80, v3, vm0, $0xb8;
	[tilespmem:$0x10080] =	vst v63  }
0x8b: {  	v3 =	vld [tilespmem:$0x50];
	_ =	sdelay $0x4  }
0x8c: {  	v61 =	vshll.u32 v3, $0x3  }
0x8d: {  	v3 =	vand.u32 $0x7, v3;
	v4 =	vand.u32 $0xFFFFFFC0, v61  }
0x8e: {  	v3 =	vor.u32 v3, v4  }
0x8f: {  	v4 =	vperm.xlane v3, v0;
	_ =	sdelay $0x1  }
0x90: {  	v4 =	vadd.s32 v1, v4;
	_ =	sdelay $0x4  }
0x91: {  	[tilespmem:s0], [sflag:$0x1] =	stream.indirect_vreg.gather [hbm4b:s2+s3], $0x80, v4, vm0, $0xb8;
	[tilespmem:$0x10080] =	vst v63  }
0x92: {  	v3 =	vperm.xlane v3, v2  }
0x93: {  	[tilespmem:s1], [sflag:$0x1] =	stream.indirect_vreg.gather [hbm4b:s4+s3], $0x80, v4, vm0, $0xb8;
	[tilespmem:$0x10080] =	vst v63  }
0x94: {  	v3 =	vadd.s32 v1, v3  }
0x95: {  	[tilespmem:s10], [sflag:$0x1] =	stream.indirect_vreg.gather [hbm4b:s5+s3], $0x80, v4, vm0, $0xb8;
	[tilespmem:$0x10080] =	vst v63  }
0x96: {  	_ = 	snop  }
0x97: {  	[tilespmem:s11], [sflag:$0x1] =	stream.indirect_vreg.gather [hbm4b:s6+s3], $0x80, v4, vm0, $0xb8;
	[tilespmem:$0x10080] =	vst v63  }
0x98: {  	_ = 	snop  }
0x99: {  	[tilespmem:s12], [sflag:$0x1] =	stream.indirect_vreg.gather [hbm4b:s2+s3], $0x80, v3, vm0, $0xb8;
	[tilespmem:$0x10080] =	vst v63  }
0x9a: {  	_ = 	snop  }
0x9b: {  	[tilespmem:s13], [sflag:$0x1] =	stream.indirect_vreg.gather [hbm4b:s4+s3], $0x80, v3, vm0, $0xb8;
	[tilespmem:$0x10080] =	vst v63  }
0x9c: {  	_ = 	snop  }
0x9d: {  	[tilespmem:s14], [sflag:$0x1] =	stream.indirect_vreg.gather [hbm4b:s5+s3], $0x80, v3, vm0, $0xb8;
	[tilespmem:$0x10080] =	vst v63  }
0x9e: {  	_ = 	snop  }
0x9f: {  	[tilespmem:s15], [sflag:$0x1] =	stream.indirect_vreg.gather [hbm4b:s6+s3], $0x80, v3, vm0, $0xb8;
	[tilespmem:$0x10080] =	vst v63  }
0xa0: {  	_ =	swait.ge [sflag:s20], $0x8000  }
0xa1: {  	[sflag:s20] =	ssyncset.done $0x0  }
0xa2: {  	s0 =	rddreg [dreg:$0x5];
	[sflag:s20] =	ssyncadd.s32 $0xFFFF8000  }
0xa3: {  	[hbm4b:s0+s3] =	stream.linear.scatter [tilespmem:s18], [sflag:$0x4], $0x8000, $0x38;
	[tilespmem:$0x10080] =	vst v63  }
0xa4: {  	_ =	swait.ge [sflag:s21], $0x8000  }
0xa5: {  	[sflag:s21] =	ssyncset.done $0x0  }
0xa6: {  	[sflag:s21] =	ssyncadd.s32 $0xFFFF8000  }
0xa7: {  	v3 =	vld [tilespmem:$0x60];
	_ =	sdelay $0x4  }
0xa8: {  	v62 =	vshll.u32 v3, $0x3  }
0xa9: {  	v3 =	vand.u32 $0x7, v3;
	v4 =	vand.u32 $0xFFFFFFC0, v62  }
0xaa: {  	v3 =	vor.u32 v3, v4  }
0xab: {  	v4 =	vperm.xlane v3, v0;
	_ =	sdelay $0x1  }
0xac: {  	v4 =	vadd.s32 v1, v4;
	_ =	sdelay $0x4  }
0xad: {  	[tilespmem:s18], [sflag:$0x2] =	stream.indirect_vreg.gather [hbm4b:s2+s3], $0x80, v4, vm0, $0xb8;
	[tilespmem:$0x10080] =	vst v63  }
0xae: {  	v3 =	vperm.xlane v3, v2  }
0xaf: {  	[tilespmem:s16], [sflag:$0x2] =	stream.indirect_vreg.gather [hbm4b:s4+s3], $0x80, v4, vm0, $0xb8;
	[tilespmem:$0x10080] =	vst v63  }
0xb0: {  	v3 =	vadd.s32 v1, v3  }
0xb1: {  	[tilespmem:s17], [sflag:$0x2] =	stream.indirect_vreg.gather [hbm4b:s5+s3], $0x80, v4, vm0, $0xb8;
	[tilespmem:$0x10080] =	vst v63  }
0xb2: {  	s22 =	simm.s32 $0x9880  }
0xb3: {  	[tilespmem:s22], [sflag:$0x2] =	stream.indirect_vreg.gather [hbm4b:s6+s3], $0x80, v4, vm0, $0xb8;
	[tilespmem:$0x10080] =	vst v63  }
0xb4: {  	_ = 	snop  }
0xb5: {  	[tilespmem:s9], [sflag:$0x2] =	stream.indirect_vreg.gather [hbm4b:s2+s3], $0x80, v3, vm0, $0xb8;
	[tilespmem:$0x10080] =	vst v63  }
0xb6: {  	s22 =	simm.s32 $0xA880  }
0xb7: {  	[tilespmem:s22], [sflag:$0x2] =	stream.indirect_vreg.gather [hbm4b:s4+s3], $0x80, v3, vm0, $0xb8;
	[tilespmem:$0x10080] =	vst v63  }
0xb8: {  	s9 =	simm.s32 $0xB080  }
0xb9: {  	[tilespmem:s9], [sflag:$0x2] =	stream.indirect_vreg.gather [hbm4b:s5+s3], $0x80, v3, vm0, $0xb8;
	[tilespmem:$0x10080] =	vst v63  }
0xba: {  	s22 =	simm.s32 $0xB880  }
0xbb: {  	[tilespmem:s22], [sflag:$0x2] =	stream.indirect_vreg.gather [hbm4b:s6+s3], $0x80, v3, vm0, $0xb8;
	[tilespmem:$0x10080] =	vst v63  }
0xbc: {  	v3 =	vld [tilespmem:$0x70];
	_ =	sdelay $0x4  }
0xbd: {  	v63 =	vshll.u32 v3, $0x3  }
0xbe: {  	v3 =	vand.u32 $0x7, v3;
	v4 =	vand.u32 $0xFFFFFFC0, v63  }
0xbf: {  	v3 =	vor.u32 v3, v4  }
0xc0: {  	v4 =	vperm.xlane v3, v0;
	_ =	sdelay $0x1  }
0xc1: {  	v4 =	vadd.s32 v1, v4;
	_ =	sdelay $0x3  }
0xc2: {  	s9 =	simm.s32 $0xC080  }
0xc3: {  	[tilespmem:s9], [sflag:$0x2] =	stream.indirect_vreg.gather [hbm4b:s2+s3], $0x80, v4, vm0, $0xb8;
	[tilespmem:$0x10080] =	vst v63  }
0xc4: {  	s22 =	simm.s32 $0xC880;
	v3 =	vperm.xlane v3, v2  }
0xc5: {  	[tilespmem:s22], [sflag:$0x2] =	stream.indirect_vreg.gather [hbm4b:s4+s3], $0x80, v4, vm0, $0xb8;
	[tilespmem:$0x10080] =	vst v63  }
0xc6: {  	v3 =	vadd.s32 v1, v3;
	s9 =	simm.s32 $0xD080  }
0xc7: {  	[tilespmem:s9], [sflag:$0x2] =	stream.indirect_vreg.gather [hbm4b:s5+s3], $0x80, v4, vm0, $0xb8;
	[tilespmem:$0x10080] =	vst v63  }
0xc8: {  	s22 =	simm.s32 $0xD880  }
0xc9: {  	[tilespmem:s22], [sflag:$0x2] =	stream.indirect_vreg.gather [hbm4b:s6+s3], $0x80, v4, vm0, $0xb8;
	[tilespmem:$0x10080] =	vst v63  }
0xca: {  	s9 =	simm.s32 $0xE080  }
0xcb: {  	[tilespmem:s9], [sflag:$0x2] =	stream.indirect_vreg.gather [hbm4b:s2+s3], $0x80, v3, vm0, $0xb8;
	[tilespmem:$0x10080] =	vst v63  }
0xcc: {  	s22 =	simm.s32 $0xE880  }
0xcd: {  	[tilespmem:s22], [sflag:$0x2] =	stream.indirect_vreg.gather [hbm4b:s4+s3], $0x80, v3, vm0, $0xb8;
	[tilespmem:$0x10080] =	vst v63  }
0xce: {  	s9 =	simm.s32 $0xF080  }
0xcf: {  	[tilespmem:s9], [sflag:$0x2] =	stream.indirect_vreg.gather [hbm4b:s5+s3], $0x80, v3, vm0, $0xb8;
	[tilespmem:$0x10080] =	vst v63  }
0xd0: {  	s22 =	simm.s32 $0xF880  }
0xd1: {  	[tilespmem:s22], [sflag:$0x2] =	stream.indirect_vreg.gather [hbm4b:s6+s3], $0x80, v3, vm0, $0xb8;
	[tilespmem:$0x10080] =	vst v63  }
0xd2: {  	_ =	swait.ge [sflag:s8], $0x8000  }
0xd3: {  	[sflag:s8] =	ssyncset.done $0x0  }
0xd4: {  	s0 =	rddreg [dreg:$0x6];
	[sflag:s8] =	ssyncadd.s32 $0xFFFF8000  }
0xd5: {  	[hbm4b:s0+s3] =	stream.linear.scatter [tilespmem:s25], [sflag:$0x3], $0x8000, $0x38;
	[tilespmem:$0x10080] =	vst v63  }
0xd6: {  	_ =	swait.ge [sflag:s20], $0x8000  }
0xd7: {  	[sflag:s20] =	ssyncset.done $0x0  }
0xd8: {  	s9 =	rddreg [dreg:$0x7];
	[sflag:s20] =	ssyncadd.s32 $0xFFFF8000  }
0xd9: {  	[hbm4b:s9+s3] =	stream.linear.scatter [tilespmem:s18], [sflag:$0x4], $0x8000, $0x38;
	[tilespmem:$0x10080] =	vst v63  }
0xda: {  	p0 =	sne.s32 s7, $0x1;
	_ =	swait.ge [sflag:s19], $0x8000  }
.Ltmp0:
0xdb: {  	[sflag:s19] =	ssyncset.done $0x0;
	(pc) =	sbr.rel @p0 .LBB2_1-.Ltmp0, $4  }
0xdc: {  	[sflag:s19] =	ssyncadd.s32 $0xFFFF8000  }
0xdd: {  	_ =	swait.ge [sflag:s21], $0x8000  }
0xde: {  	[sflag:s21] =	ssyncset.done $0x0  }
0xdf: {  	s7 =	sadd.s32 $0xFFFFFFFF, s7;
	[sflag:s21] =	ssyncadd.s32 $0xFFFF8000  }
0xe0: {  	_ =	sfence.sel $0x180000  }
0xe1: {  	[bflag:$0x0] =	sbarrier.arrive $0xFFFF  }
0xe2: {  	_ =	strace $0x90000050  }
0xe3: {  	s0 =	stileid.u32;
	[bflag:$0x2] =	sbarrier.arrive $0xFFFF  }
0xe4: {  	p0 =	sne.s32 s0, $0x0;
	s0 =	rddreg [dreg:$0x2]  }
0xe5: {  	s0 =	sadd.s32 @!p0 $0x100000, s0  }
0xe6: {  	[sflag:s0] =	ssyncadd.tile.s32 @!p0 $0x1;
	_ =	shalt  }
.Lfunc_end2:
_tile_overlayer_lowered:
.L_overlay_start_2:
0xe7: {  	(tag) =	ssettag $0x2  }
0xe8: {  	s0 =	rddreg [dreg:$0x0];
	s2 =	stileid.u32  }
0xe9: {  	s1 =	rddreg [dreg:$0x1];
	p0 =	sne.s32 s2, $0x0  }
0xea: {  	s3 =	rddreg [dreg:$0x2];
	[bflag:$0x3] =	sbarrier.arrive $0xFFFF;
	s2 =	simm.s32 @!p0 $0x1C05  }
0xeb: {  	[timem:s3], [sflag:s2] =	dma.local @!p0 [hbm:s0], s1  }
0xec: {  	s0 =	simm.s32 @!p0 $0x5  }
0xed: {  	_ =	swait.ge @!p0 [sflag:s0], s1  }
0xee: {  	s1 =	ssub.s32 @!p0 $0x0, s1;
	[sflag:s0] =	ssyncset.done @!p0 $0x0  }
0xef: {  	[sflag:s0] =	ssyncadd.s32 @!p0 s1  }
0xf0: {  	[bflag:$0x3] =	sbarrier.arrive $0xFFFF  }
0xf1: {  	_ =	shalt  }

</sc_bundles>
